<compile_context>
chip_gen: v7x
topology: tpu7x:2x2x1
jax: 0.10.2.dev20260603
libtpu: 0.0.44.dev20260713+nightly
codegen_flags: <defaults>
</compile_context>

<pallas_src>
import functools

import jax
import jax.numpy as jnp
from jax import lax
from jax.experimental import pallas as pl
from jax.experimental.pallas import tpu as pltpu
from jax.experimental.pallas import tpu_sc as plsc

LANES = 16
PANEL = 128


def _make_vegas_kernel(n, d, ninc, num_workers, block_panels):
    npanel = n // PANEL
    per_w = npanel // num_workers
    nblk = per_w // block_panels
    assert nblk % 2 == 0
    block_samples = block_panels * PANEL
    groups = block_panels * (PANEL // LANES)
    stride = 1024
    tbl_sz = d * stride
    ninc_f = float(ninc)
    jac_scale = float(ninc) ** d

    mesh = plsc.VectorSubcoreMesh(core_axis_name="c", subcore_axis_name="s")

    @functools.partial(
        pl.kernel,
        mesh=mesh,
        compiler_params=pltpu.CompilerParams(needs_layout_passes=False),
        out_type=(
            jax.ShapeDtypeStruct((npanel, d, PANEL), jnp.float32),
            jax.ShapeDtypeStruct((n,), jnp.float32),
        ),
        scratch_types=[
            pltpu.VMEM((2 * tbl_sz,), jnp.float32),
            pltpu.VMEM((block_panels, d, PANEL), jnp.float32),
            pltpu.VMEM((block_panels, d, PANEL), jnp.float32),
            pltpu.VMEM((block_panels, d, PANEL), jnp.float32),
            pltpu.VMEM((block_panels, d, PANEL), jnp.float32),
            pltpu.VMEM((block_samples,), jnp.float32),
            pltpu.VMEM((block_samples,), jnp.float32),
            pltpu.SemaphoreType.DMA,
            pltpu.SemaphoreType.DMA,
            pltpu.SemaphoreType.DMA,
            pltpu.SemaphoreType.DMA,
        ],
    )
    def vegas(
        y_h, tbl_h, x_h, jac_h,
        tbl_v, y0, y1, x0, x1, j0, j1, in0, in1, out0, out1,
    ):
        wid = lax.axis_index("s") * 2 + lax.axis_index("c")
        pltpu.sync_copy(tbl_h, tbl_v)
        base = wid * per_w

        def y_slice(b):
            return y_h.at[pl.ds(base + b * block_panels, block_panels)]

        def x_slice(b):
            return x_h.at[pl.ds(base + b * block_panels, block_panels)]

        def jac_slice(b):
            return jac_h.at[pl.ds((base + b * block_panels) * PANEL, block_samples)]

        def compute(y_v, x_v, jac_v):
            @plsc.parallel_loop(0, groups, 1, unroll=4)
            def grp_body(g):
                pi = g // (PANEL // LANES)
                s = (g % (PANEL // LANES)) * LANES
                jacv = jnp.full((LANES,), jac_scale, jnp.float32)
                for dd in range(d):
                    yv = y_v[pi, dd, pl.ds(s, LANES)]
                    t = yv * ninc_f
                    iy = t.astype(jnp.int32)
                    dy = t - iy.astype(jnp.float32)
                    g0 = plsc.load_gather(tbl_v.at[pl.ds(dd * stride, stride)], [iy])
                    ig = plsc.load_gather(
                        tbl_v.at[pl.ds(tbl_sz + dd * stride, stride)], [iy]
                    )
                    x_v[pi, dd, pl.ds(s, LANES)] = g0 + ig * dy
                    jacv = jacv * ig
                jac_v[pl.ds(g * LANES, LANES)] = jacv

        def step(b, ybuf, xbuf, jbuf, isem, osem, first, last):
            pltpu.make_async_copy(y_slice(b), ybuf, isem).wait()
            @pl.when(jnp.logical_not(first))
            def _():
                pltpu.make_async_copy(xbuf, x_slice(b - 2), osem).wait()
                pltpu.make_async_copy(jbuf, jac_slice(b - 2), osem).wait()
            compute(ybuf, xbuf, jbuf)
            @pl.when(jnp.logical_not(last))
            def _():
                pltpu.async_copy(y_slice(b + 2), ybuf, isem)
            pltpu.async_copy(xbuf, x_slice(b), osem)
            pltpu.async_copy(jbuf, jac_slice(b), osem)

        pltpu.async_copy(y_slice(0), y0, in0)
        pltpu.async_copy(y_slice(1), y1, in1)

        def blk_body(k, carry):
            b = k * 2
            step(b, y0, x0, j0, in0, out0, k == 0, k == nblk // 2 - 1)
            step(b + 1, y1, x1, j1, in1, out1, k == 0, k == nblk // 2 - 1)
            return carry

        lax.fori_loop(0, nblk // 2, blk_body, 0, unroll=False)
        for b in (nblk - 2, nblk - 1):
            ybuf, xbuf, jbuf, osem = (y0, x0, j0, out0) if b % 2 == 0 else (y1, x1, j1, out1)
            pltpu.make_async_copy(xbuf, x_slice(b), osem).wait()
            pltpu.make_async_copy(jbuf, jac_slice(b), osem).wait()

    return vegas


def kernel(y, grid, inc):
    n, d = y.shape
    ninc = inc.shape[1]
    y_p = y.reshape(n // PANEL, PANEL, d).transpose(0, 2, 1)
    tbl = jnp.concatenate(
        [
            jnp.pad(grid, ((0, 0), (0, 1024 - (ninc + 1)))),
            jnp.pad(inc, ((0, 0), (0, 1024 - ninc))),
        ]
    ).reshape(-1)
    fn = _make_vegas_kernel(n, d, ninc, num_workers=32, block_panels=16)
    x_p, jac = fn(y_p, tbl)
    x = x_p.transpose(0, 2, 1).reshape(n, d)
    return x, jac

# --- scband reference (transcript-rebuilt; emitter-appended) ---
"""Pipeline reference for scband-vegas-map-17076789969476 (READ-ONLY COPY).

The authoritative reference and input builder live on the scoring server;
editing this copy changes nothing except your own understanding.
"""

import jax, jax.numpy as jnp
import numpy as np

N = 1048576
D = 8
NINC = 1000


def setup_inputs(seed: int = 0) -> dict:
    key = jax.random.key(seed)
    k1, k2 = jax.random.split(key)
    y = jax.random.uniform(k1, (N, D), dtype=jnp.float32)
    # Learned VEGAS map buffers: per-dim increments (positive, sum to 1) and cumulative grid.
    raw = jax.random.uniform(k2, (D, NINC), dtype=jnp.float32) + 0.5
    inc = raw / jnp.sum(raw, axis=1, keepdims=True)
    grid = jnp.concatenate([jnp.zeros((D, 1), dtype=jnp.float32), jnp.cumsum(inc, axis=1)], axis=1)  # [D, NINC+1]
    return {"y": y, "grid": grid, "inc": inc}


def reference(y, grid, inc):
    # Faithful translation of VegasMap.forward: piecewise-linear map y in [0,1]^D -> x, with Jacobian.
    ninc = inc.shape[1]
    y_ninc = y * ninc                      # [N, D]
    iy = jnp.floor(y_ninc).astype(jnp.int32)
    dy_ninc = y_ninc - iy.astype(y.dtype)
    mask = iy < ninc                       # [N, D]; False only when y == 1.0 exactly
    iy_c = jnp.clip(iy, 0, ninc - 1)
    # g[n, d] = grid[d, iy[n, d]]  (gather per dimension)
    g = jnp.take_along_axis(grid.T, iy_c, axis=0)     # [N, D]
    inc_g = jnp.take_along_axis(inc.T, iy_c, axis=0)  # [N, D]
    x_in = g + inc_g * dy_ninc
    x_edge = grid[:, ninc]                 # [D]
    x = jnp.where(mask, x_in, x_edge[None, :])
    jac_in = inc_g * ninc
    jac_edge = inc[:, ninc - 1] * ninc     # [D]
    jac_factors = jnp.where(mask, jac_in, jac_edge[None, :])
    jac = jnp.prod(jac_factors, axis=1)    # [N]
    return (x, jac)

if __name__ == "__main__":
    import jax
    _d = setup_inputs()
    print(jax.jit(kernel)(*tuple(_d.values())))

</pallas_src>

<mosaic_0001>
#map = affine_map<(d0, d1) -> (0, 0, 0)>
#map1 = affine_map<(d0, d1) -> (0)>
module attributes {stable_mosaic.version = 14 : i64} {
  func.func @vegas(%arg0: i32, %arg1: i32, %arg2: memref<8192x8x128xf32, #tpu.memory_space<hbm>>, %arg3: memref<16384xf32, #tpu.memory_space<hbm>>, %arg4: memref<8192x8x128xf32, #tpu.memory_space<hbm>>, %arg5: memref<1048576xf32, #tpu.memory_space<hbm>>, %arg6: memref<16384xf32, #tpu.memory_space<vmem>>, %arg7: memref<16x8x128xf32, #tpu.memory_space<vmem>>, %arg8: memref<16x8x128xf32, #tpu.memory_space<vmem>>, %arg9: memref<16x8x128xf32, #tpu.memory_space<vmem>>, %arg10: memref<16x8x128xf32, #tpu.memory_space<vmem>>, %arg11: memref<2048xf32, #tpu.memory_space<vmem>>, %arg12: memref<2048xf32, #tpu.memory_space<vmem>>, %arg13: memref<!tpu.dma_semaphore, #tpu.memory_space<semaphore_mem>>, %arg14: memref<!tpu.dma_semaphore, #tpu.memory_space<semaphore_mem>>, %arg15: memref<!tpu.dma_semaphore, #tpu.memory_space<semaphore_mem>>, %arg16: memref<!tpu.dma_semaphore, #tpu.memory_space<semaphore_mem>>) attributes {dimension_semantics = [#tpu.dimension_semantics<core_parallel>, #tpu.dimension_semantics<subcore_parallel>], iteration_bounds = array<i64: 2, 16>, scalar_prefetch = 0 : i64, scratch_operands = 11 : i64, tpu.core_type = #tpu.core_type<sc_vector_subcore>, window_params = [{transform_indices = #map}, {transform_indices = #map1}, {transform_indices = #map}, {transform_indices = #map1}]} {
    %mul3A = arith.constant 2 : i32
    %mul3A_0 = arith.muli %arg1, %mul3A : i32
    %add3A = arith.addi %mul3A_0, %arg0 : i32
    "tpu.region"() ({
      %run_scoped3A = tpu.sem_alloc : memref<!tpu.dma_semaphore, #tpu.memory_space<semaphore_mem>>
      tpu.enqueue_dma source(%arg3 : memref<16384xf32, #tpu.memory_space<hbm>>) target(%arg6 : memref<16384xf32, #tpu.memory_space<vmem>>) target_semaphore(%run_scoped3A : memref<!tpu.dma_semaphore, #tpu.memory_space<semaphore_mem>>)
      tpu.wait_dma2 semaphore(%run_scoped3A : memref<!tpu.dma_semaphore, #tpu.memory_space<semaphore_mem>>) src(%arg3 : memref<16384xf32, #tpu.memory_space<hbm>>) dst(%arg6 : memref<16384xf32, #tpu.memory_space<vmem>>)
      tpu.yield
    }) : () -> ()
    %mul3A_1 = arith.constant 256 : i32
    %mul3A_2 = arith.muli %add3A, %mul3A_1 : i32
    %add3A_3 = arith.constant 0 : i32
    %add3A_4 = arith.addi %mul3A_2, %add3A_3 : i32
    %dma_start3A = arith.constant 0 : i32
    %dma_start3A_5 = arith.constant 0 : i32
    %dma_start3A_6 = tpu.memref_slice %arg2[%add3A_4, %dma_start3A, %dma_start3A_5] : memref<8192x8x128xf32, #tpu.memory_space<hbm>> -> memref<16x8x128xf32, #tpu.memory_space<hbm>>
    %dma_start3A_7 = arith.constant 0 : i32
    %dma_start3A_8 = arith.constant 0 : i32
    %dma_start3A_9 = tpu.memref_slice %arg2[%add3A_4, %dma_start3A_7, %dma_start3A_8] : memref<8192x8x128xf32, #tpu.memory_space<hbm>> -> memref<16x8x128xf32, #tpu.memory_space<hbm>>
    tpu.enqueue_dma source(%dma_start3A_9 : memref<16x8x128xf32, #tpu.memory_space<hbm>>) target(%arg7 : memref<16x8x128xf32, #tpu.memory_space<vmem>>) target_semaphore(%arg13 : memref<!tpu.dma_semaphore, #tpu.memory_space<semaphore_mem>>)
    %add3A_10 = arith.constant 16 : i32
    %add3A_11 = arith.addi %mul3A_2, %add3A_10 : i32
    %dma_start3A_12 = arith.constant 0 : i32
    %dma_start3A_13 = arith.constant 0 : i32
    %dma_start3A_14 = tpu.memref_slice %arg2[%add3A_11, %dma_start3A_12, %dma_start3A_13] : memref<8192x8x128xf32, #tpu.memory_space<hbm>> -> memref<16x8x128xf32, #tpu.memory_space<hbm>>
    %dma_start3A_15 = arith.constant 0 : i32
    %dma_start3A_16 = arith.constant 0 : i32
    %dma_start3A_17 = tpu.memref_slice %arg2[%add3A_11, %dma_start3A_15, %dma_start3A_16] : memref<8192x8x128xf32, #tpu.memory_space<hbm>> -> memref<16x8x128xf32, #tpu.memory_space<hbm>>
    tpu.enqueue_dma source(%dma_start3A_17 : memref<16x8x128xf32, #tpu.memory_space<hbm>>) target(%arg8 : memref<16x8x128xf32, #tpu.memory_space<vmem>>) target_semaphore(%arg14 : memref<!tpu.dma_semaphore, #tpu.memory_space<semaphore_mem>>)
    %scan3A = arith.constant 0 : i32
    %scan3A_18 = arith.constant 0 : i32
    %scan3A_19 = arith.constant 8 : i32
    %scan3A_20 = arith.addi %scan3A_18, %scan3A_19 : i32
    %scan3A_21 = arith.constant 1 : i32
    scf.for %scan3A_50 = %scan3A_18 to %scan3A_20 step %scan3A_21  : i32 {
      %mul3A_51 = arith.constant 2 : i32
      %mul3A_52 = arith.muli %scan3A_50, %mul3A_51 : i32
      %eq3A = arith.constant 0 : i32
      %eq3A_53 = arith.cmpi eq, %scan3A_50, %eq3A : i32
      %eq3A_54 = arith.constant 7 : i32
      %eq3A_55 = arith.cmpi eq, %scan3A_50, %eq3A_54 : i32
      %mul3A_56 = arith.constant 16 : i32
      %mul3A_57 = arith.muli %mul3A_52, %mul3A_56 : i32
      %add3A_58 = arith.addi %mul3A_2, %mul3A_57 : i32
      %dma_wait3A_59 = arith.constant 0 : i32
      %dma_wait3A_60 = arith.constant 0 : i32
      %dma_wait3A_61 = tpu.memref_slice %arg2[%add3A_58, %dma_wait3A_59, %dma_wait3A_60] : memref<8192x8x128xf32, #tpu.memory_space<hbm>> -> memref<16x8x128xf32, #tpu.memory_space<hbm>>
      %dma_wait3A_62 = arith.constant 0 : i32
      %dma_wait3A_63 = arith.constant 0 : i32
      %dma_wait3A_64 = tpu.memref_slice %arg2[%add3A_58, %dma_wait3A_62, %dma_wait3A_63] : memref<8192x8x128xf32, #tpu.memory_space<hbm>> -> memref<16x8x128xf32, #tpu.memory_space<hbm>>
      tpu.wait_dma2 semaphore(%arg13 : memref<!tpu.dma_semaphore, #tpu.memory_space<semaphore_mem>>) src(%dma_wait3A_64 : memref<16x8x128xf32, #tpu.memory_space<hbm>>) dst(%arg7 : memref<16x8x128xf32, #tpu.memory_space<vmem>>)
      %not3A = arith.constant true
      %not3A_65 = arith.xori %eq3A_53, %not3A : i1
      %convert_element_type3A = arith.extui %not3A_65 : i1 to i32
      %cond3A = arith.constant 0 : i32
      %cond3A_66 = arith.cmpi ne, %convert_element_type3A, %cond3A : i32
      scf.if %cond3A_66 {
        %sub3A = arith.constant 2 : i32
        %sub3A_134 = arith.subi %mul3A_52, %sub3A : i32
        %mul3A_135 = arith.constant 16 : i32
        %mul3A_136 = arith.muli %sub3A_134, %mul3A_135 : i32
        %add3A_137 = arith.addi %mul3A_2, %mul3A_136 : i32
        %dma_wait3A_138 = arith.constant 0 : i32
        %dma_wait3A_139 = arith.constant 0 : i32
        %dma_wait3A_140 = tpu.memref_slice %arg4[%add3A_137, %dma_wait3A_138, %dma_wait3A_139] : memref<8192x8x128xf32, #tpu.memory_space<hbm>> -> memref<16x8x128xf32, #tpu.memory_space<hbm>>
        %dma_wait3A_141 = arith.constant 0 : i32
        %dma_wait3A_142 = arith.constant 0 : i32
        %dma_wait3A_143 = tpu.memref_slice %arg4[%add3A_137, %dma_wait3A_141, %dma_wait3A_142] : memref<8192x8x128xf32, #tpu.memory_space<hbm>> -> memref<16x8x128xf32, #tpu.memory_space<hbm>>
        tpu.wait_dma2 semaphore(%arg15 : memref<!tpu.dma_semaphore, #tpu.memory_space<semaphore_mem>>) src(%arg9 : memref<16x8x128xf32, #tpu.memory_space<vmem>>) dst(%dma_wait3A_143 : memref<16x8x128xf32, #tpu.memory_space<hbm>>)
        %sub3A_144 = arith.constant 2 : i32
        %sub3A_145 = arith.subi %mul3A_52, %sub3A_144 : i32
        %mul3A_146 = arith.constant 16 : i32
        %mul3A_147 = arith.muli %sub3A_145, %mul3A_146 : i32
        %add3A_148 = arith.addi %mul3A_2, %mul3A_147 : i32
        %mul3A_149 = arith.constant 128 : i32
        %mul3A_150 = arith.muli %add3A_148, %mul3A_149 : i32
        %dma_wait3A_151 = tpu.memref_slice %arg5[%mul3A_150] : memref<1048576xf32, #tpu.memory_space<hbm>> -> memref<2048xf32, #tpu.memory_space<hbm>>
        %dma_wait3A_152 = tpu.memref_slice %arg5[%mul3A_150] : memref<1048576xf32, #tpu.memory_space<hbm>> -> memref<2048xf32, #tpu.memory_space<hbm>>
        tpu.wait_dma2 semaphore(%arg15 : memref<!tpu.dma_semaphore, #tpu.memory_space<semaphore_mem>>) src(%arg11 : memref<2048xf32, #tpu.memory_space<vmem>>) dst(%dma_wait3A_152 : memref<2048xf32, #tpu.memory_space<hbm>>)
      } else {
      }
      %parallel_loop3A = arith.constant 0 : i32
      %parallel_loop3A_67 = arith.constant 128 : i32
      %parallel_loop3A_68 = arith.constant 1 : i32
      scf.for %parallel_loop3A_134 = %parallel_loop3A to %parallel_loop3A_67 step %parallel_loop3A_68  : i32 {
        %parallel_loop3A_135 = arith.constant 8 : i32
        %parallel_loop3A_136 = arith.divsi %parallel_loop3A_134, %parallel_loop3A_135 : i32
        %parallel_loop3A_137 = arith.constant 0 : i32
        %parallel_loop3A_138 = arith.cmpi sgt, %parallel_loop3A_134, %parallel_loop3A_137 : i32
        %parallel_loop3A_139 = arith.extui %parallel_loop3A_138 : i1 to i32
        %parallel_loop3A_140 = arith.constant 0 : i32
        %parallel_loop3A_141 = arith.cmpi slt, %parallel_loop3A_134, %parallel_loop3A_140 : i32
        %parallel_loop3A_142 = arith.extui %parallel_loop3A_141 : i1 to i32
        %parallel_loop3A_143 = arith.subi %parallel_loop3A_139, %parallel_loop3A_142 : i32
        %parallel_loop3A_144 = arith.constant 0 : i32
        %parallel_loop3A_145 = arith.cmpi sgt, %parallel_loop3A_135, %parallel_loop3A_144 : i32
        %parallel_loop3A_146 = arith.extui %parallel_loop3A_145 : i1 to i32
        %parallel_loop3A_147 = arith.constant 0 : i32
        %parallel_loop3A_148 = arith.cmpi slt, %parallel_loop3A_135, %parallel_loop3A_147 : i32
        %parallel_loop3A_149 = arith.extui %parallel_loop3A_148 : i1 to i32
        %parallel_loop3A_150 = arith.subi %parallel_loop3A_146, %parallel_loop3A_149 : i32
        %parallel_loop3A_151 = arith.cmpi ne, %parallel_loop3A_143, %parallel_loop3A_150 : i32
        %parallel_loop3A_152 = arith.remsi %parallel_loop3A_134, %parallel_loop3A_135 : i32
        %parallel_loop3A_153 = arith.constant 0 : i32
        %parallel_loop3A_154 = arith.cmpi ne, %parallel_loop3A_152, %parallel_loop3A_153 : i32
        %parallel_loop3A_155 = arith.andi %parallel_loop3A_151, %parallel_loop3A_154 : i1
        %parallel_loop3A_156 = arith.constant 1 : i32
        %parallel_loop3A_157 = arith.subi %parallel_loop3A_136, %parallel_loop3A_156 : i32
        %parallel_loop3A_158 = arith.select %parallel_loop3A_155, %parallel_loop3A_157, %parallel_loop3A_136 : i32
        %parallel_loop3A_159 = arith.constant 8 : i32
        %parallel_loop3A_160 = arith.constant 0 : i32
        %parallel_loop3A_161 = arith.cmpi eq, %parallel_loop3A_159, %parallel_loop3A_160 : i32
        %parallel_loop3A_162 = arith.constant 1 : i32
        %parallel_loop3A_163 = arith.select %parallel_loop3A_161, %parallel_loop3A_162, %parallel_loop3A_159 : i32
        %parallel_loop3A_164 = arith.remsi %parallel_loop3A_134, %parallel_loop3A_163 : i32
        %parallel_loop3A_165 = arith.constant 0 : i32
        %parallel_loop3A_166 = arith.cmpi ne, %parallel_loop3A_164, %parallel_loop3A_165 : i32
        %parallel_loop3A_167 = arith.constant 0 : i32
        %parallel_loop3A_168 = arith.cmpi slt, %parallel_loop3A_164, %parallel_loop3A_167 : i32
        %parallel_loop3A_169 = arith.constant 0 : i32
        %parallel_loop3A_170 = arith.cmpi slt, %parallel_loop3A_163, %parallel_loop3A_169 : i32
        %parallel_loop3A_171 = arith.xori %parallel_loop3A_168, %parallel_loop3A_170 : i1
        %parallel_loop3A_172 = arith.andi %parallel_loop3A_171, %parallel_loop3A_166 : i1
        %parallel_loop3A_173 = arith.addi %parallel_loop3A_164, %parallel_loop3A_163 : i32
        %parallel_loop3A_174 = arith.select %parallel_loop3A_172, %parallel_loop3A_173, %parallel_loop3A_164 : i32
        %parallel_loop3A_175 = arith.constant 16 : i32
        %parallel_loop3A_176 = arith.muli %parallel_loop3A_174, %parallel_loop3A_175 : i32
        %parallel_loop3A_177 = arith.constant 1.000000e+24 : f32
        %parallel_loop3A_178 = vector.broadcast %parallel_loop3A_177 : f32 to vector<16xf32>
        %parallel_loop3A_179 = arith.constant 0 : i32
        %parallel_loop3A_180 = arith.index_cast %parallel_loop3A_158 : i32 to index
        %parallel_loop3A_181 = arith.index_cast %parallel_loop3A_179 : i32 to index
        %parallel_loop3A_182 = arith.index_cast %parallel_loop3A_176 : i32 to index
        %parallel_loop3A_183 = tpu.vector_load %arg7[%parallel_loop3A_180, %parallel_loop3A_181, %parallel_loop3A_182] {strides = array<i32>} : memref<16x8x128xf32, #tpu.memory_space<vmem>>, vector<16xf32>,
        %parallel_loop3A_184 = arith.constant 1.000000e+03 : f32
        %parallel_loop3A_185 = vector.broadcast %parallel_loop3A_184 : f32 to vector<16xf32>
        %parallel_loop3A_186 = arith.mulf %parallel_loop3A_183, %parallel_loop3A_185 : vector<16xf32>
        %parallel_loop3A_187 = arith.fptosi %parallel_loop3A_186 : vector<16xf32> to vector<16xi32>
        %parallel_loop3A_188 = arith.sitofp %parallel_loop3A_187 : vector<16xi32> to vector<16xf32>
        %parallel_loop3A_189 = arith.subf %parallel_loop3A_186, %parallel_loop3A_188 : vector<16xf32>
        %parallel_loop3A_190 = arith.constant 0 : i32
        %parallel_loop3A_191 = tpu.memref_slice %arg6[%parallel_loop3A_190] : memref<16384xf32, #tpu.memory_space<vmem>> -> memref<1024xf32, #tpu.memory_space<vmem>>
        %parallel_loop3A_192 = tpu.vector_load_idx %parallel_loop3A_191[%parallel_loop3A_187] : memref<1024xf32, #tpu.memory_space<vmem>>[vector<16xi32>], vector<16xf32>,
        %parallel_loop3A_193 = arith.constant 8192 : i32
        %parallel_loop3A_194 = tpu.memref_slice %arg6[%parallel_loop3A_193] : memref<16384xf32, #tpu.memory_space<vmem>> -> memref<1024xf32, #tpu.memory_space<vmem>>
        %parallel_loop3A_195 = tpu.vector_load_idx %parallel_loop3A_194[%parallel_loop3A_187] : memref<1024xf32, #tpu.memory_space<vmem>>[vector<16xi32>], vector<16xf32>,
        %parallel_loop3A_196 = arith.mulf %parallel_loop3A_195, %parallel_loop3A_189 : vector<16xf32>
        %parallel_loop3A_197 = arith.addf %parallel_loop3A_192, %parallel_loop3A_196 : vector<16xf32>
        %parallel_loop3A_198 = arith.constant 0 : i32
        %parallel_loop3A_199 = arith.index_cast %parallel_loop3A_158 : i32 to index
        %parallel_loop3A_200 = arith.index_cast %parallel_loop3A_198 : i32 to index
        %parallel_loop3A_201 = arith.index_cast %parallel_loop3A_176 : i32 to index
        %parallel_loop3A_202 = tpu.vector_load %arg9[%parallel_loop3A_199, %parallel_loop3A_200, %parallel_loop3A_201] {strides = array<i32>} : memref<16x8x128xf32, #tpu.memory_space<vmem>>, vector<16xf32>,
        tpu.vector_store %arg9[%parallel_loop3A_199, %parallel_loop3A_200, %parallel_loop3A_201], %parallel_loop3A_197 {strides = array<i32>} : memref<16x8x128xf32, #tpu.memory_space<vmem>>, vector<16xf32>,
        %parallel_loop3A_203 = arith.mulf %parallel_loop3A_178, %parallel_loop3A_195 : vector<16xf32>
        %parallel_loop3A_204 = arith.constant 1 : i32
        %parallel_loop3A_205 = arith.index_cast %parallel_loop3A_158 : i32 to index
        %parallel_loop3A_206 = arith.index_cast %parallel_loop3A_204 : i32 to index
        %parallel_loop3A_207 = arith.index_cast %parallel_loop3A_176 : i32 to index
        %parallel_loop3A_208 = tpu.vector_load %arg7[%parallel_loop3A_205, %parallel_loop3A_206, %parallel_loop3A_207] {strides = array<i32>} : memref<16x8x128xf32, #tpu.memory_space<vmem>>, vector<16xf32>,
        %parallel_loop3A_209 = arith.constant 1.000000e+03 : f32
        %parallel_loop3A_210 = vector.broadcast %parallel_loop3A_209 : f32 to vector<16xf32>
        %parallel_loop3A_211 = arith.mulf %parallel_loop3A_208, %parallel_loop3A_210 : vector<16xf32>
        %parallel_loop3A_212 = arith.fptosi %parallel_loop3A_211 : vector<16xf32> to vector<16xi32>
        %parallel_loop3A_213 = arith.sitofp %parallel_loop3A_212 : vector<16xi32> to vector<16xf32>
        %parallel_loop3A_214 = arith.subf %parallel_loop3A_211, %parallel_loop3A_213 : vector<16xf32>
        %parallel_loop3A_215 = arith.constant 1024 : i32
        %parallel_loop3A_216 = tpu.memref_slice %arg6[%parallel_loop3A_215] : memref<16384xf32, #tpu.memory_space<vmem>> -> memref<1024xf32, #tpu.memory_space<vmem>>
        %parallel_loop3A_217 = tpu.vector_load_idx %parallel_loop3A_216[%parallel_loop3A_212] : memref<1024xf32, #tpu.memory_space<vmem>>[vector<16xi32>], vector<16xf32>,
        %parallel_loop3A_218 = arith.constant 9216 : i32
        %parallel_loop3A_219 = tpu.memref_slice %arg6[%parallel_loop3A_218] : memref<16384xf32, #tpu.memory_space<vmem>> -> memref<1024xf32, #tpu.memory_space<vmem>>
        %parallel_loop3A_220 = tpu.vector_load_idx %parallel_loop3A_219[%parallel_loop3A_212] : memref<1024xf32, #tpu.memory_space<vmem>>[vector<16xi32>], vector<16xf32>,
        %parallel_loop3A_221 = arith.mulf %parallel_loop3A_220, %parallel_loop3A_214 : vector<16xf32>
        %parallel_loop3A_222 = arith.addf %parallel_loop3A_217, %parallel_loop3A_221 : vector<16xf32>
        %parallel_loop3A_223 = arith.constant 1 : i32
        %parallel_loop3A_224 = arith.index_cast %parallel_loop3A_158 : i32 to index
        %parallel_loop3A_225 = arith.index_cast %parallel_loop3A_223 : i32 to index
        %parallel_loop3A_226 = arith.index_cast %parallel_loop3A_176 : i32 to index
        %parallel_loop3A_227 = tpu.vector_load %arg9[%parallel_loop3A_224, %parallel_loop3A_225, %parallel_loop3A_226] {strides = array<i32>} : memref<16x8x128xf32, #tpu.memory_space<vmem>>, vector<16xf32>,
        tpu.vector_store %arg9[%parallel_loop3A_224, %parallel_loop3A_225, %parallel_loop3A_226], %parallel_loop3A_222 {strides = array<i32>} : memref<16x8x128xf32, #tpu.memory_space<vmem>>, vector<16xf32>,
        %parallel_loop3A_228 = arith.mulf %parallel_loop3A_203, %parallel_loop3A_220 : vector<16xf32>
        %parallel_loop3A_229 = arith.constant 2 : i32
        %parallel_loop3A_230 = arith.index_cast %parallel_loop3A_158 : i32 to index
        %parallel_loop3A_231 = arith.index_cast %parallel_loop3A_229 : i32 to index
        %parallel_loop3A_232 = arith.index_cast %parallel_loop3A_176 : i32 to index
        %parallel_loop3A_233 = tpu.vector_load %arg7[%parallel_loop3A_230, %parallel_loop3A_231, %parallel_loop3A_232] {strides = array<i32>} : memref<16x8x128xf32, #tpu.memory_space<vmem>>, vector<16xf32>,
        %parallel_loop3A_234 = arith.constant 1.000000e+03 : f32
        %parallel_loop3A_235 = vector.broadcast %parallel_loop3A_234 : f32 to vector<16xf32>
        %parallel_loop3A_236 = arith.mulf %parallel_loop3A_233, %parallel_loop3A_235 : vector<16xf32>
        %parallel_loop3A_237 = arith.fptosi %parallel_loop3A_236 : vector<16xf32> to vector<16xi32>
        %parallel_loop3A_238 = arith.sitofp %parallel_loop3A_237 : vector<16xi32> to vector<16xf32>
        %parallel_loop3A_239 = arith.subf %parallel_loop3A_236, %parallel_loop3A_238 : vector<16xf32>
        %parallel_loop3A_240 = arith.constant 2048 : i32
        %parallel_loop3A_241 = tpu.memref_slice %arg6[%parallel_loop3A_240] : memref<16384xf32, #tpu.memory_space<vmem>> -> memref<1024xf32, #tpu.memory_space<vmem>>
        %parallel_loop3A_242 = tpu.vector_load_idx %parallel_loop3A_241[%parallel_loop3A_237] : memref<1024xf32, #tpu.memory_space<vmem>>[vector<16xi32>], vector<16xf32>,
        %parallel_loop3A_243 = arith.constant 10240 : i32
        %parallel_loop3A_244 = tpu.memref_slice %arg6[%parallel_loop3A_243] : memref<16384xf32, #tpu.memory_space<vmem>> -> memref<1024xf32, #tpu.memory_space<vmem>>
        %parallel_loop3A_245 = tpu.vector_load_idx %parallel_loop3A_244[%parallel_loop3A_237] : memref<1024xf32, #tpu.memory_space<vmem>>[vector<16xi32>], vector<16xf32>,
        %parallel_loop3A_246 = arith.mulf %parallel_loop3A_245, %parallel_loop3A_239 : vector<16xf32>
        %parallel_loop3A_247 = arith.addf %parallel_loop3A_242, %parallel_loop3A_246 : vector<16xf32>
        %parallel_loop3A_248 = arith.constant 2 : i32
        %parallel_loop3A_249 = arith.index_cast %parallel_loop3A_158 : i32 to index
        %parallel_loop3A_250 = arith.index_cast %parallel_loop3A_248 : i32 to index
        %parallel_loop3A_251 = arith.index_cast %parallel_loop3A_176 : i32 to index
        %parallel_loop3A_252 = tpu.vector_load %arg9[%parallel_loop3A_249, %parallel_loop3A_250, %parallel_loop3A_251] {strides = array<i32>} : memref<16x8x128xf32, #tpu.memory_space<vmem>>, vector<16xf32>,
        tpu.vector_store %arg9[%parallel_loop3A_249, %parallel_loop3A_250, %parallel_loop3A_251], %parallel_loop3A_247 {strides = array<i32>} : memref<16x8x128xf32, #tpu.memory_space<vmem>>, vector<16xf32>,
        %parallel_loop3A_253 = arith.mulf %parallel_loop3A_228, %parallel_loop3A_245 : vector<16xf32>
        %parallel_loop3A_254 = arith.constant 3 : i32
        %parallel_loop3A_255 = arith.index_cast %parallel_loop3A_158 : i32 to index
        %parallel_loop3A_256 = arith.index_cast %parallel_loop3A_254 : i32 to index
        %parallel_loop3A_257 = arith.index_cast %parallel_loop3A_176 : i32 to index
        %parallel_loop3A_258 = tpu.vector_load %arg7[%parallel_loop3A_255, %parallel_loop3A_256, %parallel_loop3A_257] {strides = array<i32>} : memref<16x8x128xf32, #tpu.memory_space<vmem>>, vector<16xf32>,
        %parallel_loop3A_259 = arith.constant 1.000000e+03 : f32
        %parallel_loop3A_260 = vector.broadcast %parallel_loop3A_259 : f32 to vector<16xf32>
        %parallel_loop3A_261 = arith.mulf %parallel_loop3A_258, %parallel_loop3A_260 : vector<16xf32>
        %parallel_loop3A_262 = arith.fptosi %parallel_loop3A_261 : vector<16xf32> to vector<16xi32>
        %parallel_loop3A_263 = arith.sitofp %parallel_loop3A_262 : vector<16xi32> to vector<16xf32>
        %parallel_loop3A_264 = arith.subf %parallel_loop3A_261, %parallel_loop3A_263 : vector<16xf32>
        %parallel_loop3A_265 = arith.constant 3072 : i32
        %parallel_loop3A_266 = tpu.memref_slice %arg6[%parallel_loop3A_265] : memref<16384xf32, #tpu.memory_space<vmem>> -> memref<1024xf32, #tpu.memory_space<vmem>>
        %parallel_loop3A_267 = tpu.vector_load_idx %parallel_loop3A_266[%parallel_loop3A_262] : memref<1024xf32, #tpu.memory_space<vmem>>[vector<16xi32>], vector<16xf32>,
        %parallel_loop3A_268 = arith.constant 11264 : i32
        %parallel_loop3A_269 = tpu.memref_slice %arg6[%parallel_loop3A_268] : memref<16384xf32, #tpu.memory_space<vmem>> -> memref<1024xf32, #tpu.memory_space<vmem>>
        %parallel_loop3A_270 = tpu.vector_load_idx %parallel_loop3A_269[%parallel_loop3A_262] : memref<1024xf32, #tpu.memory_space<vmem>>[vector<16xi32>], vector<16xf32>,
        %parallel_loop3A_271 = arith.mulf %parallel_loop3A_270, %parallel_loop3A_264 : vector<16xf32>
        %parallel_loop3A_272 = arith.addf %parallel_loop3A_267, %parallel_loop3A_271 : vector<16xf32>
        %parallel_loop3A_273 = arith.constant 3 : i32
        %parallel_loop3A_274 = arith.index_cast %parallel_loop3A_158 : i32 to index
        %parallel_loop3A_275 = arith.index_cast %parallel_loop3A_273 : i32 to index
        %parallel_loop3A_276 = arith.index_cast %parallel_loop3A_176 : i32 to index
        %parallel_loop3A_277 = tpu.vector_load %arg9[%parallel_loop3A_274, %parallel_loop3A_275, %parallel_loop3A_276] {strides = array<i32>} : memref<16x8x128xf32, #tpu.memory_space<vmem>>, vector<16xf32>,
        tpu.vector_store %arg9[%parallel_loop3A_274, %parallel_loop3A_275, %parallel_loop3A_276], %parallel_loop3A_272 {strides = array<i32>} : memref<16x8x128xf32, #tpu.memory_space<vmem>>, vector<16xf32>,
        %parallel_loop3A_278 = arith.mulf %parallel_loop3A_253, %parallel_loop3A_270 : vector<16xf32>
        %parallel_loop3A_279 = arith.constant 4 : i32
        %parallel_loop3A_280 = arith.index_cast %parallel_loop3A_158 : i32 to index
        %parallel_loop3A_281 = arith.index_cast %parallel_loop3A_279 : i32 to index
        %parallel_loop3A_282 = arith.index_cast %parallel_loop3A_176 : i32 to index
        %parallel_loop3A_283 = tpu.vector_load %arg7[%parallel_loop3A_280, %parallel_loop3A_281, %parallel_loop3A_282] {strides = array<i32>} : memref<16x8x128xf32, #tpu.memory_space<vmem>>, vector<16xf32>,
        %parallel_loop3A_284 = arith.constant 1.000000e+03 : f32
        %parallel_loop3A_285 = vector.broadcast %parallel_loop3A_284 : f32 to vector<16xf32>
        %parallel_loop3A_286 = arith.mulf %parallel_loop3A_283, %parallel_loop3A_285 : vector<16xf32>
        %parallel_loop3A_287 = arith.fptosi %parallel_loop3A_286 : vector<16xf32> to vector<16xi32>
        %parallel_loop3A_288 = arith.sitofp %parallel_loop3A_287 : vector<16xi32> to vector<16xf32>
        %parallel_loop3A_289 = arith.subf %parallel_loop3A_286, %parallel_loop3A_288 : vector<16xf32>
        %parallel_loop3A_290 = arith.constant 4096 : i32
        %parallel_loop3A_291 = tpu.memref_slice %arg6[%parallel_loop3A_290] : memref<16384xf32, #tpu.memory_space<vmem>> -> memref<1024xf32, #tpu.memory_space<vmem>>
        %parallel_loop3A_292 = tpu.vector_load_idx %parallel_loop3A_291[%parallel_loop3A_287] : memref<1024xf32, #tpu.memory_space<vmem>>[vector<16xi32>], vector<16xf32>,
        %parallel_loop3A_293 = arith.constant 12288 : i32
        %parallel_loop3A_294 = tpu.memref_slice %arg6[%parallel_loop3A_293] : memref<16384xf32, #tpu.memory_space<vmem>> -> memref<1024xf32, #tpu.memory_space<vmem>>
        %parallel_loop3A_295 = tpu.vector_load_idx %parallel_loop3A_294[%parallel_loop3A_287] : memref<1024xf32, #tpu.memory_space<vmem>>[vector<16xi32>], vector<16xf32>,
        %parallel_loop3A_296 = arith.mulf %parallel_loop3A_295, %parallel_loop3A_289 : vector<16xf32>
        %parallel_loop3A_297 = arith.addf %parallel_loop3A_292, %parallel_loop3A_296 : vector<16xf32>
        %parallel_loop3A_298 = arith.constant 4 : i32
        %parallel_loop3A_299 = arith.index_cast %parallel_loop3A_158 : i32 to index
        %parallel_loop3A_300 = arith.index_cast %parallel_loop3A_298 : i32 to index
        %parallel_loop3A_301 = arith.index_cast %parallel_loop3A_176 : i32 to index
        %parallel_loop3A_302 = tpu.vector_load %arg9[%parallel_loop3A_299, %parallel_loop3A_300, %parallel_loop3A_301] {strides = array<i32>} : memref<16x8x128xf32, #tpu.memory_space<vmem>>, vector<16xf32>,
        tpu.vector_store %arg9[%parallel_loop3A_299, %parallel_loop3A_300, %parallel_loop3A_301], %parallel_loop3A_297 {strides = array<i32>} : memref<16x8x128xf32, #tpu.memory_space<vmem>>, vector<16xf32>,
        %parallel_loop3A_303 = arith.mulf %parallel_loop3A_278, %parallel_loop3A_295 : vector<16xf32>
        %parallel_loop3A_304 = arith.constant 5 : i32
        %parallel_loop3A_305 = arith.index_cast %parallel_loop3A_158 : i32 to index
        %parallel_loop3A_306 = arith.index_cast %parallel_loop3A_304 : i32 to index
        %parallel_loop3A_307 = arith.index_cast %parallel_loop3A_176 : i32 to index
        %parallel_loop3A_308 = tpu.vector_load %arg7[%parallel_loop3A_305, %parallel_loop3A_306, %parallel_loop3A_307] {strides = array<i32>} : memref<16x8x128xf32, #tpu.memory_space<vmem>>, vector<16xf32>,
        %parallel_loop3A_309 = arith.constant 1.000000e+03 : f32
        %parallel_loop3A_310 = vector.broadcast %parallel_loop3A_309 : f32 to vector<16xf32>
        %parallel_loop3A_311 = arith.mulf %parallel_loop3A_308, %parallel_loop3A_310 : vector<16xf32>
        %parallel_loop3A_312 = arith.fptosi %parallel_loop3A_311 : vector<16xf32> to vector<16xi32>
        %parallel_loop3A_313 = arith.sitofp %parallel_loop3A_312 : vector<16xi32> to vector<16xf32>
        %parallel_loop3A_314 = arith.subf %parallel_loop3A_311, %parallel_loop3A_313 : vector<16xf32>
        %parallel_loop3A_315 = arith.constant 5120 : i32
        %parallel_loop3A_316 = tpu.memref_slice %arg6[%parallel_loop3A_315] : memref<16384xf32, #tpu.memory_space<vmem>> -> memref<1024xf32, #tpu.memory_space<vmem>>
        %parallel_loop3A_317 = tpu.vector_load_idx %parallel_loop3A_316[%parallel_loop3A_312] : memref<1024xf32, #tpu.memory_space<vmem>>[vector<16xi32>], vector<16xf32>,
        %parallel_loop3A_318 = arith.constant 13312 : i32
        %parallel_loop3A_319 = tpu.memref_slice %arg6[%parallel_loop3A_318] : memref<16384xf32, #tpu.memory_space<vmem>> -> memref<1024xf32, #tpu.memory_space<vmem>>
        %parallel_loop3A_320 = tpu.vector_load_idx %parallel_loop3A_319[%parallel_loop3A_312] : memref<1024xf32, #tpu.memory_space<vmem>>[vector<16xi32>], vector<16xf32>,
        %parallel_loop3A_321 = arith.mulf %parallel_loop3A_320, %parallel_loop3A_314 : vector<16xf32>
        %parallel_loop3A_322 = arith.addf %parallel_loop3A_317, %parallel_loop3A_321 : vector<16xf32>
        %parallel_loop3A_323 = arith.constant 5 : i32
        %parallel_loop3A_324 = arith.index_cast %parallel_loop3A_158 : i32 to index
        %parallel_loop3A_325 = arith.index_cast %parallel_loop3A_323 : i32 to index
        %parallel_loop3A_326 = arith.index_cast %parallel_loop3A_176 : i32 to index
        %parallel_loop3A_327 = tpu.vector_load %arg9[%parallel_loop3A_324, %parallel_loop3A_325, %parallel_loop3A_326] {strides = array<i32>} : memref<16x8x128xf32, #tpu.memory_space<vmem>>, vector<16xf32>,
        tpu.vector_store %arg9[%parallel_loop3A_324, %parallel_loop3A_325, %parallel_loop3A_326], %parallel_loop3A_322 {strides = array<i32>} : memref<16x8x128xf32, #tpu.memory_space<vmem>>, vector<16xf32>,
        %parallel_loop3A_328 = arith.mulf %parallel_loop3A_303, %parallel_loop3A_320 : vector<16xf32>
        %parallel_loop3A_329 = arith.constant 6 : i32
        %parallel_loop3A_330 = arith.index_cast %parallel_loop3A_158 : i32 to index
        %parallel_loop3A_331 = arith.index_cast %parallel_loop3A_329 : i32 to index
        %parallel_loop3A_332 = arith.index_cast %parallel_loop3A_176 : i32 to index
        %parallel_loop3A_333 = tpu.vector_load %arg7[%parallel_loop3A_330, %parallel_loop3A_331, %parallel_loop3A_332] {strides = array<i32>} : memref<16x8x128xf32, #tpu.memory_space<vmem>>, vector<16xf32>,
        %parallel_loop3A_334 = arith.constant 1.000000e+03 : f32
        %parallel_loop3A_335 = vector.broadcast %parallel_loop3A_334 : f32 to vector<16xf32>
        %parallel_loop3A_336 = arith.mulf %parallel_loop3A_333, %parallel_loop3A_335 : vector<16xf32>
        %parallel_loop3A_337 = arith.fptosi %parallel_loop3A_336 : vector<16xf32> to vector<16xi32>
        %parallel_loop3A_338 = arith.sitofp %parallel_loop3A_337 : vector<16xi32> to vector<16xf32>
        %parallel_loop3A_339 = arith.subf %parallel_loop3A_336, %parallel_loop3A_338 : vector<16xf32>
        %parallel_loop3A_340 = arith.constant 6144 : i32
        %parallel_loop3A_341 = tpu.memref_slice %arg6[%parallel_loop3A_340] : memref<16384xf32, #tpu.memory_space<vmem>> -> memref<1024xf32, #tpu.memory_space<vmem>>
        %parallel_loop3A_342 = tpu.vector_load_idx %parallel_loop3A_341[%parallel_loop3A_337] : memref<1024xf32, #tpu.memory_space<vmem>>[vector<16xi32>], vector<16xf32>,
        %parallel_loop3A_343 = arith.constant 14336 : i32
        %parallel_loop3A_344 = tpu.memref_slice %arg6[%parallel_loop3A_343] : memref<16384xf32, #tpu.memory_space<vmem>> -> memref<1024xf32, #tpu.memory_space<vmem>>
        %parallel_loop3A_345 = tpu.vector_load_idx %parallel_loop3A_344[%parallel_loop3A_337] : memref<1024xf32, #tpu.memory_space<vmem>>[vector<16xi32>], vector<16xf32>,
        %parallel_loop3A_346 = arith.mulf %parallel_loop3A_345, %parallel_loop3A_339 : vector<16xf32>
        %parallel_loop3A_347 = arith.addf %parallel_loop3A_342, %parallel_loop3A_346 : vector<16xf32>
        %parallel_loop3A_348 = arith.constant 6 : i32
        %parallel_loop3A_349 = arith.index_cast %parallel_loop3A_158 : i32 to index
        %parallel_loop3A_350 = arith.index_cast %parallel_loop3A_348 : i32 to index
        %parallel_loop3A_351 = arith.index_cast %parallel_loop3A_176 : i32 to index
        %parallel_loop3A_352 = tpu.vector_load %arg9[%parallel_loop3A_349, %parallel_loop3A_350, %parallel_loop3A_351] {strides = array<i32>} : memref<16x8x128xf32, #tpu.memory_space<vmem>>, vector<16xf32>,
        tpu.vector_store %arg9[%parallel_loop3A_349, %parallel_loop3A_350, %parallel_loop3A_351], %parallel_loop3A_347 {strides = array<i32>} : memref<16x8x128xf32, #tpu.memory_space<vmem>>, vector<16xf32>,
        %parallel_loop3A_353 = arith.mulf %parallel_loop3A_328, %parallel_loop3A_345 : vector<16xf32>
        %parallel_loop3A_354 = arith.constant 7 : i32
        %parallel_loop3A_355 = arith.index_cast %parallel_loop3A_158 : i32 to index
        %parallel_loop3A_356 = arith.index_cast %parallel_loop3A_354 : i32 to index
        %parallel_loop3A_357 = arith.index_cast %parallel_loop3A_176 : i32 to index
        %parallel_loop3A_358 = tpu.vector_load %arg7[%parallel_loop3A_355, %parallel_loop3A_356, %parallel_loop3A_357] {strides = array<i32>} : memref<16x8x128xf32, #tpu.memory_space<vmem>>, vector<16xf32>,
        %parallel_loop3A_359 = arith.constant 1.000000e+03 : f32
        %parallel_loop3A_360 = vector.broadcast %parallel_loop3A_359 : f32 to vector<16xf32>
        %parallel_loop3A_361 = arith.mulf %parallel_loop3A_358, %parallel_loop3A_360 : vector<16xf32>
        %parallel_loop3A_362 = arith.fptosi %parallel_loop3A_361 : vector<16xf32> to vector<16xi32>
        %parallel_loop3A_363 = arith.sitofp %parallel_loop3A_362 : vector<16xi32> to vector<16xf32>
        %parallel_loop3A_364 = arith.subf %parallel_loop3A_361, %parallel_loop3A_363 : vector<16xf32>
        %parallel_loop3A_365 = arith.constant 7168 : i32
        %parallel_loop3A_366 = tpu.memref_slice %arg6[%parallel_loop3A_365] : memref<16384xf32, #tpu.memory_space<vmem>> -> memref<1024xf32, #tpu.memory_space<vmem>>
        %parallel_loop3A_367 = tpu.vector_load_idx %parallel_loop3A_366[%parallel_loop3A_362] : memref<1024xf32, #tpu.memory_space<vmem>>[vector<16xi32>], vector<16xf32>,
        %parallel_loop3A_368 = arith.constant 15360 : i32
        %parallel_loop3A_369 = tpu.memref_slice %arg6[%parallel_loop3A_368] : memref<16384xf32, #tpu.memory_space<vmem>> -> memref<1024xf32, #tpu.memory_space<vmem>>
        %parallel_loop3A_370 = tpu.vector_load_idx %parallel_loop3A_369[%parallel_loop3A_362] : memref<1024xf32, #tpu.memory_space<vmem>>[vector<16xi32>], vector<16xf32>,
        %parallel_loop3A_371 = arith.mulf %parallel_loop3A_370, %parallel_loop3A_364 : vector<16xf32>
        %parallel_loop3A_372 = arith.addf %parallel_loop3A_367, %parallel_loop3A_371 : vector<16xf32>
        %parallel_loop3A_373 = arith.constant 7 : i32
        %parallel_loop3A_374 = arith.index_cast %parallel_loop3A_158 : i32 to index
        %parallel_loop3A_375 = arith.index_cast %parallel_loop3A_373 : i32 to index
        %parallel_loop3A_376 = arith.index_cast %parallel_loop3A_176 : i32 to index
        %parallel_loop3A_377 = tpu.vector_load %arg9[%parallel_loop3A_374, %parallel_loop3A_375, %parallel_loop3A_376] {strides = array<i32>} : memref<16x8x128xf32, #tpu.memory_space<vmem>>, vector<16xf32>,
        tpu.vector_store %arg9[%parallel_loop3A_374, %parallel_loop3A_375, %parallel_loop3A_376], %parallel_loop3A_372 {strides = array<i32>} : memref<16x8x128xf32, #tpu.memory_space<vmem>>, vector<16xf32>,
        %parallel_loop3A_378 = arith.mulf %parallel_loop3A_353, %parallel_loop3A_370 : vector<16xf32>
        %parallel_loop3A_379 = arith.constant 16 : i32
        %parallel_loop3A_380 = arith.muli %parallel_loop3A_134, %parallel_loop3A_379 : i32
        %parallel_loop3A_381 = arith.index_cast %parallel_loop3A_380 : i32 to index
        %parallel_loop3A_382 = tpu.vector_load %arg11[%parallel_loop3A_381] {strides = array<i32>} : memref<2048xf32, #tpu.memory_space<vmem>>, vector<16xf32>,
        tpu.vector_store %arg11[%parallel_loop3A_381], %parallel_loop3A_378 {strides = array<i32>} : memref<2048xf32, #tpu.memory_space<vmem>>, vector<16xf32>,
      } {sc.loop_unroll_factor = 4 : i64, sc.parallel_access}
      %not3A_69 = arith.constant true
      %not3A_70 = arith.xori %eq3A_55, %not3A_69 : i1
      %convert_element_type3A_71 = arith.extui %not3A_70 : i1 to i32
      %cond3A_72 = arith.constant 0 : i32
      %cond3A_73 = arith.cmpi ne, %convert_element_type3A_71, %cond3A_72 : i32
      scf.if %cond3A_73 {
        %add3A_134 = arith.constant 2 : i32
        %add3A_135 = arith.addi %mul3A_52, %add3A_134 : i32
        %mul3A_136 = arith.constant 16 : i32
        %mul3A_137 = arith.muli %add3A_135, %mul3A_136 : i32
        %add3A_138 = arith.addi %mul3A_2, %mul3A_137 : i32
        %dma_start3A_139 = arith.constant 0 : i32
        %dma_start3A_140 = arith.constant 0 : i32
        %dma_start3A_141 = tpu.memref_slice %arg2[%add3A_138, %dma_start3A_139, %dma_start3A_140] : memref<8192x8x128xf32, #tpu.memory_space<hbm>> -> memref<16x8x128xf32, #tpu.memory_space<hbm>>
        %dma_start3A_142 = arith.constant 0 : i32
        %dma_start3A_143 = arith.constant 0 : i32
        %dma_start3A_144 = tpu.memref_slice %arg2[%add3A_138, %dma_start3A_142, %dma_start3A_143] : memref<8192x8x128xf32, #tpu.memory_space<hbm>> -> memref<16x8x128xf32, #tpu.memory_space<hbm>>
        tpu.enqueue_dma source(%dma_start3A_144 : memref<16x8x128xf32, #tpu.memory_space<hbm>>) target(%arg7 : memref<16x8x128xf32, #tpu.memory_space<vmem>>) target_semaphore(%arg13 : memref<!tpu.dma_semaphore, #tpu.memory_space<semaphore_mem>>)
      } else {
      }
      %mul3A_74 = arith.constant 16 : i32
      %mul3A_75 = arith.muli %mul3A_52, %mul3A_74 : i32
      %add3A_76 = arith.addi %mul3A_2, %mul3A_75 : i32
      %dma_start3A_77 = arith.constant 0 : i32
      %dma_start3A_78 = arith.constant 0 : i32
      %dma_start3A_79 = tpu.memref_slice %arg4[%add3A_76, %dma_start3A_77, %dma_start3A_78] : memref<8192x8x128xf32, #tpu.memory_space<hbm>> -> memref<16x8x128xf32, #tpu.memory_space<hbm>>
      %dma_start3A_80 = arith.constant 0 : i32
      %dma_start3A_81 = arith.constant 0 : i32
      %dma_start3A_82 = tpu.memref_slice %arg4[%add3A_76, %dma_start3A_80, %dma_start3A_81] : memref<8192x8x128xf32, #tpu.memory_space<hbm>> -> memref<16x8x128xf32, #tpu.memory_space<hbm>>
      tpu.enqueue_dma source(%arg9 : memref<16x8x128xf32, #tpu.memory_space<vmem>>) target(%dma_start3A_82 : memref<16x8x128xf32, #tpu.memory_space<hbm>>) target_semaphore(%arg15 : memref<!tpu.dma_semaphore, #tpu.memory_space<semaphore_mem>>)
      %mul3A_83 = arith.constant 16 : i32
      %mul3A_84 = arith.muli %mul3A_52, %mul3A_83 : i32
      %add3A_85 = arith.addi %mul3A_2, %mul3A_84 : i32
      %mul3A_86 = arith.constant 128 : i32
      %mul3A_87 = arith.muli %add3A_85, %mul3A_86 : i32
      %dma_start3A_88 = tpu.memref_slice %arg5[%mul3A_87] : memref<1048576xf32, #tpu.memory_space<hbm>> -> memref<2048xf32, #tpu.memory_space<hbm>>
      %dma_start3A_89 = tpu.memref_slice %arg5[%mul3A_87] : memref<1048576xf32, #tpu.memory_space<hbm>> -> memref<2048xf32, #tpu.memory_space<hbm>>
      tpu.enqueue_dma source(%arg11 : memref<2048xf32, #tpu.memory_space<vmem>>) target(%dma_start3A_89 : memref<2048xf32, #tpu.memory_space<hbm>>) target_semaphore(%arg15 : memref<!tpu.dma_semaphore, #tpu.memory_space<semaphore_mem>>)
      %add3A_90 = arith.constant 1 : i32
      %add3A_91 = arith.addi %mul3A_52, %add3A_90 : i32
      %eq3A_92 = arith.constant 0 : i32
      %eq3A_93 = arith.cmpi eq, %scan3A_50, %eq3A_92 : i32
      %eq3A_94 = arith.constant 7 : i32
      %eq3A_95 = arith.cmpi eq, %scan3A_50, %eq3A_94 : i32
      %mul3A_96 = arith.constant 16 : i32
      %mul3A_97 = arith.muli %add3A_91, %mul3A_96 : i32
      %add3A_98 = arith.addi %mul3A_2, %mul3A_97 : i32
      %dma_wait3A_99 = arith.constant 0 : i32
      %dma_wait3A_100 = arith.constant 0 : i32
      %dma_wait3A_101 = tpu.memref_slice %arg2[%add3A_98, %dma_wait3A_99, %dma_wait3A_100] : memref<8192x8x128xf32, #tpu.memory_space<hbm>> -> memref<16x8x128xf32, #tpu.memory_space<hbm>>
      %dma_wait3A_102 = arith.constant 0 : i32
      %dma_wait3A_103 = arith.constant 0 : i32
      %dma_wait3A_104 = tpu.memref_slice %arg2[%add3A_98, %dma_wait3A_102, %dma_wait3A_103] : memref<8192x8x128xf32, #tpu.memory_space<hbm>> -> memref<16x8x128xf32, #tpu.memory_space<hbm>>
      tpu.wait_dma2 semaphore(%arg14 : memref<!tpu.dma_semaphore, #tpu.memory_space<semaphore_mem>>) src(%dma_wait3A_104 : memref<16x8x128xf32, #tpu.memory_space<hbm>>) dst(%arg8 : memref<16x8x128xf32, #tpu.memory_space<vmem>>)
      %not3A_105 = arith.constant true
      %not3A_106 = arith.xori %eq3A_93, %not3A_105 : i1
      %convert_element_type3A_107 = arith.extui %not3A_106 : i1 to i32
      %cond3A_108 = arith.constant 0 : i32
      %cond3A_109 = arith.cmpi ne, %convert_element_type3A_107, %cond3A_108 : i32
      scf.if %cond3A_109 {
        %sub3A = arith.constant 2 : i32
        %sub3A_134 = arith.subi %add3A_91, %sub3A : i32
        %mul3A_135 = arith.constant 16 : i32
        %mul3A_136 = arith.muli %sub3A_134, %mul3A_135 : i32
        %add3A_137 = arith.addi %mul3A_2, %mul3A_136 : i32
        %dma_wait3A_138 = arith.constant 0 : i32
        %dma_wait3A_139 = arith.constant 0 : i32
        %dma_wait3A_140 = tpu.memref_slice %arg4[%add3A_137, %dma_wait3A_138, %dma_wait3A_139] : memref<8192x8x128xf32, #tpu.memory_space<hbm>> -> memref<16x8x128xf32, #tpu.memory_space<hbm>>
        %dma_wait3A_141 = arith.constant 0 : i32
        %dma_wait3A_142 = arith.constant 0 : i32
        %dma_wait3A_143 = tpu.memref_slice %arg4[%add3A_137, %dma_wait3A_141, %dma_wait3A_142] : memref<8192x8x128xf32, #tpu.memory_space<hbm>> -> memref<16x8x128xf32, #tpu.memory_space<hbm>>
        tpu.wait_dma2 semaphore(%arg16 : memref<!tpu.dma_semaphore, #tpu.memory_space<semaphore_mem>>) src(%arg10 : memref<16x8x128xf32, #tpu.memory_space<vmem>>) dst(%dma_wait3A_143 : memref<16x8x128xf32, #tpu.memory_space<hbm>>)
        %sub3A_144 = arith.constant 2 : i32
        %sub3A_145 = arith.subi %add3A_91, %sub3A_144 : i32
        %mul3A_146 = arith.constant 16 : i32
        %mul3A_147 = arith.muli %sub3A_145, %mul3A_146 : i32
        %add3A_148 = arith.addi %mul3A_2, %mul3A_147 : i32
        %mul3A_149 = arith.constant 128 : i32
        %mul3A_150 = arith.muli %add3A_148, %mul3A_149 : i32
        %dma_wait3A_151 = tpu.memref_slice %arg5[%mul3A_150] : memref<1048576xf32, #tpu.memory_space<hbm>> -> memref<2048xf32, #tpu.memory_space<hbm>>
        %dma_wait3A_152 = tpu.memref_slice %arg5[%mul3A_150] : memref<1048576xf32, #tpu.memory_space<hbm>> -> memref<2048xf32, #tpu.memory_space<hbm>>
        tpu.wait_dma2 semaphore(%arg16 : memref<!tpu.dma_semaphore, #tpu.memory_space<semaphore_mem>>) src(%arg12 : memref<2048xf32, #tpu.memory_space<vmem>>) dst(%dma_wait3A_152 : memref<2048xf32, #tpu.memory_space<hbm>>)
      } else {
      }
      %parallel_loop3A_110 = arith.constant 0 : i32
      %parallel_loop3A_111 = arith.constant 128 : i32
      %parallel_loop3A_112 = arith.constant 1 : i32
      scf.for %parallel_loop3A_134 = %parallel_loop3A_110 to %parallel_loop3A_111 step %parallel_loop3A_112  : i32 {
        %parallel_loop3A_135 = arith.constant 8 : i32
        %parallel_loop3A_136 = arith.divsi %parallel_loop3A_134, %parallel_loop3A_135 : i32
        %parallel_loop3A_137 = arith.constant 0 : i32
        %parallel_loop3A_138 = arith.cmpi sgt, %parallel_loop3A_134, %parallel_loop3A_137 : i32
        %parallel_loop3A_139 = arith.extui %parallel_loop3A_138 : i1 to i32
        %parallel_loop3A_140 = arith.constant 0 : i32
        %parallel_loop3A_141 = arith.cmpi slt, %parallel_loop3A_134, %parallel_loop3A_140 : i32
        %parallel_loop3A_142 = arith.extui %parallel_loop3A_141 : i1 to i32
        %parallel_loop3A_143 = arith.subi %parallel_loop3A_139, %parallel_loop3A_142 : i32
        %parallel_loop3A_144 = arith.constant 0 : i32
        %parallel_loop3A_145 = arith.cmpi sgt, %parallel_loop3A_135, %parallel_loop3A_144 : i32
        %parallel_loop3A_146 = arith.extui %parallel_loop3A_145 : i1 to i32
        %parallel_loop3A_147 = arith.constant 0 : i32
        %parallel_loop3A_148 = arith.cmpi slt, %parallel_loop3A_135, %parallel_loop3A_147 : i32
        %parallel_loop3A_149 = arith.extui %parallel_loop3A_148 : i1 to i32
        %parallel_loop3A_150 = arith.subi %parallel_loop3A_146, %parallel_loop3A_149 : i32
        %parallel_loop3A_151 = arith.cmpi ne, %parallel_loop3A_143, %parallel_loop3A_150 : i32
        %parallel_loop3A_152 = arith.remsi %parallel_loop3A_134, %parallel_loop3A_135 : i32
        %parallel_loop3A_153 = arith.constant 0 : i32
        %parallel_loop3A_154 = arith.cmpi ne, %parallel_loop3A_152, %parallel_loop3A_153 : i32
        %parallel_loop3A_155 = arith.andi %parallel_loop3A_151, %parallel_loop3A_154 : i1
        %parallel_loop3A_156 = arith.constant 1 : i32
        %parallel_loop3A_157 = arith.subi %parallel_loop3A_136, %parallel_loop3A_156 : i32
        %parallel_loop3A_158 = arith.select %parallel_loop3A_155, %parallel_loop3A_157, %parallel_loop3A_136 : i32
        %parallel_loop3A_159 = arith.constant 8 : i32
        %parallel_loop3A_160 = arith.constant 0 : i32
        %parallel_loop3A_161 = arith.cmpi eq, %parallel_loop3A_159, %parallel_loop3A_160 : i32
        %parallel_loop3A_162 = arith.constant 1 : i32
        %parallel_loop3A_163 = arith.select %parallel_loop3A_161, %parallel_loop3A_162, %parallel_loop3A_159 : i32
        %parallel_loop3A_164 = arith.remsi %parallel_loop3A_134, %parallel_loop3A_163 : i32
        %parallel_loop3A_165 = arith.constant 0 : i32
        %parallel_loop3A_166 = arith.cmpi ne, %parallel_loop3A_164, %parallel_loop3A_165 : i32
        %parallel_loop3A_167 = arith.constant 0 : i32
        %parallel_loop3A_168 = arith.cmpi slt, %parallel_loop3A_164, %parallel_loop3A_167 : i32
        %parallel_loop3A_169 = arith.constant 0 : i32
        %parallel_loop3A_170 = arith.cmpi slt, %parallel_loop3A_163, %parallel_loop3A_169 : i32
        %parallel_loop3A_171 = arith.xori %parallel_loop3A_168, %parallel_loop3A_170 : i1
        %parallel_loop3A_172 = arith.andi %parallel_loop3A_171, %parallel_loop3A_166 : i1
        %parallel_loop3A_173 = arith.addi %parallel_loop3A_164, %parallel_loop3A_163 : i32
        %parallel_loop3A_174 = arith.select %parallel_loop3A_172, %parallel_loop3A_173, %parallel_loop3A_164 : i32
        %parallel_loop3A_175 = arith.constant 16 : i32
        %parallel_loop3A_176 = arith.muli %parallel_loop3A_174, %parallel_loop3A_175 : i32
        %parallel_loop3A_177 = arith.constant 1.000000e+24 : f32
        %parallel_loop3A_178 = vector.broadcast %parallel_loop3A_177 : f32 to vector<16xf32>
        %parallel_loop3A_179 = arith.constant 0 : i32
        %parallel_loop3A_180 = arith.index_cast %parallel_loop3A_158 : i32 to index
        %parallel_loop3A_181 = arith.index_cast %parallel_loop3A_179 : i32 to index
        %parallel_loop3A_182 = arith.index_cast %parallel_loop3A_176 : i32 to index
        %parallel_loop3A_183 = tpu.vector_load %arg8[%parallel_loop3A_180, %parallel_loop3A_181, %parallel_loop3A_182] {strides = array<i32>} : memref<16x8x128xf32, #tpu.memory_space<vmem>>, vector<16xf32>,
        %parallel_loop3A_184 = arith.constant 1.000000e+03 : f32
        %parallel_loop3A_185 = vector.broadcast %parallel_loop3A_184 : f32 to vector<16xf32>
        %parallel_loop3A_186 = arith.mulf %parallel_loop3A_183, %parallel_loop3A_185 : vector<16xf32>
        %parallel_loop3A_187 = arith.fptosi %parallel_loop3A_186 : vector<16xf32> to vector<16xi32>
        %parallel_loop3A_188 = arith.sitofp %parallel_loop3A_187 : vector<16xi32> to vector<16xf32>
        %parallel_loop3A_189 = arith.subf %parallel_loop3A_186, %parallel_loop3A_188 : vector<16xf32>
        %parallel_loop3A_190 = arith.constant 0 : i32
        %parallel_loop3A_191 = tpu.memref_slice %arg6[%parallel_loop3A_190] : memref<16384xf32, #tpu.memory_space<vmem>> -> memref<1024xf32, #tpu.memory_space<vmem>>
        %parallel_loop3A_192 = tpu.vector_load_idx %parallel_loop3A_191[%parallel_loop3A_187] : memref<1024xf32, #tpu.memory_space<vmem>>[vector<16xi32>], vector<16xf32>,
        %parallel_loop3A_193 = arith.constant 8192 : i32
        %parallel_loop3A_194 = tpu.memref_slice %arg6[%parallel_loop3A_193] : memref<16384xf32, #tpu.memory_space<vmem>> -> memref<1024xf32, #tpu.memory_space<vmem>>
        %parallel_loop3A_195 = tpu.vector_load_idx %parallel_loop3A_194[%parallel_loop3A_187] : memref<1024xf32, #tpu.memory_space<vmem>>[vector<16xi32>], vector<16xf32>,
        %parallel_loop3A_196 = arith.mulf %parallel_loop3A_195, %parallel_loop3A_189 : vector<16xf32>
        %parallel_loop3A_197 = arith.addf %parallel_loop3A_192, %parallel_loop3A_196 : vector<16xf32>
        %parallel_loop3A_198 = arith.constant 0 : i32
        %parallel_loop3A_199 = arith.index_cast %parallel_loop3A_158 : i32 to index
        %parallel_loop3A_200 = arith.index_cast %parallel_loop3A_198 : i32 to index
        %parallel_loop3A_201 = arith.index_cast %parallel_loop3A_176 : i32 to index
        %parallel_loop3A_202 = tpu.vector_load %arg10[%parallel_loop3A_199, %parallel_loop3A_200, %parallel_loop3A_201] {strides = array<i32>} : memref<16x8x128xf32, #tpu.memory_space<vmem>>, vector<16xf32>,
        tpu.vector_store %arg10[%parallel_loop3A_199, %parallel_loop3A_200, %parallel_loop3A_201], %parallel_loop3A_197 {strides = array<i32>} : memref<16x8x128xf32, #tpu.memory_space<vmem>>, vector<16xf32>,
        %parallel_loop3A_203 = arith.mulf %parallel_loop3A_178, %parallel_loop3A_195 : vector<16xf32>
        %parallel_loop3A_204 = arith.constant 1 : i32
        %parallel_loop3A_205 = arith.index_cast %parallel_loop3A_158 : i32 to index
        %parallel_loop3A_206 = arith.index_cast %parallel_loop3A_204 : i32 to index
        %parallel_loop3A_207 = arith.index_cast %parallel_loop3A_176 : i32 to index
        %parallel_loop3A_208 = tpu.vector_load %arg8[%parallel_loop3A_205, %parallel_loop3A_206, %parallel_loop3A_207] {strides = array<i32>} : memref<16x8x128xf32, #tpu.memory_space<vmem>>, vector<16xf32>,
        %parallel_loop3A_209 = arith.constant 1.000000e+03 : f32
        %parallel_loop3A_210 = vector.broadcast %parallel_loop3A_209 : f32 to vector<16xf32>
        %parallel_loop3A_211 = arith.mulf %parallel_loop3A_208, %parallel_loop3A_210 : vector<16xf32>
        %parallel_loop3A_212 = arith.fptosi %parallel_loop3A_211 : vector<16xf32> to vector<16xi32>
        %parallel_loop3A_213 = arith.sitofp %parallel_loop3A_212 : vector<16xi32> to vector<16xf32>
        %parallel_loop3A_214 = arith.subf %parallel_loop3A_211, %parallel_loop3A_213 : vector<16xf32>
        %parallel_loop3A_215 = arith.constant 1024 : i32
        %parallel_loop3A_216 = tpu.memref_slice %arg6[%parallel_loop3A_215] : memref<16384xf32, #tpu.memory_space<vmem>> -> memref<1024xf32, #tpu.memory_space<vmem>>
        %parallel_loop3A_217 = tpu.vector_load_idx %parallel_loop3A_216[%parallel_loop3A_212] : memref<1024xf32, #tpu.memory_space<vmem>>[vector<16xi32>], vector<16xf32>,
        %parallel_loop3A_218 = arith.constant 9216 : i32
        %parallel_loop3A_219 = tpu.memref_slice %arg6[%parallel_loop3A_218] : memref<16384xf32, #tpu.memory_space<vmem>> -> memref<1024xf32, #tpu.memory_space<vmem>>
        %parallel_loop3A_220 = tpu.vector_load_idx %parallel_loop3A_219[%parallel_loop3A_212] : memref<1024xf32, #tpu.memory_space<vmem>>[vector<16xi32>], vector<16xf32>,
        %parallel_loop3A_221 = arith.mulf %parallel_loop3A_220, %parallel_loop3A_214 : vector<16xf32>
        %parallel_loop3A_222 = arith.addf %parallel_loop3A_217, %parallel_loop3A_221 : vector<16xf32>
        %parallel_loop3A_223 = arith.constant 1 : i32
        %parallel_loop3A_224 = arith.index_cast %parallel_loop3A_158 : i32 to index
        %parallel_loop3A_225 = arith.index_cast %parallel_loop3A_223 : i32 to index
        %parallel_loop3A_226 = arith.index_cast %parallel_loop3A_176 : i32 to index
        %parallel_loop3A_227 = tpu.vector_load %arg10[%parallel_loop3A_224, %parallel_loop3A_225, %parallel_loop3A_226] {strides = array<i32>} : memref<16x8x128xf32, #tpu.memory_space<vmem>>, vector<16xf32>,
        tpu.vector_store %arg10[%parallel_loop3A_224, %parallel_loop3A_225, %parallel_loop3A_226], %parallel_loop3A_222 {strides = array<i32>} : memref<16x8x128xf32, #tpu.memory_space<vmem>>, vector<16xf32>,
        %parallel_loop3A_228 = arith.mulf %parallel_loop3A_203, %parallel_loop3A_220 : vector<16xf32>
        %parallel_loop3A_229 = arith.constant 2 : i32
        %parallel_loop3A_230 = arith.index_cast %parallel_loop3A_158 : i32 to index
        %parallel_loop3A_231 = arith.index_cast %parallel_loop3A_229 : i32 to index
        %parallel_loop3A_232 = arith.index_cast %parallel_loop3A_176 : i32 to index
        %parallel_loop3A_233 = tpu.vector_load %arg8[%parallel_loop3A_230, %parallel_loop3A_231, %parallel_loop3A_232] {strides = array<i32>} : memref<16x8x128xf32, #tpu.memory_space<vmem>>, vector<16xf32>,
        %parallel_loop3A_234 = arith.constant 1.000000e+03 : f32
        %parallel_loop3A_235 = vector.broadcast %parallel_loop3A_234 : f32 to vector<16xf32>
        %parallel_loop3A_236 = arith.mulf %parallel_loop3A_233, %parallel_loop3A_235 : vector<16xf32>
        %parallel_loop3A_237 = arith.fptosi %parallel_loop3A_236 : vector<16xf32> to vector<16xi32>
        %parallel_loop3A_238 = arith.sitofp %parallel_loop3A_237 : vector<16xi32> to vector<16xf32>
        %parallel_loop3A_239 = arith.subf %parallel_loop3A_236, %parallel_loop3A_238 : vector<16xf32>
        %parallel_loop3A_240 = arith.constant 2048 : i32
        %parallel_loop3A_241 = tpu.memref_slice %arg6[%parallel_loop3A_240] : memref<16384xf32, #tpu.memory_space<vmem>> -> memref<1024xf32, #tpu.memory_space<vmem>>
        %parallel_loop3A_242 = tpu.vector_load_idx %parallel_loop3A_241[%parallel_loop3A_237] : memref<1024xf32, #tpu.memory_space<vmem>>[vector<16xi32>], vector<16xf32>,
        %parallel_loop3A_243 = arith.constant 10240 : i32
        %parallel_loop3A_244 = tpu.memref_slice %arg6[%parallel_loop3A_243] : memref<16384xf32, #tpu.memory_space<vmem>> -> memref<1024xf32, #tpu.memory_space<vmem>>
        %parallel_loop3A_245 = tpu.vector_load_idx %parallel_loop3A_244[%parallel_loop3A_237] : memref<1024xf32, #tpu.memory_space<vmem>>[vector<16xi32>], vector<16xf32>,
        %parallel_loop3A_246 = arith.mulf %parallel_loop3A_245, %parallel_loop3A_239 : vector<16xf32>
        %parallel_loop3A_247 = arith.addf %parallel_loop3A_242, %parallel_loop3A_246 : vector<16xf32>
        %parallel_loop3A_248 = arith.constant 2 : i32
        %parallel_loop3A_249 = arith.index_cast %parallel_loop3A_158 : i32 to index
        %parallel_loop3A_250 = arith.index_cast %parallel_loop3A_248 : i32 to index
        %parallel_loop3A_251 = arith.index_cast %parallel_loop3A_176 : i32 to index
        %parallel_loop3A_252 = tpu.vector_load %arg10[%parallel_loop3A_249, %parallel_loop3A_250, %parallel_loop3A_251] {strides = array<i32>} : memref<16x8x128xf32, #tpu.memory_space<vmem>>, vector<16xf32>,
        tpu.vector_store %arg10[%parallel_loop3A_249, %parallel_loop3A_250, %parallel_loop3A_251], %parallel_loop3A_247 {strides = array<i32>} : memref<16x8x128xf32, #tpu.memory_space<vmem>>, vector<16xf32>,
        %parallel_loop3A_253 = arith.mulf %parallel_loop3A_228, %parallel_loop3A_245 : vector<16xf32>
        %parallel_loop3A_254 = arith.constant 3 : i32
        %parallel_loop3A_255 = arith.index_cast %parallel_loop3A_158 : i32 to index
        %parallel_loop3A_256 = arith.index_cast %parallel_loop3A_254 : i32 to index
        %parallel_loop3A_257 = arith.index_cast %parallel_loop3A_176 : i32 to index
        %parallel_loop3A_258 = tpu.vector_load %arg8[%parallel_loop3A_255, %parallel_loop3A_256, %parallel_loop3A_257] {strides = array<i32>} : memref<16x8x128xf32, #tpu.memory_space<vmem>>, vector<16xf32>,
        %parallel_loop3A_259 = arith.constant 1.000000e+03 : f32
        %parallel_loop3A_260 = vector.broadcast %parallel_loop3A_259 : f32 to vector<16xf32>
        %parallel_loop3A_261 = arith.mulf %parallel_loop3A_258, %parallel_loop3A_260 : vector<16xf32>
        %parallel_loop3A_262 = arith.fptosi %parallel_loop3A_261 : vector<16xf32> to vector<16xi32>
        %parallel_loop3A_263 = arith.sitofp %parallel_loop3A_262 : vector<16xi32> to vector<16xf32>
        %parallel_loop3A_264 = arith.subf %parallel_loop3A_261, %parallel_loop3A_263 : vector<16xf32>
        %parallel_loop3A_265 = arith.constant 3072 : i32
        %parallel_loop3A_266 = tpu.memref_slice %arg6[%parallel_loop3A_265] : memref<16384xf32, #tpu.memory_space<vmem>> -> memref<1024xf32, #tpu.memory_space<vmem>>
        %parallel_loop3A_267 = tpu.vector_load_idx %parallel_loop3A_266[%parallel_loop3A_262] : memref<1024xf32, #tpu.memory_space<vmem>>[vector<16xi32>], vector<16xf32>,
        %parallel_loop3A_268 = arith.constant 11264 : i32
        %parallel_loop3A_269 = tpu.memref_slice %arg6[%parallel_loop3A_268] : memref<16384xf32, #tpu.memory_space<vmem>> -> memref<1024xf32, #tpu.memory_space<vmem>>
        %parallel_loop3A_270 = tpu.vector_load_idx %parallel_loop3A_269[%parallel_loop3A_262] : memref<1024xf32, #tpu.memory_space<vmem>>[vector<16xi32>], vector<16xf32>,
        %parallel_loop3A_271 = arith.mulf %parallel_loop3A_270, %parallel_loop3A_264 : vector<16xf32>
        %parallel_loop3A_272 = arith.addf %parallel_loop3A_267, %parallel_loop3A_271 : vector<16xf32>
        %parallel_loop3A_273 = arith.constant 3 : i32
        %parallel_loop3A_274 = arith.index_cast %parallel_loop3A_158 : i32 to index
        %parallel_loop3A_275 = arith.index_cast %parallel_loop3A_273 : i32 to index
        %parallel_loop3A_276 = arith.index_cast %parallel_loop3A_176 : i32 to index
        %parallel_loop3A_277 = tpu.vector_load %arg10[%parallel_loop3A_274, %parallel_loop3A_275, %parallel_loop3A_276] {strides = array<i32>} : memref<16x8x128xf32, #tpu.memory_space<vmem>>, vector<16xf32>,
        tpu.vector_store %arg10[%parallel_loop3A_274, %parallel_loop3A_275, %parallel_loop3A_276], %parallel_loop3A_272 {strides = array<i32>} : memref<16x8x128xf32, #tpu.memory_space<vmem>>, vector<16xf32>,
        %parallel_loop3A_278 = arith.mulf %parallel_loop3A_253, %parallel_loop3A_270 : vector<16xf32>
        %parallel_loop3A_279 = arith.constant 4 : i32
        %parallel_loop3A_280 = arith.index_cast %parallel_loop3A_158 : i32 to index
        %parallel_loop3A_281 = arith.index_cast %parallel_loop3A_279 : i32 to index
        %parallel_loop3A_282 = arith.index_cast %parallel_loop3A_176 : i32 to index
        %parallel_loop3A_283 = tpu.vector_load %arg8[%parallel_loop3A_280, %parallel_loop3A_281, %parallel_loop3A_282] {strides = array<i32>} : memref<16x8x128xf32, #tpu.memory_space<vmem>>, vector<16xf32>,
        %parallel_loop3A_284 = arith.constant 1.000000e+03 : f32
        %parallel_loop3A_285 = vector.broadcast %parallel_loop3A_284 : f32 to vector<16xf32>
        %parallel_loop3A_286 = arith.mulf %parallel_loop3A_283, %parallel_loop3A_285 : vector<16xf32>
        %parallel_loop3A_287 = arith.fptosi %parallel_loop3A_286 : vector<16xf32> to vector<16xi32>
        %parallel_loop3A_288 = arith.sitofp %parallel_loop3A_287 : vector<16xi32> to vector<16xf32>
        %parallel_loop3A_289 = arith.subf %parallel_loop3A_286, %parallel_loop3A_288 : vector<16xf32>
        %parallel_loop3A_290 = arith.constant 4096 : i32
        %parallel_loop3A_291 = tpu.memref_slice %arg6[%parallel_loop3A_290] : memref<16384xf32, #tpu.memory_space<vmem>> -> memref<1024xf32, #tpu.memory_space<vmem>>
        %parallel_loop3A_292 = tpu.vector_load_idx %parallel_loop3A_291[%parallel_loop3A_287] : memref<1024xf32, #tpu.memory_space<vmem>>[vector<16xi32>], vector<16xf32>,
        %parallel_loop3A_293 = arith.constant 12288 : i32
        %parallel_loop3A_294 = tpu.memref_slice %arg6[%parallel_loop3A_293] : memref<16384xf32, #tpu.memory_space<vmem>> -> memref<1024xf32, #tpu.memory_space<vmem>>
        %parallel_loop3A_295 = tpu.vector_load_idx %parallel_loop3A_294[%parallel_loop3A_287] : memref<1024xf32, #tpu.memory_space<vmem>>[vector<16xi32>], vector<16xf32>,
        %parallel_loop3A_296 = arith.mulf %parallel_loop3A_295, %parallel_loop3A_289 : vector<16xf32>
        %parallel_loop3A_297 = arith.addf %parallel_loop3A_292, %parallel_loop3A_296 : vector<16xf32>
        %parallel_loop3A_298 = arith.constant 4 : i32
        %parallel_loop3A_299 = arith.index_cast %parallel_loop3A_158 : i32 to index
        %parallel_loop3A_300 = arith.index_cast %parallel_loop3A_298 : i32 to index
        %parallel_loop3A_301 = arith.index_cast %parallel_loop3A_176 : i32 to index
        %parallel_loop3A_302 = tpu.vector_load %arg10[%parallel_loop3A_299, %parallel_loop3A_300, %parallel_loop3A_301] {strides = array<i32>} : memref<16x8x128xf32, #tpu.memory_space<vmem>>, vector<16xf32>,
        tpu.vector_store %arg10[%parallel_loop3A_299, %parallel_loop3A_300, %parallel_loop3A_301], %parallel_loop3A_297 {strides = array<i32>} : memref<16x8x128xf32, #tpu.memory_space<vmem>>, vector<16xf32>,
        %parallel_loop3A_303 = arith.mulf %parallel_loop3A_278, %parallel_loop3A_295 : vector<16xf32>
        %parallel_loop3A_304 = arith.constant 5 : i32
        %parallel_loop3A_305 = arith.index_cast %parallel_loop3A_158 : i32 to index
        %parallel_loop3A_306 = arith.index_cast %parallel_loop3A_304 : i32 to index
        %parallel_loop3A_307 = arith.index_cast %parallel_loop3A_176 : i32 to index
        %parallel_loop3A_308 = tpu.vector_load %arg8[%parallel_loop3A_305, %parallel_loop3A_306, %parallel_loop3A_307] {strides = array<i32>} : memref<16x8x128xf32, #tpu.memory_space<vmem>>, vector<16xf32>,
        %parallel_loop3A_309 = arith.constant 1.000000e+03 : f32
        %parallel_loop3A_310 = vector.broadcast %parallel_loop3A_309 : f32 to vector<16xf32>
        %parallel_loop3A_311 = arith.mulf %parallel_loop3A_308, %parallel_loop3A_310 : vector<16xf32>
        %parallel_loop3A_312 = arith.fptosi %parallel_loop3A_311 : vector<16xf32> to vector<16xi32>
        %parallel_loop3A_313 = arith.sitofp %parallel_loop3A_312 : vector<16xi32> to vector<16xf32>
        %parallel_loop3A_314 = arith.subf %parallel_loop3A_311, %parallel_loop3A_313 : vector<16xf32>
        %parallel_loop3A_315 = arith.constant 5120 : i32
        %parallel_loop3A_316 = tpu.memref_slice %arg6[%parallel_loop3A_315] : memref<16384xf32, #tpu.memory_space<vmem>> -> memref<1024xf32, #tpu.memory_space<vmem>>
        %parallel_loop3A_317 = tpu.vector_load_idx %parallel_loop3A_316[%parallel_loop3A_312] : memref<1024xf32, #tpu.memory_space<vmem>>[vector<16xi32>], vector<16xf32>,
        %parallel_loop3A_318 = arith.constant 13312 : i32
        %parallel_loop3A_319 = tpu.memref_slice %arg6[%parallel_loop3A_318] : memref<16384xf32, #tpu.memory_space<vmem>> -> memref<1024xf32, #tpu.memory_space<vmem>>
        %parallel_loop3A_320 = tpu.vector_load_idx %parallel_loop3A_319[%parallel_loop3A_312] : memref<1024xf32, #tpu.memory_space<vmem>>[vector<16xi32>], vector<16xf32>,
        %parallel_loop3A_321 = arith.mulf %parallel_loop3A_320, %parallel_loop3A_314 : vector<16xf32>
        %parallel_loop3A_322 = arith.addf %parallel_loop3A_317, %parallel_loop3A_321 : vector<16xf32>
        %parallel_loop3A_323 = arith.constant 5 : i32
        %parallel_loop3A_324 = arith.index_cast %parallel_loop3A_158 : i32 to index
        %parallel_loop3A_325 = arith.index_cast %parallel_loop3A_323 : i32 to index
        %parallel_loop3A_326 = arith.index_cast %parallel_loop3A_176 : i32 to index
        %parallel_loop3A_327 = tpu.vector_load %arg10[%parallel_loop3A_324, %parallel_loop3A_325, %parallel_loop3A_326] {strides = array<i32>} : memref<16x8x128xf32, #tpu.memory_space<vmem>>, vector<16xf32>,
        tpu.vector_store %arg10[%parallel_loop3A_324, %parallel_loop3A_325, %parallel_loop3A_326], %parallel_loop3A_322 {strides = array<i32>} : memref<16x8x128xf32, #tpu.memory_space<vmem>>, vector<16xf32>,
        %parallel_loop3A_328 = arith.mulf %parallel_loop3A_303, %parallel_loop3A_320 : vector<16xf32>
        %parallel_loop3A_329 = arith.constant 6 : i32
        %parallel_loop3A_330 = arith.index_cast %parallel_loop3A_158 : i32 to index
        %parallel_loop3A_331 = arith.index_cast %parallel_loop3A_329 : i32 to index
        %parallel_loop3A_332 = arith.index_cast %parallel_loop3A_176 : i32 to index
        %parallel_loop3A_333 = tpu.vector_load %arg8[%parallel_loop3A_330, %parallel_loop3A_331, %parallel_loop3A_332] {strides = array<i32>} : memref<16x8x128xf32, #tpu.memory_space<vmem>>, vector<16xf32>,
        %parallel_loop3A_334 = arith.constant 1.000000e+03 : f32
        %parallel_loop3A_335 = vector.broadcast %parallel_loop3A_334 : f32 to vector<16xf32>
        %parallel_loop3A_336 = arith.mulf %parallel_loop3A_333, %parallel_loop3A_335 : vector<16xf32>
        %parallel_loop3A_337 = arith.fptosi %parallel_loop3A_336 : vector<16xf32> to vector<16xi32>
        %parallel_loop3A_338 = arith.sitofp %parallel_loop3A_337 : vector<16xi32> to vector<16xf32>
        %parallel_loop3A_339 = arith.subf %parallel_loop3A_336, %parallel_loop3A_338 : vector<16xf32>
        %parallel_loop3A_340 = arith.constant 6144 : i32
        %parallel_loop3A_341 = tpu.memref_slice %arg6[%parallel_loop3A_340] : memref<16384xf32, #tpu.memory_space<vmem>> -> memref<1024xf32, #tpu.memory_space<vmem>>
        %parallel_loop3A_342 = tpu.vector_load_idx %parallel_loop3A_341[%parallel_loop3A_337] : memref<1024xf32, #tpu.memory_space<vmem>>[vector<16xi32>], vector<16xf32>,
        %parallel_loop3A_343 = arith.constant 14336 : i32
        %parallel_loop3A_344 = tpu.memref_slice %arg6[%parallel_loop3A_343] : memref<16384xf32, #tpu.memory_space<vmem>> -> memref<1024xf32, #tpu.memory_space<vmem>>
        %parallel_loop3A_345 = tpu.vector_load_idx %parallel_loop3A_344[%parallel_loop3A_337] : memref<1024xf32, #tpu.memory_space<vmem>>[vector<16xi32>], vector<16xf32>,
        %parallel_loop3A_346 = arith.mulf %parallel_loop3A_345, %parallel_loop3A_339 : vector<16xf32>
        %parallel_loop3A_347 = arith.addf %parallel_loop3A_342, %parallel_loop3A_346 : vector<16xf32>
        %parallel_loop3A_348 = arith.constant 6 : i32
        %parallel_loop3A_349 = arith.index_cast %parallel_loop3A_158 : i32 to index
        %parallel_loop3A_350 = arith.index_cast %parallel_loop3A_348 : i32 to index
        %parallel_loop3A_351 = arith.index_cast %parallel_loop3A_176 : i32 to index
        %parallel_loop3A_352 = tpu.vector_load %arg10[%parallel_loop3A_349, %parallel_loop3A_350, %parallel_loop3A_351] {strides = array<i32>} : memref<16x8x128xf32, #tpu.memory_space<vmem>>, vector<16xf32>,
        tpu.vector_store %arg10[%parallel_loop3A_349, %parallel_loop3A_350, %parallel_loop3A_351], %parallel_loop3A_347 {strides = array<i32>} : memref<16x8x128xf32, #tpu.memory_space<vmem>>, vector<16xf32>,
        %parallel_loop3A_353 = arith.mulf %parallel_loop3A_328, %parallel_loop3A_345 : vector<16xf32>
        %parallel_loop3A_354 = arith.constant 7 : i32
        %parallel_loop3A_355 = arith.index_cast %parallel_loop3A_158 : i32 to index
        %parallel_loop3A_356 = arith.index_cast %parallel_loop3A_354 : i32 to index
        %parallel_loop3A_357 = arith.index_cast %parallel_loop3A_176 : i32 to index
        %parallel_loop3A_358 = tpu.vector_load %arg8[%parallel_loop3A_355, %parallel_loop3A_356, %parallel_loop3A_357] {strides = array<i32>} : memref<16x8x128xf32, #tpu.memory_space<vmem>>, vector<16xf32>,
        %parallel_loop3A_359 = arith.constant 1.000000e+03 : f32
        %parallel_loop3A_360 = vector.broadcast %parallel_loop3A_359 : f32 to vector<16xf32>
        %parallel_loop3A_361 = arith.mulf %parallel_loop3A_358, %parallel_loop3A_360 : vector<16xf32>
        %parallel_loop3A_362 = arith.fptosi %parallel_loop3A_361 : vector<16xf32> to vector<16xi32>
        %parallel_loop3A_363 = arith.sitofp %parallel_loop3A_362 : vector<16xi32> to vector<16xf32>
        %parallel_loop3A_364 = arith.subf %parallel_loop3A_361, %parallel_loop3A_363 : vector<16xf32>
        %parallel_loop3A_365 = arith.constant 7168 : i32
        %parallel_loop3A_366 = tpu.memref_slice %arg6[%parallel_loop3A_365] : memref<16384xf32, #tpu.memory_space<vmem>> -> memref<1024xf32, #tpu.memory_space<vmem>>
        %parallel_loop3A_367 = tpu.vector_load_idx %parallel_loop3A_366[%parallel_loop3A_362] : memref<1024xf32, #tpu.memory_space<vmem>>[vector<16xi32>], vector<16xf32>,
        %parallel_loop3A_368 = arith.constant 15360 : i32
        %parallel_loop3A_369 = tpu.memref_slice %arg6[%parallel_loop3A_368] : memref<16384xf32, #tpu.memory_space<vmem>> -> memref<1024xf32, #tpu.memory_space<vmem>>
        %parallel_loop3A_370 = tpu.vector_load_idx %parallel_loop3A_369[%parallel_loop3A_362] : memref<1024xf32, #tpu.memory_space<vmem>>[vector<16xi32>], vector<16xf32>,
        %parallel_loop3A_371 = arith.mulf %parallel_loop3A_370, %parallel_loop3A_364 : vector<16xf32>
        %parallel_loop3A_372 = arith.addf %parallel_loop3A_367, %parallel_loop3A_371 : vector<16xf32>
        %parallel_loop3A_373 = arith.constant 7 : i32
        %parallel_loop3A_374 = arith.index_cast %parallel_loop3A_158 : i32 to index
        %parallel_loop3A_375 = arith.index_cast %parallel_loop3A_373 : i32 to index
        %parallel_loop3A_376 = arith.index_cast %parallel_loop3A_176 : i32 to index
        %parallel_loop3A_377 = tpu.vector_load %arg10[%parallel_loop3A_374, %parallel_loop3A_375, %parallel_loop3A_376] {strides = array<i32>} : memref<16x8x128xf32, #tpu.memory_space<vmem>>, vector<16xf32>,
        tpu.vector_store %arg10[%parallel_loop3A_374, %parallel_loop3A_375, %parallel_loop3A_376], %parallel_loop3A_372 {strides = array<i32>} : memref<16x8x128xf32, #tpu.memory_space<vmem>>, vector<16xf32>,
        %parallel_loop3A_378 = arith.mulf %parallel_loop3A_353, %parallel_loop3A_370 : vector<16xf32>
        %parallel_loop3A_379 = arith.constant 16 : i32
        %parallel_loop3A_380 = arith.muli %parallel_loop3A_134, %parallel_loop3A_379 : i32
        %parallel_loop3A_381 = arith.index_cast %parallel_loop3A_380 : i32 to index
        %parallel_loop3A_382 = tpu.vector_load %arg12[%parallel_loop3A_381] {strides = array<i32>} : memref<2048xf32, #tpu.memory_space<vmem>>, vector<16xf32>,
        tpu.vector_store %arg12[%parallel_loop3A_381], %parallel_loop3A_378 {strides = array<i32>} : memref<2048xf32, #tpu.memory_space<vmem>>, vector<16xf32>,
      } {sc.loop_unroll_factor = 4 : i64, sc.parallel_access}
      %not3A_113 = arith.constant true
      %not3A_114 = arith.xori %eq3A_95, %not3A_113 : i1
      %convert_element_type3A_115 = arith.extui %not3A_114 : i1 to i32
      %cond3A_116 = arith.constant 0 : i32
      %cond3A_117 = arith.cmpi ne, %convert_element_type3A_115, %cond3A_116 : i32
      scf.if %cond3A_117 {
        %add3A_134 = arith.constant 2 : i32
        %add3A_135 = arith.addi %add3A_91, %add3A_134 : i32
        %mul3A_136 = arith.constant 16 : i32
        %mul3A_137 = arith.muli %add3A_135, %mul3A_136 : i32
        %add3A_138 = arith.addi %mul3A_2, %mul3A_137 : i32
        %dma_start3A_139 = arith.constant 0 : i32
        %dma_start3A_140 = arith.constant 0 : i32
        %dma_start3A_141 = tpu.memref_slice %arg2[%add3A_138, %dma_start3A_139, %dma_start3A_140] : memref<8192x8x128xf32, #tpu.memory_space<hbm>> -> memref<16x8x128xf32, #tpu.memory_space<hbm>>
        %dma_start3A_142 = arith.constant 0 : i32
        %dma_start3A_143 = arith.constant 0 : i32
        %dma_start3A_144 = tpu.memref_slice %arg2[%add3A_138, %dma_start3A_142, %dma_start3A_143] : memref<8192x8x128xf32, #tpu.memory_space<hbm>> -> memref<16x8x128xf32, #tpu.memory_space<hbm>>
        tpu.enqueue_dma source(%dma_start3A_144 : memref<16x8x128xf32, #tpu.memory_space<hbm>>) target(%arg8 : memref<16x8x128xf32, #tpu.memory_space<vmem>>) target_semaphore(%arg14 : memref<!tpu.dma_semaphore, #tpu.memory_space<semaphore_mem>>)
      } else {
      }
      %mul3A_118 = arith.constant 16 : i32
      %mul3A_119 = arith.muli %add3A_91, %mul3A_118 : i32
      %add3A_120 = arith.addi %mul3A_2, %mul3A_119 : i32
      %dma_start3A_121 = arith.constant 0 : i32
      %dma_start3A_122 = arith.constant 0 : i32
      %dma_start3A_123 = tpu.memref_slice %arg4[%add3A_120, %dma_start3A_121, %dma_start3A_122] : memref<8192x8x128xf32, #tpu.memory_space<hbm>> -> memref<16x8x128xf32, #tpu.memory_space<hbm>>
      %dma_start3A_124 = arith.constant 0 : i32
      %dma_start3A_125 = arith.constant 0 : i32
      %dma_start3A_126 = tpu.memref_slice %arg4[%add3A_120, %dma_start3A_124, %dma_start3A_125] : memref<8192x8x128xf32, #tpu.memory_space<hbm>> -> memref<16x8x128xf32, #tpu.memory_space<hbm>>
      tpu.enqueue_dma source(%arg10 : memref<16x8x128xf32, #tpu.memory_space<vmem>>) target(%dma_start3A_126 : memref<16x8x128xf32, #tpu.memory_space<hbm>>) target_semaphore(%arg16 : memref<!tpu.dma_semaphore, #tpu.memory_space<semaphore_mem>>)
      %mul3A_127 = arith.constant 16 : i32
      %mul3A_128 = arith.muli %add3A_91, %mul3A_127 : i32
      %add3A_129 = arith.addi %mul3A_2, %mul3A_128 : i32
      %mul3A_130 = arith.constant 128 : i32
      %mul3A_131 = arith.muli %add3A_129, %mul3A_130 : i32
      %dma_start3A_132 = tpu.memref_slice %arg5[%mul3A_131] : memref<1048576xf32, #tpu.memory_space<hbm>> -> memref<2048xf32, #tpu.memory_space<hbm>>
      %dma_start3A_133 = tpu.memref_slice %arg5[%mul3A_131] : memref<1048576xf32, #tpu.memory_space<hbm>> -> memref<2048xf32, #tpu.memory_space<hbm>>
      tpu.enqueue_dma source(%arg12 : memref<2048xf32, #tpu.memory_space<vmem>>) target(%dma_start3A_133 : memref<2048xf32, #tpu.memory_space<hbm>>) target_semaphore(%arg16 : memref<!tpu.dma_semaphore, #tpu.memory_space<semaphore_mem>>)
    }
    %scan3A_22 = arith.constant 8 : i32
    %add3A_23 = arith.constant 224 : i32
    %add3A_24 = arith.addi %mul3A_2, %add3A_23 : i32
    %dma_wait3A = arith.constant 0 : i32
    %dma_wait3A_25 = arith.constant 0 : i32
    %dma_wait3A_26 = tpu.memref_slice %arg4[%add3A_24, %dma_wait3A, %dma_wait3A_25] : memref<8192x8x128xf32, #tpu.memory_space<hbm>> -> memref<16x8x128xf32, #tpu.memory_space<hbm>>
    %dma_wait3A_27 = arith.constant 0 : i32
    %dma_wait3A_28 = arith.constant 0 : i32
    %dma_wait3A_29 = tpu.memref_slice %arg4[%add3A_24, %dma_wait3A_27, %dma_wait3A_28] : memref<8192x8x128xf32, #tpu.memory_space<hbm>> -> memref<16x8x128xf32, #tpu.memory_space<hbm>>
    tpu.wait_dma2 semaphore(%arg15 : memref<!tpu.dma_semaphore, #tpu.memory_space<semaphore_mem>>) src(%arg9 : memref<16x8x128xf32, #tpu.memory_space<vmem>>) dst(%dma_wait3A_29 : memref<16x8x128xf32, #tpu.memory_space<hbm>>)
    %add3A_30 = arith.constant 224 : i32
    %add3A_31 = arith.addi %mul3A_2, %add3A_30 : i32
    %mul3A_32 = arith.constant 128 : i32
    %mul3A_33 = arith.muli %add3A_31, %mul3A_32 : i32
    %dma_wait3A_34 = tpu.memref_slice %arg5[%mul3A_33] : memref<1048576xf32, #tpu.memory_space<hbm>> -> memref<2048xf32, #tpu.memory_space<hbm>>
    %dma_wait3A_35 = tpu.memref_slice %arg5[%mul3A_33] : memref<1048576xf32, #tpu.memory_space<hbm>> -> memref<2048xf32, #tpu.memory_space<hbm>>
    tpu.wait_dma2 semaphore(%arg15 : memref<!tpu.dma_semaphore, #tpu.memory_space<semaphore_mem>>) src(%arg11 : memref<2048xf32, #tpu.memory_space<vmem>>) dst(%dma_wait3A_35 : memref<2048xf32, #tpu.memory_space<hbm>>)
    %add3A_36 = arith.constant 240 : i32
    %add3A_37 = arith.addi %mul3A_2, %add3A_36 : i32
    %dma_wait3A_38 = arith.constant 0 : i32
    %dma_wait3A_39 = arith.constant 0 : i32
    %dma_wait3A_40 = tpu.memref_slice %arg4[%add3A_37, %dma_wait3A_38, %dma_wait3A_39] : memref<8192x8x128xf32, #tpu.memory_space<hbm>> -> memref<16x8x128xf32, #tpu.memory_space<hbm>>
    %dma_wait3A_41 = arith.constant 0 : i32
    %dma_wait3A_42 = arith.constant 0 : i32
    %dma_wait3A_43 = tpu.memref_slice %arg4[%add3A_37, %dma_wait3A_41, %dma_wait3A_42] : memref<8192x8x128xf32, #tpu.memory_space<hbm>> -> memref<16x8x128xf32, #tpu.memory_space<hbm>>
    tpu.wait_dma2 semaphore(%arg16 : memref<!tpu.dma_semaphore, #tpu.memory_space<semaphore_mem>>) src(%arg10 : memref<16x8x128xf32, #tpu.memory_space<vmem>>) dst(%dma_wait3A_43 : memref<16x8x128xf32, #tpu.memory_space<hbm>>)
    %add3A_44 = arith.constant 240 : i32
    %add3A_45 = arith.addi %mul3A_2, %add3A_44 : i32
    %mul3A_46 = arith.constant 128 : i32
    %mul3A_47 = arith.muli %add3A_45, %mul3A_46 : i32
    %dma_wait3A_48 = tpu.memref_slice %arg5[%mul3A_47] : memref<1048576xf32, #tpu.memory_space<hbm>> -> memref<2048xf32, #tpu.memory_space<hbm>>
    %dma_wait3A_49 = tpu.memref_slice %arg5[%mul3A_47] : memref<1048576xf32, #tpu.memory_space<hbm>> -> memref<2048xf32, #tpu.memory_space<hbm>>
    tpu.wait_dma2 semaphore(%arg16 : memref<!tpu.dma_semaphore, #tpu.memory_space<semaphore_mem>>) src(%arg12 : memref<2048xf32, #tpu.memory_space<vmem>>) dst(%dma_wait3A_49 : memref<2048xf32, #tpu.memory_space<hbm>>)
    return
  }
}

</mosaic_0001>

<sc_bundles>
// kernel: kernel.3.cloned.1.call-start
scs
__scs_entry_jumppad:
0x0: {  	(pc) =	sbr.rel $0x88, $3  }
0x1: {  	(tag) =	ssettag $0x0;
	lr =	simm.s32 $0x1  }
0x2: {  	[smem:$0x3F9E] =	sst lr;
	_ =	strace $0xD0000000  }
0x3: {  	_ = 	snop  }
0x4: {  	_ = 	snop  }
0x5: {  	_ = 	snop  }
0x6: {  	_ = 	snop  }
0x7: {  	_ = 	snop  }
__scs_overlays_trampoline_lowered:
0x8: {  	[smem:$0x3FAD] =	sst s0  }
0x9: {  	[smem:$0x3FAE] =	sst s1  }
0xa: {  	[smem:$0x3FAF] =	sst s2  }
0xb: {  	[smem:$0x3FB0] =	sst s3  }
0xc: {  	[smem:$0x3FB1] =	sst s4  }
0xd: {  	[smem:$0x3FB2] =	sst s5  }
0xe: {  	[smem:$0x3FB3] =	sst s6  }
0xf: {  	[smem:$0x3FB4] =	sst s7  }
0x10: {  	[smem:$0x3FB5] =	sst s8  }
0x11: {  	[smem:$0x3FB6] =	sst s9;
	s0 =	simm.s32 @!p0 $0x0  }
0x12: {  	s1 =	sld [smem:$0x3F9C];
	s0 =	simm.s32 @p0 $0x1  }
0x13: {  	[smem:$0x3FB7] =	sst s0;
	s0 =	simm.s32 @!p1 $0x0  }
0x14: {  	s2 =	sld [smem:$0x3F9B];
	s0 =	simm.s32 @p1 $0x1  }
0x15: {  	[smem:$0x3FB8] =	sst s0;
	s0 =	simm.s32 @!p2 $0x0  }
0x16: {  	s3 =	sld [smem:$0x3FDB];
	s0 =	simm.s32 @p2 $0x1  }
0x17: {  	s4 =	simm.s32 $0x1BF5;
	[smem:$0x3FBA] =	sst s0  }
0x18: {  	s0 =	sld [smem:$0x3F9D];
	_ =	swait.ge [sflag:s4], $0x0  }
0x19: {  	s7 =	sld [smem:$0x3F9E]  }
0x1a: {  	s8 =	sadd.s32 $0xFFFFE003, lr  }
0x1b: {  	s9 =	sadd.s32 $0xFFFFFEF7, lr;
	s5 =	simm.s32 $0xFFFFFFFF;
	p2 =	slt.u32 s8, $0xFFFFF086  }
0x1c: {  	p1 =	slt.u32 s9, $0xF7A;
	s5 =	simm.s32 @!p2 $0x0  }
0x1d: {  	s5 =	simm.s32 @p1 $0x1;
	p0 =	seq.s32 s7, s2  }
0x1e: {  	s7 =	smul.u32 @!p0 $0xF7A, s2;
	p2 =	seq.s32 @!p0 s5, $0x0  }
0x1f: {  	s9 =	smul.u32 $0xF7A, s1;
	s8 =	simm.s32 @!p0 $0x1BF5;
	p2 =	por !p2, p0  }
0x20: {  	[sflag:s8] =	ssyncset.s32 @!p0 $0xFFFFF086;
	s6 =	sadd.s32 @!p0 s3, s7;
	s7 =	simm.s32 @!p0 $0x108  }
0x21: {  	s3 =	sadd.s32 s3, s9;
	s6 =	sadd.s32 @!p0 $0x88, s6;
	s7 =	simm.s32 @p2 $0x1082  }
0x22: {  	[simem:s7], [sflag:s8] =	dma.local @!p0 [hbm:s6], $0xF7A  }
0x23: {  	s9 =	sor.u32 $0xD0000000, s2;
	s6 =	simm.s32 $0x108;
	_ =	swait.ge @!p0 [sflag:s8], $0x0  }
0x24: {  	s3 =	sadd.s32 $0x88, s3;
	s6 =	simm.s32 @!p1 $0x1082;
	[sflag:s4] =	ssyncset.s32 $0xFFFFF086  }
0x25: {  	[simem:s6], [sflag:s4] =	dma.local [hbm:s3], $0xF7A  }
0x26: {  	[smem:$0x3F9E] =	sst s1;
	(tag) =	ssettag s2;
	_ =	strace s9  }
0x27: {  	s1 =	sld [smem:$0x3FAE]  }
0x28: {  	s2 =	sld [smem:$0x3FAF]  }
0x29: {  	s4 =	sld [smem:$0x3FB1]  }
0x2a: {  	p0 =	seq.s32 s5, $0x0;
	s5 =	sld [smem:$0x3FB2]  }
0x2b: {  	s6 =	sld [smem:$0x3FB3]  }
0x2c: {  	s7 =	sld [smem:$0x3FB4]  }
0x2d: {  	s3 =	simm.s32 $0x108;
	s8 =	sld [smem:$0x3FB5]  }
0x2e: {  	s3 =	simm.s32 @!p0 $0x1082;
	s9 =	sld [smem:$0x3FB6]  }
0x2f: {  	lr =	sadd.s32 s0, s3;
	s0 =	sld [smem:$0x3FAD]  }
0x30: {  	s3 =	sld [smem:$0x3FB0]  }
0x31: {  	[smem:$0x3FB9] =	sst s10  }
0x32: {  	s10 =	sld [smem:$0x3FB7];
	_ =	sdelay $0x3  }
0x33: {  	p0 =	seq.s32 s10, $0x1;
	s10 =	sld [smem:$0x3FB9];
	_ =	sdelay $0x3  }
0x34: {  	[smem:$0x3FB9] =	sst s10  }
0x35: {  	s10 =	sld [smem:$0x3FB8];
	_ =	sdelay $0x3  }
0x36: {  	p1 =	seq.s32 s10, $0x1;
	s10 =	sld [smem:$0x3FB9];
	_ =	sdelay $0x3  }
0x37: {  	[smem:$0x3FB9] =	sst s10  }
0x38: {  	s10 =	sld [smem:$0x3FBA]  }
0x39: {  	_ = 	snop;
	(pc) =	sbr.ind lr, $3  }
0x3a: {  	_ = 	snop  }
0x3b: {  	_ = 	snop  }
0x3c: {  	p2 =	seq.s32 s10, $0x1;
	s10 =	sld [smem:$0x3FB9]  }
0x3d: {  	_ =	shalt  }
0x3e: {  	_ =	shalt  }
0x3f: {  	_ =	shalt  }
0x40: {  	_ =	shalt  }
0x41: {  	_ =	shalt  }
0x42: {  	_ =	shalt  }
0x43: {  	_ =	shalt  }
0x44: {  	_ =	shalt  }
0x45: {  	_ =	shalt  }
0x46: {  	_ =	shalt  }
0x47: {  	_ =	shalt  }
0x48: {  	_ =	shalt  }
0x49: {  	_ =	shalt  }
0x4a: {  	_ =	shalt  }
0x4b: {  	_ =	shalt  }
0x4c: {  	_ =	shalt  }
0x4d: {  	_ =	shalt  }
0x4e: {  	_ =	shalt  }
0x4f: {  	_ =	shalt  }
0x50: {  	_ =	shalt  }
0x51: {  	_ =	shalt  }
0x52: {  	_ =	shalt  }
0x53: {  	_ =	shalt  }
0x54: {  	_ =	shalt  }
0x55: {  	_ =	shalt  }
0x56: {  	_ =	shalt  }
0x57: {  	_ =	shalt  }
0x58: {  	_ =	shalt  }
0x59: {  	_ =	shalt  }
0x5a: {  	_ =	shalt  }
0x5b: {  	_ =	shalt  }
0x5c: {  	_ =	shalt  }
0x5d: {  	_ =	shalt  }
0x5e: {  	_ =	shalt  }
0x5f: {  	_ =	shalt  }
0x60: {  	_ =	shalt  }
0x61: {  	_ =	shalt  }
0x62: {  	_ =	shalt  }
0x63: {  	_ =	shalt  }
0x64: {  	_ =	shalt  }
0x65: {  	_ =	shalt  }
0x66: {  	_ =	shalt  }
0x67: {  	_ =	shalt  }
0x68: {  	_ =	shalt  }
0x69: {  	_ =	shalt  }
0x6a: {  	_ =	shalt  }
0x6b: {  	_ =	shalt  }
0x6c: {  	_ =	shalt  }
0x6d: {  	_ =	shalt  }
0x6e: {  	_ =	shalt  }
0x6f: {  	_ =	shalt  }
0x70: {  	_ =	shalt  }
0x71: {  	_ =	shalt  }
0x72: {  	_ =	shalt  }
0x73: {  	_ =	shalt  }
0x74: {  	_ =	shalt  }
0x75: {  	_ =	shalt  }
0x76: {  	_ =	shalt  }
0x77: {  	_ =	shalt  }
0x78: {  	_ =	shalt  }
0x79: {  	_ =	shalt  }
0x7a: {  	_ =	shalt  }
0x7b: {  	_ =	shalt  }
0x7c: {  	_ =	shalt  }
0x7d: {  	_ =	shalt  }
0x7e: {  	_ =	shalt  }
0x7f: {  	_ =	shalt  }
0x80: {  	_ =	shalt  }
0x81: {  	_ =	shalt  }
0x82: {  	_ =	shalt  }
0x83: {  	_ =	shalt  }
0x84: {  	_ =	shalt  }
0x85: {  	_ =	shalt  }
0x86: {  	_ =	shalt  }
0x87: {  	_ =	shalt  }
.Lfunc_end0:
.L_simem_size_0:
called_computation_lowered:
.L_overlay_start_0:
0x88: {  	s2 =	sld [smem:$0x3FD9]  }
0x89: {  	s3 =	sld [smem:$0x3FFE];
	_ =	sdelay $0x1  }
0x8a: {  	s1 =	srdreg.scid  }
0x8b: {  	s0 =	sand.u32 $0x1, s1  }
0x8c: {  	s14 =	sshll.u32 s0, $0xA;
	s2 =	sadd.s32 s3, s2  }
0x8d: {  	s2 =	sadd.s32 s2, s14  }
0x8e: {  	[smem:$0x3FC5] =	sst s2  }
0x8f: {  	_ = 	snop  }
0x90: {  	s2 =	sld [smem:$0x3FD0];
	_ =	sdelay $0x2  }
0x91: {  	s4 =	simm.s32 $0xA;
	s5 =	simm.s32 $0x10;
	s15 =	sld [smem:$0x3FC9]  }
0x92: {  	[smem:s5], [sflag:s4] =	dma.local [hbm:s2], $0x1  }
0x93: {  	_ =	swait.eq [sflag:s4], $0x1  }
0x94: {  	[sflag:s4] =	ssyncset.done $0x0  }
0x95: {  	s16 =	sld [smem:$0x10];
	[sflag:s4] =	ssyncadd.s32 $0xFFFFFFFF  }
0x96: {  	s17 =	sld [smem:$0x11];
	(tm) =	ssettm $0x1  }
0x97: {  	s18 =	sld [smem:$0x3FFB];
	_ =	sdelay $0x3  }
0x98: {  	_ =	strace s18  }
0x99: {  	s5 =	sld [smem:$0x3FFC];
	_ =	sdelay $0x3  }
0x9a: {  	_ =	strace s5  }
0x9b: {  	s5 =	sld [smem:$0x3FFD];
	_ =	sdelay $0x3  }
0x9c: {  	_ =	strace s5  }
0x9d: {  	_ =	strace $0x8FFFFFFF  }
0x9e: {  	s19 =	sld [smem:$0x3FDB];
	_ =	sdelay $0x1  }
0x9f: {  	s6 =	simm.s32 $_scs_section_size  }
0xa0: {  	s7 =	simm.s32 $_size__tile_overlayer_lowered;
	s8 =	simm.s32 $_tile_overlayer_lowered  }
0xa1: {  	s22 =	simm.s32 $0x1BFF;
	s21 =	sshll.u32 s8, $0x1;
	s5 =	sadd.s32 s6, s19  }
0xa2: {  	s9 =	simm.s32 $0x0;
	s20 =	sshll.u32 s7, $0x1;
	s7 =	sadd.s32 s21, s5  }
0xa3: {  	[timem:s9], [sflag:s22] =	dma.local [hbm:s7], s20  }
0xa4: {  	_ =	swait.ge [sflag:s22], s20  }
0xa5: {  	s6 =	ssub.s32 $0x0, s20;
	[sflag:s22] =	ssyncset.done $0x0  }
0xa6: {  	[sflag:s22] =	ssyncadd.s32 s6;
	_ =	sdelay $0x1  }
0xa7: {  	s23 =	simm.s32 $0x1B8B  }
0xa8: {  	_ =	swait.ge [sflag:s23], $0x1  }
0xa9: {  	[sflag:s23] =	ssyncset.done $0x0  }
0xaa: {  	s25 =	simm.s32 $0x1B8E;
	s24 =	sld [smem:$0x3FFE];
	[sflag:s23] =	ssyncadd.s32 $0xFFFFFFFF  }
0xab: {  	s26 =	simm.s32 $execute0_lowered;
	[smem:$0x3FD2] =	sst s25  }
0xac: {  	s7 =	sshll.u32 s26, $0x1;
	_ =	strace $0x80000046;
	[dreg:$0x1] =	wrdreg $0xFFFFFFFF  }
0xad: {  	s28 =	simm.s32 $_size_execute0_lowered;
	s5 =	sadd.s32 s5, s7;
	[dreg:$0x0] =	wrdreg $0x0  }
0xae: {  	s7 =	sshll.u32 s28, $0x1;
	[dreg:$0x2] =	wrdreg s5  }
0xaf: {  	[dreg:$0x3] =	wrdreg s7  }
0xb0: {  	[dreg:$0x4] =	wrdreg $0xC0  }
0xb1: {  	_ =	task [dreg:s9], $0x5FFFF  }
0xb2: {  	[dreg:$0x1] =	wrdreg $0xFFFFFFFF  }
0xb3: {  	[dreg:$0x0] =	wrdreg $0x60  }
0xb4: {  	[dreg:$0x2] =	wrdreg s15  }
0xb5: {  	[dreg:$0x3] =	wrdreg s24  }
0xb6: {  	[dreg:$0x4] =	wrdreg s16  }
0xb7: {  	[dreg:$0x5] =	wrdreg s17  }
0xb8: {  	[dreg:$0x6] =	wrdreg $0x9  }
0xb9: {  	_ =	task.clear_ibuf [dreg:s9], $0x7FFFF;
	_ =	strace $0x90000046  }
0xba: {  	s29 =	simm.s32 $0x9;
	_ =	strace $0x80000048  }
0xbb: {  	_ =	swait.ge [sflag:s29], $0x1  }
0xbc: {  	[sflag:s29] =	ssyncadd.s32 $0xFFFFFFFF  }
0xbd: {  	_ =	strace $0x90000048  }
0xbe: {  	_ =	sfence  }
0xbf: {  	s30 =	sld [smem:$0x0];
	_ =	sdelay $0x2  }
0xc0: {  	s31 =	sshll.u32 s1, $0xD;
	s1 =	sshrl.u32 s1, $0x2  }
0xc1: {  	s3 =	sand.u32 $0x4000, s31;
	s1 =	sadd.s32 s1, s30  }
0xc2: {  	s0 =	sor.u32 s3, s0;
	s1 =	sshll.u32 s1, $0x11  }
0xc3: {  	s0 =	sor.u32 s1, s0  }
0xc4: {  	s0 =	sadd.s32 $0x8F2B, s0  }
0xc5: {  	[sflag:s0] =	ssyncadd.remote.s32 $0x1  }
0xc6: {  	_ =	sfence.sel $0xFFFF  }
0xc7: {  	[dreg:$0x0] =	wrdreg $0xFFFFFFFF;
	(pc) =	sbr.abs _section_cstart, $3  }
0xc8: {  	[dreg:$0x1] =	wrdreg $0xFFFFFFFF  }
0xc9: {  	_ =	task.clear_ibuf [dreg:s9], $0x2FFFF;
	_ =	strace $0x9FFFFFFF  }
0xca: {  	(tm) =	ssettm $0x7FFFFFFF  }
0xcb: {  	_ =	shalt  }
tec
execute0_lowered:
.L_overlay_start_1:
0x0: {  	(tag) =	ssettag $0x1  }
0x1: {  	s4 =	rddreg [dreg:$0x0]  }
0x2: {  	s0 =	rddreg [dreg:$0x1]  }
0x3: {  	s1 =	srdreg.scid;
	s2 =	stileid.u32  }
0x4: {  	s7 =	simm.s32 $0x0;
	s20 =	simm.s32 $0x2000;
	s21 =	simm.s32 $0x400  }
0x5: {  	s22 =	simm.s32 $0x2400;
	s23 =	simm.s32 $0x800;
	s12 =	simm.s32 $0x1000  }
0x6: {  	s9 =	simm.s32 $0x3000;
	s28 =	simm.s32 $0x1400;
	s29 =	simm.s32 $0x3400  }
0x7: {  	s14 =	simm.s32 $0x1800;
	s17 =	simm.s32 $0x3800;
	s15 =	simm.s32 $0x3C00  }
0x8: {  	s1 =	sand.u32 $0x1, s1;
	s2 =	sshll.u32 s2, $0x9;
	[smem:$0x7FF] =	sst s7  }
0x9: {  	s0 =	sadd.s32 $0x800, s0;
	s3 =	sshll.u32 s1, $0x8;
	s1 =	ssub.s32 $0x2, s1  }
0xa: {  	_ =	strace $0x80000047;
	[smem:$0x7F7] =	sst s0;
	s5 =	sor.u32 s3, s2  }
0xb: {  	s24 =	sshrl.u32 s1, $0x1;
	s30 =	sor.u32 $0x20, s5;
	[smem:$0x7FB] =	sst s5  }
0xc: {  	s2 =	sshll.u32 s5, $0x7;
	s31 =	sor.u32 $0x30, s5;
	[smem:$0x7FA] =	sst s30  }
0xd: {  	s25 =	ssub.s32 s1, s24;
	s2 =	sadd.s32 s4, s2;
	[smem:$0x7FC] =	sst s31  }
0xe: {  	s24 =	simm.s32 $0x2800;
	s0 =	smax.u32 s25, $0x1;
	[smem:$0x7F8] =	sst s2  }
0xf: {  	s25 =	simm.s32 $0xC00;
	s26 =	sadd.s32 $0x800, s2;
	[smem:$0x7FD] =	sst s0  }
0x10: {  	s2 =	simm.s32 $0x0;
	[smem:$0x7F9] =	sst s26;
	s26 =	simm.s32 $0x2C00  }
.LBB2_1:
0x11: {  	s0 =	sld [smem:$0x7F7];
	_ =	sdelay $0x1  }
0x12: {  	[smem:$0x7F6] =	sst s2;
	s18 =	simm.s32 $0x5  }
0x13: {  	[tilespmem:s7], [sflag:$0x5] =	stream.linear.gather [hbm4b:s0+s7], $0x4000, $0x38;
	[tilespmem:$0x15000] =	vst v63  }
0x14: {  	_ =	swait.ge [sflag:s18], $0x4000  }
0x15: {  	s19 =	sld [smem:$0x7F8]  }
0x16: {  	[sflag:s18] =	ssyncset.done $0x0  }
0x17: {  	s1 =	simm.s32 $0x4000;
	s30 =	sld [smem:$0x7F9];
	[sflag:s18] =	ssyncadd.s32 $0xFFFFC000  }
0x18: {  	[tilespmem:s1], [sflag:$0x1] =	stream.linear.gather [hbm4b:s19+s7], $0x4000, $0x38;
	[tilespmem:$0x15000] =	vst v63  }
0x19: {  	s31 =	simm.s32 $0x8000;
	s1 =	simm.s32 $0x0  }
0x1a: {  	[tilespmem:s31], [sflag:$0x2] =	stream.linear.gather [hbm4b:s30+s7], $0x4000, $0x38;
	[tilespmem:$0x15000] =	vst v63  }
.LBB2_2:
0x1b: {  	[smem:$0x7F3] =	sst s1;
	s0 =	simm.s32 $0x1  }
0x1c: {  	_ =	swait.ge [sflag:s0], $0x4000  }
0x1d: {  	p0 =	seq.s32 s1, $0x0;
	[sflag:s0] =	ssyncset.done $0x0  }
0x1e: {  	s1 =	simm.s32 @!p0 $0x3;
	[sflag:s0] =	ssyncadd.s32 $0xFFFFC000  }
0x1f: {  	_ =	swait.ge @!p0 [sflag:s1], $0x4000  }
0x20: {  	[sflag:s1] =	ssyncset.done @!p0 $0x0  }
0x21: {  	[sflag:s1] =	ssyncadd.s32 @!p0 $0xFFFFC000  }
0x22: {  	s31 =	simm.s32 $0x0;
	s2 =	simm.s32 $0x20;
	_ =	swait.ge @!p0 [sflag:s1], $0x800  }
0x23: {  	s5 =	sand.u32 $0x3C00, s31;
	s2 =	sand.u32 $0x60, s2;
	[sflag:s1] =	ssyncset.done @!p0 $0x0  }
0x24: {  	s3 =	sor.u32 s5, s2;
	[sflag:s1] =	ssyncadd.s32 @!p0 $0xFFFFF800  }
0x25: {  	v0 =	vld [tilespmem:s3+$0x4000];
	_ =	sdelay $0x4  }
0x26: {  	v1 =	vmul.f32 $1.000000000e+03, v0  }
0x27: {  	s4 =	simm.s32 $0x0  }
0x28: {  	s1 =	sand.u32 $0x40, s4;
	v0 =	vtrunc.f32 v1  }
0x29: {  	s6 =	simm.s32 $0x10;
	s1 =	sor.u32 s1, s5;
	v2 =	vcvt.f32.s32 v0  }
0x2a: {  	s2 =	sand.u32 $0x50, s6;
	s6 =	simm.s32 $0x30;
	v0 =	vld [tilespmem:s1+$0x4000]  }
0x2b: {  	s8 =	sand.u32 $0x70, s6;
	s4 =	sor.u32 s5, s2;
	v3 =	vld [tilespmem:s3+$0x4080]  }
0x2c: {  	v4 =	vld [tilespmem:s4+$0x4000];
	s5 =	sor.u32 s5, s8  }
0x2d: {  	v5 =	vld [tilespmem:s5+$0x4000];
	_ =	sdelay $0x1  }
0x2e: {  	v7 =	vmul.f32 $1.000000000e+03, v0;
	v0 =	vld.idx.msk [tilespmem:v2+s20+$0x0], $0xffff  }
0x2f: {  	v3 =	vmul.f32 $1.000000000e+03, v3;
	v6 =	vcvt.s32.f32 v2  }
0x30: {  	v8 =	vmul.f32 $1.000000000e+03, v4;
	v2 =	vld.idx.msk [tilespmem:v2+s7+$0x0], $0xffff  }
0x31: {  	v9 =	vmul.f32 $1.000000000e+03, v5;
	v1 =	vsub.f32 v1, v6;
	v6 =	vtrunc.f32 v3  }
0x32: {  	v5 =	vcvt.f32.s32 v6;
	v4 =	vtrunc.f32 v7  }
0x33: {  	v12 =	vld [tilespmem:s4+$0x4080];
	v11 =	vcvt.f32.s32 v4;
	v1 =	vmul.f32 v1, v0  }
0x34: {  	v6 =	vld [tilespmem:s3+$0x4100]  }
0x35: {  	v10 =	vld [tilespmem:s1+$0x4080];
	v4 =	vtrunc.f32 v8;
	v18 =	vcvt.s32.f32 v11;
	v1 =	vadd.f32 v1, v2  }
0x36: {  	v15 =	vld [tilespmem:s1+$0x4100];
	v13 =	vcvt.f32.s32 v4  }
0x37: {  	v4 =	vtrunc.f32 v9;
	v7 =	vsub.f32 v7, v18;
	v18 =	vld [tilespmem:s3+$0x4180];
	[tilespmem:s3+$0xC000] =	vst v1  }
0x38: {  	v14 =	vcvt.f32.s32 v4;
	v1 =	vld.idx.msk [tilespmem:v5+s22+$0x0], $0xffff  }
0x39: {  	v17 =	vcvt.s32.f32 v5;
	v16 =	vmul.f32 $1.000000000e+03, v6;
	v2 =	vld [tilespmem:s5+$0x4080]  }
0x3a: {  	v12 =	vmul.f32 $1.000000000e+03, v12;
	v20 =	vld.idx.msk [tilespmem:v5+s21+$0x0], $0xffff  }
0x3b: {  	v22 =	vmul.f32 $1.000000000e+03, v10;
	v3 =	vsub.f32 v3, v17;
	v17 =	vtrunc.f32 v16;
	v4 =	vld.idx.msk [tilespmem:v11+s20+$0x0], $0xffff  }
0x3c: {  	v19 =	vcvt.s32.f32 v13;
	v10 =	vcvt.f32.s32 v17;
	v6 =	vld.idx.msk [tilespmem:v13+s20+$0x0], $0xffff  }
0x3d: {  	v21 =	vcvt.s32.f32 v14;
	v11 =	vld.idx.msk [tilespmem:v11+s7+$0x0], $0xffff;
	v3 =	vmul.f32 v3, v1  }
0x3e: {  	v8 =	vsub.f32 v8, v19;
	v5 =	vld.idx.msk [tilespmem:v14+s20+$0x0], $0xffff;
	v17 =	vmul.f32 $1.000000000e+03, v2;
	v2 =	vtrunc.f32 v22  }
0x3f: {  	v19 =	vtrunc.f32 v12;
	v13 =	vld.idx.msk [tilespmem:v13+s7+$0x0], $0xffff;
	v23 =	vcvt.f32.s32 v2;
	v2 =	vadd.f32 v3, v20  }
0x40: {  	v19 =	vcvt.f32.s32 v19;
	v14 =	vld.idx.msk [tilespmem:v14+s7+$0x0], $0xffff;
	v7 =	vmul.f32 v7, v4  }
0x41: {  	v24 =	vld [tilespmem:s5+$0x4100];
	v8 =	vmul.f32 v8, v6;
	v3 =	vsub.f32 v9, v21;
	v9 =	vtrunc.f32 v17;
	[tilespmem:s3+$0xC080] =	vst v2  }
0x42: {  	v7 =	vadd.f32 v7, v11;
	v11 =	vmul.f32 $1.000000000e+03, v18;
	v21 =	vcvt.f32.s32 v9;
	v2 =	vld.idx.msk [tilespmem:v10+s24+$0x0], $0xffff  }
0x43: {  	v20 =	vld [tilespmem:s4+$0x4100];
	v9 =	vcvt.s32.f32 v10;
	v3 =	vmul.f32 v3, v5  }
0x44: {  	v13 =	vadd.f32 v8, v13;
	v25 =	vld.idx.msk [tilespmem:v10+s23+$0x0], $0xffff  }
0x45: {  	[tilespmem:s1+$0xC000] =	vst v7;
	v7 =	vsub.f32 v16, v9;
	v9 =	vtrunc.f32 v11;
	v3 =	vadd.f32 v3, v14  }
0x46: {  	v15 =	vmul.f32 $1.000000000e+03, v15;
	[tilespmem:s4+$0xC000] =	vst v13;
	v8 =	vld.idx.msk [tilespmem:v23+s22+$0x0], $0xffff;
	v13 =	vcvt.f32.s32 v9  }
0x47: {  	v18 =	vcvt.s32.f32 v23;
	v23 =	vld.idx.msk [tilespmem:v23+s21+$0x0], $0xffff;
	[tilespmem:s5+$0xC000] =	vst v3;
	v3 =	vmul.f32 v7, v2  }
0x48: {  	v14 =	vcvt.s32.f32 v19;
	v9 =	vld.idx.msk [tilespmem:v19+s22+$0x0], $0xffff;
	v16 =	vmul.f32 $1.000000000e+03, v20  }
0x49: {  	v20 =	vmul.f32 $1.000000000e+03, v24;
	v24 =	vtrunc.f32 v15;
	v10 =	vld.idx.msk [tilespmem:v21+s22+$0x0], $0xffff;
	v3 =	vadd.f32 v3, v25  }
0x4a: {  	v18 =	vsub.f32 v22, v18;
	v19 =	vld.idx.msk [tilespmem:v19+s21+$0x0], $0xffff;
	v24 =	vcvt.f32.s32 v24;
	v7 =	vcvt.s32.f32 v21  }
0x4b: {  	v12 =	vsub.f32 v12, v14;
	v22 =	vtrunc.f32 v16;
	v14 =	vtrunc.f32 v20;
	v21 =	vld.idx.msk [tilespmem:v21+s21+$0x0], $0xffff;
	[tilespmem:s3+$0xC100] =	vst v3  }
0x4c: {  	v22 =	vcvt.f32.s32 v22;
	v7 =	vsub.f32 v17, v7;
	v17 =	vmul.f32 v18, v8;
	v3 =	vld.idx.msk [tilespmem:v13+s26+$0x0], $0xffff  }
0x4d: {  	v12 =	vmul.f32 v12, v9;
	v18 =	vld [tilespmem:s1+$0x4180];
	v25 =	vcvt.s32.f32 v13  }
0x4e: {  	v14 =	vcvt.f32.s32 v14;
	v17 =	vadd.f32 v17, v23;
	v7 =	vmul.f32 v7, v10;
	v13 =	vld.idx.msk [tilespmem:v13+s25+$0x0], $0xffff  }
0x4f: {  	v12 =	vadd.f32 v12, v19;
	v23 =	vld [tilespmem:s4+$0x4180];
	v11 =	vsub.f32 v11, v25  }
0x50: {  	v19 =	vld [tilespmem:s5+$0x4180];
	[tilespmem:s1+$0xC080] =	vst v17;
	v7 =	vadd.f32 v7, v21  }
0x51: {  	s10 =	sand.u32 $0x3, s31;
	[tilespmem:s4+$0xC080] =	vst v12;
	v12 =	vld.idx.msk [tilespmem:v24+s24+$0x0], $0xffff;
	v17 =	vmul.f32 v11, v3  }
0x52: {  	s2 =	sshll.u32 s10, $0x5;
	[tilespmem:s5+$0xC080] =	vst v7;
	v7 =	vcvt.s32.f32 v24;
	v24 =	vld.idx.msk [tilespmem:v24+s23+$0x0], $0xffff  }
0x53: {  	s2 =	sadd.s32 $0x0, s2;
	v25 =	vcvt.s32.f32 v14;
	v11 =	vld.idx.msk [tilespmem:v22+s24+$0x0], $0xffff;
	v13 =	vadd.f32 v17, v13;
	v17 =	vmul.f32 $1.000000000e+03, v18  }
0x54: {  	s2 =	sadd.s32 $0x20, s2;
	v21 =	vld.idx.msk [tilespmem:v14+s24+$0x0], $0xffff;
	v23 =	vmul.f32 $1.000000000e+03, v23;
	v18 =	vcvt.s32.f32 v22  }
0x55: {  	s11 =	sor.u32 $0x200, s2;
	v7 =	vsub.f32 v15, v7;
	v15 =	vmul.f32 $1.000000000e+03, v19;
	v22 =	vld.idx.msk [tilespmem:v22+s23+$0x0], $0xffff;
	[tilespmem:s3+$0xC180] =	vst v13;
	v13 =	vtrunc.f32 v17  }
0x56: {  	v16 =	vsub.f32 v16, v18;
	v18 =	vtrunc.f32 v23;
	v19 =	vld [tilespmem:s11+$0x4000];
	v13 =	vcvt.f32.s32 v13  }
0x57: {  	v14 =	vld.idx.msk [tilespmem:v14+s23+$0x0], $0xffff;
	v7 =	vmul.f32 v7, v12;
	v18 =	vcvt.f32.s32 v18  }
0x58: {  	v20 =	vsub.f32 v20, v25;
	v25 =	vtrunc.f32 v15;
	v16 =	vmul.f32 v16, v11  }
0x59: {  	v25 =	vcvt.f32.s32 v25;
	v7 =	vadd.f32 v7, v24  }
0x5a: {  	v20 =	vmul.f32 v20, v21;
	v16 =	vadd.f32 v16, v22  }
0x5b: {  	[tilespmem:s1+$0xC100] =	vst v7;
	v19 =	vmul.f32 $1.000000000e+03, v19  }
0x5c: {  	v7 =	vadd.f32 v20, v14;
	[tilespmem:s4+$0xC100] =	vst v16;
	v14 =	vld.idx.msk [tilespmem:v13+s26+$0x0], $0xffff  }
0x5d: {  	v20 =	vcvt.s32.f32 v13;
	v22 =	vld.idx.msk [tilespmem:v18+s26+$0x0], $0xffff;
	v16 =	vtrunc.f32 v19  }
0x5e: {  	[tilespmem:s5+$0xC100] =	vst v7;
	v7 =	vld.idx.msk [tilespmem:v13+s25+$0x0], $0xffff;
	v16 =	vcvt.f32.s32 v16  }
0x5f: {  	v17 =	vsub.f32 v17, v20;
	v20 =	vld.idx.msk [tilespmem:v25+s26+$0x0], $0xffff;
	v13 =	vcvt.s32.f32 v18  }
0x60: {  	v18 =	vld.idx.msk [tilespmem:v18+s25+$0x0], $0xffff  }
0x61: {  	p1 =	por $0x0, $0x0;
	s3 =	simm.s32 $0x1;
	v24 =	vcvt.s32.f32 v25;
	v13 =	vsub.f32 v23, v13;
	v17 =	vmul.f32 v17, v14  }
0x62: {  	s3 =	simm.s32 @!p1 $0x0;
	v23 =	vld.idx.msk [tilespmem:v25+s25+$0x0], $0xffff  }
0x63: {  	s0 =	sand.u32 $0x7, s31;
	s3 =	sshll.u32 s3, $0x6;
	v15 =	vsub.f32 v15, v24;
	v13 =	vmul.f32 v13, v22;
	v17 =	vadd.f32 v17, v7  }
0x64: {  	s13 =	sshll.u32 s0, $0x4;
	s0 =	sadd.s32 $0x0, s3;
	v7 =	vld.idx.msk [tilespmem:v16+s9+$0x0], $0xffff  }
0x65: {  	s16 =	sadd.s32 $0x0, s13;
	s8 =	sor.u32 $0x200, s0;
	v15 =	vmul.f32 v15, v20;
	v24 =	vcvt.s32.f32 v16;
	v13 =	vadd.f32 v13, v18;
	v16 =	vld.idx.msk [tilespmem:v16+s12+$0x0], $0xffff;
	[tilespmem:s1+$0xC180] =	vst v17  }
0x66: {  	s1 =	sadd.s32 $0x10, s16;
	v17 =	vld [tilespmem:s8+$0x4000]  }
0x67: {  	v15 =	vadd.f32 v15, v23;
	v18 =	vsub.f32 v19, v24;
	[tilespmem:s4+$0xC180] =	vst v13;
	s6 =	sor.u32 $0x200, s1  }
0x68: {  	v13 =	vld [tilespmem:s6+$0x4000]  }
0x69: {  	s3 =	sadd.s32 $0x30, s16;
	[tilespmem:s5+$0xC180] =	vst v15;
	v15 =	vmul.f32 v18, v7  }
0x6a: {  	s4 =	sor.u32 $0x200, s3  }
0x6b: {  	v18 =	vld [tilespmem:s4+$0x4000];
	v15 =	vadd.f32 v15, v16;
	v16 =	vmul.f32 $1.000000000e+03, v17;
	_ =	sdelay $0x1  }
0x6c: {  	s12 =	sor.u32 $0x280, s2;
	v13 =	vmul.f32 $1.000000000e+03, v13;
	[tilespmem:s11+$0xC000] =	vst v15;
	v15 =	vtrunc.f32 v16  }
0x6d: {  	v17 =	vld [tilespmem:s12+$0x4000];
	v15 =	vcvt.f32.s32 v15  }
0x6e: {  	v19 =	vtrunc.f32 v13  }
0x6f: {  	v18 =	vmul.f32 $1.000000000e+03, v18;
	v19 =	vcvt.f32.s32 v19;
	_ =	sdelay $0x1  }
0x70: {  	v23 =	vtrunc.f32 v18  }
0x71: {  	v23 =	vcvt.f32.s32 v23;
	v17 =	vmul.f32 $1.000000000e+03, v17  }
0x72: {  	s10 =	simm.s32 $0x1000;
	v47 =	vmul.f32 $1.000000010e+24, v0;
	v24 =	vld.idx.msk [tilespmem:v15+s9+$0x0], $0xffff  }
0x73: {  	v26 =	vcvt.s32.f32 v15;
	v15 =	vld.idx.msk [tilespmem:v15+s10+$0x0], $0xffff;
	v25 =	vtrunc.f32 v17  }
0x74: {  	v4 =	vmul.f32 $1.000000010e+24, v4;
	v27 =	vld.idx.msk [tilespmem:v19+s9+$0x0], $0xffff;
	v25 =	vcvt.f32.s32 v25  }
0x75: {  	v6 =	vmul.f32 $1.000000010e+24, v6;
	v28 =	vcvt.s32.f32 v19;
	v16 =	vsub.f32 v16, v26  }
0x76: {  	s18 =	simm.s32 $0x60;
	s19 =	simm.s32 $0x200;
	v1 =	vmul.f32 v1, v47;
	v5 =	vmul.f32 $1.000000010e+24, v5;
	v19 =	vld.idx.msk [tilespmem:v19+s10+$0x0], $0xffff  }
0x77: {  	s31 =	sand.u32 $0x3C00, s19;
	v4 =	vmul.f32 v8, v4;
	s5 =	sand.u32 $0x60, s18;
	v13 =	vsub.f32 v13, v28;
	v26 =	vld.idx.msk [tilespmem:v23+s9+$0x0], $0xffff;
	v16 =	vmul.f32 v16, v24  }
0x78: {  	v6 =	vmul.f32 v9, v6;
	s11 =	sor.u32 s31, s5;
	v9 =	vcvt.s32.f32 v23;
	v8 =	vld.idx.msk [tilespmem:v23+s10+$0x0], $0xffff;
	s10 =	simm.s32 $0x40  }
0x79: {  	v4 =	vmul.f32 v12, v4;
	v23 =	vld [tilespmem:s11+$0x4000];
	s7 =	sand.u32 $0x40, s10;
	v13 =	vmul.f32 v13, v27;
	v12 =	vadd.f32 v16, v15  }
0x7a: {  	v5 =	vmul.f32 v10, v5;
	v9 =	vsub.f32 v18, v9;
	s10 =	sor.u32 s7, s31;
	v10 =	vld.idx.msk [tilespmem:v25+s29+$0x0], $0xffff  }
0x7b: {  	s13 =	simm.s32 $0x50;
	v1 =	vmul.f32 v2, v1;
	v15 =	vcvt.s32.f32 v25;
	v16 =	vld [tilespmem:s10+$0x4000];
	[tilespmem:s8+$0xC000] =	vst v12;
	v12 =	vadd.f32 v13, v19  }
0x7c: {  	v6 =	vmul.f32 v11, v6;
	s5 =	sor.u32 $0x280, s0;
	v11 =	vld.idx.msk [tilespmem:v25+s28+$0x0], $0xffff;
	v9 =	vmul.f32 v9, v26;
	s8 =	sand.u32 $0x50, s13  }
0x7d: {  	v1 =	vmul.f32 v3, v1;
	v15 =	vsub.f32 v17, v15;
	s13 =	simm.s32 $0x70;
	v13 =	vld [tilespmem:s5+$0x4000];
	s7 =	sor.u32 s31, s8;
	s8 =	sor.u32 $0x280, s1;
	[tilespmem:s6+$0xC000] =	vst v12  }
0x7e: {  	v5 =	vmul.f32 v21, v5;
	v17 =	vmul.f32 $1.000000000e+03, v23;
	v8 =	vadd.f32 v9, v8;
	s18 =	sand.u32 $0x70, s13;
	v18 =	vld [tilespmem:s8+$0x4000]  }
0x7f: {  	v4 =	vmul.f32 v14, v4;
	s9 =	sor.u32 s31, s18;
	v9 =	vmul.f32 v15, v10;
	v15 =	vld [tilespmem:s7+$0x4000]  }
0x80: {  	v6 =	vmul.f32 v22, v6;
	v14 =	vtrunc.f32 v17;
	[tilespmem:s4+$0xC000] =	vst v8;
	v8 =	vld [tilespmem:s9+$0x4000]  }
0x81: {  	v5 =	vmul.f32 v20, v5;
	v19 =	vcvt.f32.s32 v14;
	v9 =	vadd.f32 v9, v11  }
0x82: {  	v35 =	vld [tilespmem:s11+$0x4100];
	v12 =	vmul.f32 v24, v4;
	v4 =	vmul.f32 v27, v6  }
0x83: {  	s19 =	sor.u32 $0x300, s2;
	v14 =	vmul.f32 $1.000000000e+03, v13;
	[tilespmem:s12+$0xC000] =	vst v9;
	v9 =	vmul.f32 $1.000000000e+03, v16;
	v16 =	vld [tilespmem:s11+$0x4080]  }
0x84: {  	v11 =	vmul.f32 v26, v5;
	v21 =	vld [tilespmem:s19+$0x4000];
	v22 =	vmul.f32 $1.000000000e+03, v15  }
0x85: {  	v56 =	vld [tilespmem:s11+$0x4180];
	v13 =	vmul.f32 $1.000000000e+03, v18;
	v8 =	vmul.f32 $1.000000000e+03, v8  }
0x86: {  	v29 =	vld [tilespmem:s10+$0x4100];
	v5 =	vtrunc.f32 v9;
	v15 =	vtrunc.f32 v22  }
0x87: {  	s6 =	sor.u32 $0x280, s3;
	v24 =	vcvt.f32.s32 v5;
	v5 =	vld.idx.msk [tilespmem:v19+s20+$0x0], $0xffff;
	v25 =	vcvt.f32.s32 v15  }
0x88: {  	s30 =	simm.s32 $0x0;
	v6 =	vld [tilespmem:s6+$0x4000];
	v15 =	vcvt.s32.f32 v19;
	v27 =	vmul.f32 $1.000000000e+03, v16  }
0x89: {  	v16 =	vtrunc.f32 v8;
	v28 =	vmul.f32 $1.000000000e+03, v21;
	v21 =	vld.idx.msk [tilespmem:v19+s30+$0x0], $0xffff  }
0x8a: {  	v18 =	vld [tilespmem:s10+$0x4080];
	v30 =	vcvt.f32.s32 v16;
	v15 =	vsub.f32 v17, v15;
	v16 =	vtrunc.f32 v27  }
0x8b: {  	v35 =	vmul.f32 $1.000000000e+03, v35;
	v23 =	vld [tilespmem:s7+$0x4080];
	v31 =	vcvt.f32.s32 v16  }
0x8c: {  	v44 =	vld [tilespmem:s7+$0x4180];
	v19 =	vtrunc.f32 v28;
	v16 =	vmul.f32 v15, v5  }
0x8d: {  	v1 =	vmul.f32 v7, v1;
	v32 =	vld [tilespmem:s9+$0x4100];
	v33 =	vcvt.f32.s32 v19  }
0x8e: {  	v54 =	vtrunc.f32 v35;
	v26 =	vld [tilespmem:s9+$0x4080];
	v15 =	vmul.f32 $1.000000000e+03, v6;
	v6 =	vadd.f32 v16, v21  }
0x8f: {  	v29 =	vmul.f32 $1.000000000e+03, v29;
	v38 =	vmul.f32 $1.000000000e+03, v18;
	v19 =	vld.idx.msk [tilespmem:v24+s20+$0x0], $0xffff  }
0x90: {  	v10 =	vmul.f32 v10, v1;
	v36 =	vcvt.s32.f32 v24;
	v24 =	vld.idx.msk [tilespmem:v24+s30+$0x0], $0xffff;
	[tilespmem:s11+$0xC000] =	vst v6  }
0x91: {  	v40 =	vmul.f32 $1.000000000e+03, v23;
	v23 =	vtrunc.f32 v38;
	v6 =	vld.idx.msk [tilespmem:v31+s22+$0x0], $0xffff  }
0x92: {  	v42 =	vcvt.f32.s32 v23;
	v41 =	vcvt.s32.f32 v31;
	v23 =	vld.idx.msk [tilespmem:v31+s21+$0x0], $0xffff  }
0x93: {  	v44 =	vmul.f32 $1.000000000e+03, v44;
	v20 =	vtrunc.f32 v14;
	v9 =	vsub.f32 v9, v36;
	v21 =	vld.idx.msk [tilespmem:v33+s17+$0x0], $0xffff  }
0x94: {  	v32 =	vmul.f32 $1.000000000e+03, v32;
	v18 =	vld.idx.msk [tilespmem:v25+s20+$0x0], $0xffff;
	v55 =	vcvt.s32.f32 v33;
	v27 =	vsub.f32 v27, v41  }
0x95: {  	v37 =	vcvt.s32.f32 v25;
	v9 =	vmul.f32 v9, v19;
	v33 =	vld.idx.msk [tilespmem:v33+s14+$0x0], $0xffff  }
0x96: {  	v25 =	vld.idx.msk [tilespmem:v25+s30+$0x0], $0xffff;
	v41 =	vcvt.f32.s32 v54;
	v28 =	vsub.f32 v28, v55;
	v27 =	vmul.f32 v27, v6  }
0x97: {  	v26 =	vmul.f32 $1.000000000e+03, v26;
	v22 =	vsub.f32 v22, v37;
	v16 =	vld.idx.msk [tilespmem:v30+s20+$0x0], $0xffff;
	v9 =	vadd.f32 v9, v24  }
0x98: {  	v17 =	vld [tilespmem:s7+$0x4100];
	v39 =	vcvt.s32.f32 v30;
	v28 =	vmul.f32 v28, v21;
	v23 =	vadd.f32 v27, v23  }
0x99: {  	v53 =	vtrunc.f32 v40;
	v30 =	vld.idx.msk [tilespmem:v30+s30+$0x0], $0xffff;
	v22 =	vmul.f32 v22, v18;
	[tilespmem:s10+$0xC000] =	vst v9  }
0x9a: {  	v8 =	vsub.f32 v8, v39;
	v31 =	vtrunc.f32 v26;
	[tilespmem:s11+$0xC080] =	vst v23;
	v23 =	vadd.f32 v28, v33  }
0x9b: {  	v36 =	vcvt.f32.s32 v53;
	v31 =	vcvt.f32.s32 v31;
	v9 =	vadd.f32 v22, v25;
	v22 =	vld.idx.msk [tilespmem:v42+s22+$0x0], $0xffff  }
0x9c: {  	s2 =	sor.u32 $0x380, s2;
	v24 =	vmul.f32 v8, v16;
	v25 =	vmul.f32 $1.000000000e+03, v56;
	v8 =	vld.idx.msk [tilespmem:v41+s24+$0x0], $0xffff;
	[tilespmem:s19+$0xC000] =	vst v23  }
0x9d: {  	v27 =	vld [tilespmem:s10+$0x4180];
	v28 =	vmul.f32 $1.000000000e+03, v17;
	v17 =	vcvt.s32.f32 v41;
	[smem:$0x7F2] =	sst s2  }
0x9e: {  	v20 =	vcvt.f32.s32 v20;
	v34 =	vtrunc.f32 v13;
	v30 =	vadd.f32 v24, v30;
	v58 =	vld.idx.msk [tilespmem:v41+s23+$0x0], $0xffff  }
0x9f: {  	v43 =	vcvt.s32.f32 v36;
	v60 =	vtrunc.f32 v25;
	v17 =	vsub.f32 v35, v17;
	[tilespmem:s7+$0xC000] =	vst v9;
	v59 =	vld [tilespmem:s2+$0x4000]  }
0xa0: {  	v57 =	vcvt.s32.f32 v42;
	[tilespmem:s9+$0xC000] =	vst v30;
	v30 =	vcvt.f32.s32 v60;
	v42 =	vld.idx.msk [tilespmem:v42+s21+$0x0], $0xffff  }
0xa1: {  	v23 =	vtrunc.f32 v29;
	v24 =	vld.idx.msk [tilespmem:v36+s22+$0x0], $0xffff;
	v17 =	vmul.f32 v17, v8  }
0xa2: {  	v38 =	vsub.f32 v38, v57;
	v61 =	vcvt.f32.s32 v23;
	v9 =	vtrunc.f32 v28;
	v23 =	vld.idx.msk [tilespmem:v31+s22+$0x0], $0xffff  }
0xa3: {  	v45 =	vcvt.s32.f32 v31;
	v63 =	vcvt.f32.s32 v9;
	v36 =	vld.idx.msk [tilespmem:v36+s21+$0x0], $0xffff;
	v9 =	vadd.f32 v17, v58  }
0xa4: {  	v62 =	vtrunc.f32 v32;
	v38 =	vmul.f32 v38, v22;
	v31 =	vld.idx.msk [tilespmem:v31+s21+$0x0], $0xffff;
	v17 =	vsub.f32 v40, v43  }
0xa5: {  	v34 =	vcvt.f32.s32 v34;
	v55 =	vtrunc.f32 v44;
	v26 =	vsub.f32 v26, v45;
	v50 =	vld [tilespmem:s9+$0x4180];
	[tilespmem:s11+$0xC100] =	vst v9  }
0xa6: {  	v35 =	vcvt.f32.s32 v62;
	v38 =	vadd.f32 v38, v42;
	v17 =	vmul.f32 v17, v24;
	v9 =	vld.idx.msk [tilespmem:v30+s26+$0x0], $0xffff  }
0xa7: {  	v0 =	vld.idx.msk [tilespmem:v20+s29+$0x0], $0xffff;
	v51 =	vcvt.s32.f32 v30;
	v26 =	vmul.f32 v26, v23  }
0xa8: {  	v27 =	vmul.f32 $1.000000000e+03, v27;
	v49 =	vcvt.s32.f32 v35;
	[tilespmem:s10+$0xC080] =	vst v38;
	v30 =	vld.idx.msk [tilespmem:v30+s25+$0x0], $0xffff;
	v36 =	vadd.f32 v17, v36  }
0xa9: {  	v25 =	vsub.f32 v25, v51;
	v37 =	vmul.f32 $1.000000000e+03, v59;
	v26 =	vadd.f32 v26, v31;
	v53 =	vld.idx.msk [tilespmem:v61+s24+$0x0], $0xffff  }
0xaa: {  	s31 =	simm.s32 $0x2;
	v46 =	vcvt.s32.f32 v61;
	v48 =	vcvt.s32.f32 v63;
	v41 =	vld.idx.msk [tilespmem:v61+s23+$0x0], $0xffff;
	[tilespmem:s7+$0xC080] =	vst v36  }
0xab: {  	s2 =	sand.u32 $0x3, s31;
	v52 =	vtrunc.f32 v37;
	[tilespmem:s9+$0xC080] =	vst v26;
	v26 =	vld.idx.msk [tilespmem:v63+s24+$0x0], $0xffff;
	v25 =	vmul.f32 v25, v9  }
0xac: {  	s2 =	sshll.u32 s2, $0x5;
	v29 =	vsub.f32 v29, v46;
	v54 =	vmul.f32 $1.000000000e+03, v50;
	v17 =	vcvt.f32.s32 v52;
	v2 =	vld.idx.msk [tilespmem:v35+s24+$0x0], $0xffff  }
0xad: {  	s2 =	sadd.s32 $0x200, s2;
	v42 =	vcvt.f32.s32 v55;
	v31 =	vtrunc.f32 v27;
	v39 =	vld.idx.msk [tilespmem:v63+s23+$0x0], $0xffff;
	v25 =	vadd.f32 v25, v30  }
0xae: {  	v57 =	vld.idx.msk [tilespmem:v20+s28+$0x0], $0xffff;
	s2 =	sadd.s32 $0x20, s2;
	v28 =	vsub.f32 v28, v48;
	v31 =	vcvt.f32.s32 v31;
	v30 =	vtrunc.f32 v54  }
0xaf: {  	s4 =	sor.u32 $0x200, s2;
	v29 =	vmul.f32 v29, v53;
	v3 =	vcvt.f32.s32 v30;
	v30 =	vld.idx.msk [tilespmem:v35+s23+$0x0], $0xffff;
	[tilespmem:s11+$0xC180] =	vst v25  }
0xb0: {  	v20 =	vcvt.s32.f32 v20;
	v32 =	vsub.f32 v32, v49;
	v7 =	vmul.f32 v28, v26;
	v56 =	vld [tilespmem:s4+$0x4000]  }
0xb1: {  	v19 =	vmul.f32 $1.000000010e+24, v19;
	v21 =	vmul.f32 v21, v10;
	v1 =	vld.idx.msk [tilespmem:v34+s29+$0x0], $0xffff;
	v29 =	vadd.f32 v29, v41  }
0xb2: {  	v14 =	vsub.f32 v14, v20;
	v32 =	vmul.f32 v32, v2;
	v28 =	vld.idx.msk [tilespmem:v17+s15+$0x0], $0xffff;
	v7 =	vadd.f32 v7, v39  }
0xb3: {  	v19 =	vmul.f32 v22, v19;
	v60 =	vtrunc.f32 v15;
	[tilespmem:s10+$0xC100] =	vst v29;
	v29 =	vld.idx.msk [tilespmem:v34+s28+$0x0], $0xffff  }
0xb4: {  	v14 =	vmul.f32 v14, v0;
	v25 =	vcvt.s32.f32 v17;
	v61 =	vld.idx.msk [tilespmem:v31+s26+$0x0], $0xffff;
	v30 =	vadd.f32 v32, v30;
	[tilespmem:s7+$0xC100] =	vst v7  }
0xb5: {  	v39 =	vcvt.f32.s32 v60;
	v20 =	vld.idx.msk [tilespmem:v42+s26+$0x0], $0xffff;
	v33 =	vmul.f32 $1.000000000e+03, v56  }
0xb6: {  	v59 =	vcvt.s32.f32 v42;
	v14 =	vadd.f32 v14, v57;
	v58 =	vcvt.s32.f32 v31;
	[tilespmem:s9+$0xC100] =	vst v30;
	v30 =	vld.idx.msk [tilespmem:v31+s25+$0x0], $0xffff  }
0xb7: {  	v34 =	vcvt.s32.f32 v34;
	v7 =	vsub.f32 v37, v25;
	v62 =	vld.idx.msk [tilespmem:v3+s26+$0x0], $0xffff;
	v10 =	vtrunc.f32 v33  }
0xb8: {  	v27 =	vsub.f32 v27, v58;
	v25 =	vcvt.s32.f32 v3;
	v63 =	vcvt.f32.s32 v10  }
0xb9: {  	v13 =	vsub.f32 v13, v34;
	v31 =	vsub.f32 v44, v59;
	v44 =	vld.idx.msk [tilespmem:v42+s25+$0x0], $0xffff;
	v10 =	vmul.f32 v7, v28  }
0xba: {  	p1 =	por !p1, !p1;
	s13 =	simm.s32 $0x1;
	v25 =	vsub.f32 v54, v25;
	v3 =	vld.idx.msk [tilespmem:v3+s25+$0x0], $0xffff;
	v7 =	vmul.f32 v28, v21;
	v21 =	vmul.f32 v27, v61  }
0xbb: {  	s13 =	simm.s32 @!p1 $0x0;
	s12 =	sor.u32 $0x300, s0;
	[tilespmem:s5+$0xC000] =	vst v14;
	s15 =	simm.s32 $0x4;
	v13 =	vmul.f32 v13, v1;
	v27 =	vcvt.s32.f32 v39;
	v28 =	vld.idx.msk [tilespmem:v39+s29+$0x0], $0xffff  }
0xbc: {  	s13 =	sshll.u32 s13, $0x6;
	s14 =	sand.u32 $0x7, s15;
	v14 =	vmul.f32 v31, v20;
	v21 =	vadd.f32 v21, v30;
	v22 =	vmul.f32 v25, v62;
	v25 =	vld [tilespmem:s12+$0x4000]  }
0xbd: {  	s16 =	simm.s32 $0x3000;
	v18 =	vmul.f32 $1.000000010e+24, v18;
	s15 =	sadd.s32 $0x200, s13;
	s14 =	sshll.u32 s14, $0x4;
	v13 =	vadd.f32 v13, v29;
	v31 =	vld.idx.msk [tilespmem:v39+s28+$0x0], $0xffff  }
0xbe: {  	v16 =	vmul.f32 $1.000000010e+24, v16;
	s18 =	sadd.s32 $0x200, s14;
	s14 =	sor.u32 $0x200, s15;
	v15 =	vsub.f32 v15, v27;
	v27 =	vadd.f32 v14, v44;
	[tilespmem:s10+$0xC180] =	vst v21;
	v14 =	vld.idx.msk [tilespmem:v63+s16+$0x0], $0xffff  }
0xbf: {  	s5 =	sadd.s32 $0x30, s18;
	[tilespmem:s8+$0xC000] =	vst v13;
	s10 =	sadd.s32 $0x10, s18;
	s18 =	simm.s32 $0x1000;
	v3 =	vadd.f32 v22, v3;
	v21 =	vld [tilespmem:s14+$0x4000];
	v22 =	vcvt.s32.f32 v63  }
0xc0: {  	v18 =	vmul.f32 v24, v18;
	v16 =	vmul.f32 v23, v16;
	s19 =	sor.u32 $0x200, s10;
	[tilespmem:s7+$0xC180] =	vst v27;
	v23 =	vld.idx.msk [tilespmem:v63+s18+$0x0], $0xffff  }
0xc1: {  	s13 =	sor.u32 $0x200, s5;
	v15 =	vmul.f32 v15, v28;
	[tilespmem:s9+$0xC180] =	vst v3;
	v3 =	vld [tilespmem:s19+$0x4000];
	v22 =	vsub.f32 v33, v22;
	v13 =	vmul.f32 $1.000000000e+03, v25  }
0xc2: {  	v2 =	vmul.f32 v2, v16;
	v18 =	vmul.f32 v26, v18;
	s7 =	sor.u32 $0x300, s1;
	v24 =	vld [tilespmem:s13+$0x4000]  }
0xc3: {  	v16 =	vld [tilespmem:s7+$0x4000];
	v15 =	vadd.f32 v15, v31;
	v25 =	vtrunc.f32 v13;
	v22 =	vmul.f32 v22, v14  }
0xc4: {  	v21 =	vmul.f32 $1.000000000e+03, v21;
	v25 =	vcvt.f32.s32 v25  }
0xc5: {  	v18 =	vmul.f32 v20, v18;
	s9 =	sor.u32 $0x300, s3;
	[tilespmem:s6+$0xC000] =	vst v15;
	v15 =	vadd.f32 v22, v23  }
0xc6: {  	v3 =	vmul.f32 $1.000000000e+03, v3;
	v22 =	vld [tilespmem:s9+$0x4000];
	v23 =	vtrunc.f32 v21  }
0xc7: {  	s6 =	sor.u32 $0x280, s2;
	v24 =	vmul.f32 $1.000000000e+03, v24;
	v23 =	vcvt.f32.s32 v23;
	[tilespmem:s4+$0xC000] =	vst v15  }
0xc8: {  	v15 =	vmul.f32 $1.000000000e+03, v16;
	v16 =	vtrunc.f32 v3;
	v26 =	vld [tilespmem:s6+$0x4000]  }
0xc9: {  	v27 =	vtrunc.f32 v24;
	v16 =	vcvt.f32.s32 v16  }
0xca: {  	v20 =	vcvt.f32.s32 v27;
	v27 =	vtrunc.f32 v15;
	v29 =	vld.idx.msk [tilespmem:v25+s17+$0x0], $0xffff  }
0xcb: {  	s31 =	simm.s32 $0x1800;
	v30 =	vmul.f32 $1.000000000e+03, v22;
	v22 =	vcvt.s32.f32 v25  }
0xcc: {  	v31 =	vcvt.f32.s32 v27;
	v25 =	vld.idx.msk [tilespmem:v25+s31+$0x0], $0xffff;
	s31 =	simm.s32 $0x3000  }
0xcd: {  	v27 =	vld.idx.msk [tilespmem:v23+s31+$0x0], $0xffff;
	v45 =	vtrunc.f32 v30;
	v13 =	vsub.f32 v13, v22;
	v26 =	vmul.f32 $1.000000000e+03, v26  }
0xce: {  	v46 =	vcvt.s32.f32 v23;
	v23 =	vld.idx.msk [tilespmem:v23+s18+$0x0], $0xffff;
	v22 =	vcvt.f32.s32 v45  }
0xcf: {  	v48 =	vld.idx.msk [tilespmem:v16+s31+$0x0], $0xffff;
	v13 =	vmul.f32 v13, v29;
	v49 =	vtrunc.f32 v26  }
0xd0: {  	v47 =	vcvt.s32.f32 v16;
	v21 =	vsub.f32 v21, v46;
	v50 =	vld.idx.msk [tilespmem:v20+s31+$0x0], $0xffff;
	v35 =	vcvt.f32.s32 v49  }
0xd1: {  	v0 =	vmul.f32 v0, v12;
	v16 =	vld.idx.msk [tilespmem:v16+s18+$0x0], $0xffff;
	v13 =	vadd.f32 v13, v25  }
0xd2: {  	v51 =	vmul.f32 v62, v2;
	v3 =	vsub.f32 v3, v47;
	v12 =	vld.idx.msk [tilespmem:v20+s18+$0x0], $0xffff;
	v21 =	vmul.f32 v21, v27  }
0xd3: {  	s0 =	sor.u32 $0x380, s0;
	v2 =	vcvt.s32.f32 v20;
	v52 =	vld.idx.msk [tilespmem:v31+s17+$0x0], $0xffff;
	v25 =	vcvt.s32.f32 v31;
	[tilespmem:s12+$0xC000] =	vst v13  }
0xd4: {  	v19 =	vmul.f32 v53, v19;
	v53 =	vld.idx.msk [tilespmem:v22+s17+$0x0], $0xffff;
	v20 =	vadd.f32 v21, v23;
	v3 =	vmul.f32 v3, v48;
	[dreg:$0x5] =	wrdreg s0  }
0xd5: {  	v2 =	vsub.f32 v24, v2;
	v13 =	vsub.f32 v15, v25;
	v15 =	vld [tilespmem:s0+$0x4000]  }
0xd6: {  	v19 =	vmul.f32 v61, v19;
	s12 =	sor.u32 $0x280, s15;
	[tilespmem:s14+$0xC000] =	vst v20;
	v3 =	vadd.f32 v3, v16;
	v21 =	vld.idx.msk [tilespmem:v35+s29+$0x0], $0xffff  }
0xd7: {  	v1 =	vmul.f32 v1, v4;
	s8 =	simm.s32 $0xA0;
	s11 =	sor.u32 $0x280, s10;
	v2 =	vmul.f32 v2, v50;
	s14 =	simm.s32 $0x400;
	v20 =	vld [tilespmem:s12+$0x4000]  }
0xd8: {  	v4 =	vmul.f32 v28, v11;
	v11 =	vmul.f32 v27, v19;
	s17 =	simm.s32 $0x80;
	s0 =	sand.u32 $0x60, s8;
	s18 =	sand.u32 $0x3C00, s14;
	v23 =	vld.idx.msk [tilespmem:v35+s28+$0x0], $0xffff;
	[tilespmem:s19+$0xC000] =	vst v3  }
0xd9: {  	s17 =	sand.u32 $0x40, s17;
	v24 =	vmul.f32 v13, v52;
	v19 =	vadd.f32 v2, v12;
	v13 =	vmul.f32 v48, v18;
	s19 =	sor.u32 s18, s0;
	v18 =	vld [tilespmem:s11+$0x4000]  }
0xda: {  	v16 =	vcvt.s32.f32 v22;
	v3 =	vcvt.s32.f32 v35;
	s17 =	sor.u32 s17, s18;
	v27 =	vld [tilespmem:s19+$0x4000]  }
0xdb: {  	s16 =	simm.s32 $0x90;
	s8 =	simm.s32 $0xB0;
	s0 =	sor.u32 $0x280, s5;
	[tilespmem:s13+$0xC000] =	vst v19;
	v41 =	vld [tilespmem:s17+$0x4100]  }
0xdc: {  	v2 =	vmul.f32 v29, v0;
	v16 =	vsub.f32 v30, v16;
	s13 =	sand.u32 $0x50, s16;
	s16 =	sand.u32 $0x70, s8;
	v0 =	vsub.f32 v26, v3;
	v3 =	vld [tilespmem:s0+$0x4000]  }
0xdd: {  	v12 =	vmul.f32 v50, v51;
	v1 =	vmul.f32 v52, v1;
	s16 =	sor.u32 s18, s16;
	v26 =	vld [tilespmem:s17+$0x4000]  }
0xde: {  	s13 =	sor.u32 s18, s13;
	v25 =	vmul.f32 v16, v53;
	v15 =	vmul.f32 $1.000000000e+03, v15;
	v29 =	vld [tilespmem:s16+$0x4000]  }
0xdf: {  	v57 =	vld [tilespmem:s13+$0x4080];
	v20 =	vmul.f32 $1.000000000e+03, v20;
	v28 =	vmul.f32 v0, v21  }
0xe0: {  	v58 =	vld [tilespmem:s16+$0x4080];
	v0 =	vmul.f32 v53, v4;
	v16 =	vtrunc.f32 v15  }
0xe1: {  	v44 =	vld [tilespmem:s13+$0x4100];
	v30 =	vtrunc.f32 v20;
	v19 =	vmul.f32 $1.000000000e+03, v18  }
0xe2: {  	s18 =	simm.s32 $0x1C00;
	v4 =	vld [tilespmem:s13+$0x4000];
	v54 =	vmul.f32 $1.000000000e+03, v27;
	v41 =	vmul.f32 $1.000000000e+03, v41  }
0xe3: {  	v28 =	vadd.f32 v28, v23;
	v18 =	vld.idx.msk [tilespmem:v17+s18+$0x0], $0xffff;
	v23 =	vcvt.f32.s32 v30;
	v17 =	vmul.f32 $1.000000000e+03, v3  }
0xe4: {  	v55 =	vmul.f32 $1.000000000e+03, v26;
	v56 =	vmul.f32 $1.000000000e+03, v29  }
0xe5: {  	v36 =	vmul.f32 $1.000000000e+03, v57;
	[tilespmem:s6+$0xC000] =	vst v28;
	s6 =	sor.u32 $0x300, s2;
	v3 =	vtrunc.f32 v54  }
0xe6: {  	v38 =	vmul.f32 $1.000000000e+03, v58;
	v26 =	vld [tilespmem:s6+$0x4000];
	v28 =	vcvt.f32.s32 v3  }
0xe7: {  	v29 =	vld [tilespmem:s19+$0x4080];
	v44 =	vmul.f32 $1.000000000e+03, v44;
	v4 =	vmul.f32 $1.000000000e+03, v4  }
0xe8: {  	v3 =	vtrunc.f32 v55;
	v51 =	vtrunc.f32 v36  }
0xe9: {  	v53 =	vld [tilespmem:s16+$0x4100];
	s18 =	simm.s32 $0x1800;
	v35 =	vcvt.f32.s32 v3;
	v3 =	vtrunc.f32 v4  }
0xea: {  	v30 =	vld.idx.msk [tilespmem:v31+s18+$0x0], $0xffff;
	v58 =	vtrunc.f32 v38;
	v37 =	vcvt.f32.s32 v3  }
0xeb: {  	v31 =	vld [tilespmem:s17+$0x4080];
	v3 =	vtrunc.f32 v56;
	v40 =	vmul.f32 $1.000000000e+03, v26  }
0xec: {  	v63 =	vmul.f32 $1.000000000e+03, v29;
	v39 =	vcvt.f32.s32 v3;
	v3 =	vld.idx.msk [tilespmem:v28+s20+$0x0], $0xffff  }
0xed: {  	v57 =	vld [tilespmem:s19+$0x4100];
	v29 =	vcvt.s32.f32 v28;
	v26 =	vtrunc.f32 v40  }
0xee: {  	v43 =	vcvt.f32.s32 v58;
	v48 =	vld.idx.msk [tilespmem:v28+s30+$0x0], $0xffff;
	v62 =	vcvt.f32.s32 v26  }
0xef: {  	v59 =	vcvt.s32.f32 v35;
	v49 =	vtrunc.f32 v63;
	v32 =	vsub.f32 v54, v29;
	v28 =	vld.idx.msk [tilespmem:v35+s20+$0x0], $0xffff  }
0xf0: {  	v31 =	vmul.f32 $1.000000000e+03, v31;
	v49 =	vcvt.f32.s32 v49;
	v35 =	vld.idx.msk [tilespmem:v35+s30+$0x0], $0xffff  }
0xf1: {  	v61 =	vcvt.s32.f32 v39;
	v26 =	vld.idx.msk [tilespmem:v37+s20+$0x0], $0xffff;
	v32 =	vmul.f32 v32, v3  }
0xf2: {  	v42 =	vmul.f32 $1.000000000e+03, v57;
	v60 =	vcvt.s32.f32 v37;
	v33 =	vsub.f32 v55, v59;
	v29 =	vld.idx.msk [tilespmem:v39+s20+$0x0], $0xffff  }
0xf3: {  	s31 =	simm.s32 $0x3800;
	v34 =	vsub.f32 v56, v61;
	v61 =	vcvt.s32.f32 v49;
	v39 =	vld.idx.msk [tilespmem:v39+s30+$0x0], $0xffff;
	v32 =	vadd.f32 v32, v48  }
0xf4: {  	v50 =	vtrunc.f32 v31;
	v4 =	vsub.f32 v4, v60;
	v33 =	vmul.f32 v33, v28;
	v52 =	vld.idx.msk [tilespmem:v62+s31+$0x0], $0xffff  }
0xf5: {  	v59 =	vcvt.s32.f32 v62;
	v47 =	vsub.f32 v63, v61;
	v63 =	vtrunc.f32 v41;
	v60 =	vld.idx.msk [tilespmem:v62+s18+$0x0], $0xffff;
	[tilespmem:s19+$0xC000] =	vst v32  }
0xf6: {  	v55 =	vmul.f32 v4, v26;
	v33 =	vadd.f32 v33, v35;
	v35 =	vcvt.f32.s32 v63;
	v4 =	vld.idx.msk [tilespmem:v49+s22+$0x0], $0xffff  }
0xf7: {  	v37 =	vld.idx.msk [tilespmem:v37+s30+$0x0], $0xffff;
	v40 =	vsub.f32 v40, v59;
	v63 =	vmul.f32 $1.000000010e+24, v5;
	v34 =	vmul.f32 v34, v29  }
0xf8: {  	v50 =	vcvt.f32.s32 v50;
	v62 =	vtrunc.f32 v42;
	v49 =	vld.idx.msk [tilespmem:v49+s21+$0x0], $0xffff  }
0xf9: {  	v61 =	vld [tilespmem:s19+$0x4180];
	v6 =	vmul.f32 v6, v63;
	v34 =	vadd.f32 v34, v39;
	v40 =	vmul.f32 v40, v52  }
0xfa: {  	v53 =	vmul.f32 $1.000000000e+03, v53;
	v54 =	vld [tilespmem:s17+$0x4180];
	v45 =	vcvt.f32.s32 v62  }
0xfb: {  	v48 =	vld [tilespmem:s13+$0x4180];
	v6 =	vmul.f32 v8, v6;
	[tilespmem:s16+$0xC000] =	vst v34;
	v40 =	vadd.f32 v40, v60;
	v47 =	vmul.f32 v47, v4  }
0xfc: {  	v51 =	vcvt.f32.s32 v51;
	v58 =	vtrunc.f32 v53;
	v39 =	vld.idx.msk [tilespmem:v43+s22+$0x0], $0xffff  }
0xfd: {  	s2 =	sor.u32 $0x380, s2;
	v56 =	vcvt.s32.f32 v43;
	v43 =	vld.idx.msk [tilespmem:v43+s21+$0x0], $0xffff;
	v9 =	vmul.f32 v9, v6;
	[tilespmem:s6+$0xC000] =	vst v40;
	v62 =	vadd.f32 v47, v49  }
0xfe: {  	v46 =	vcvt.s32.f32 v50;
	v37 =	vadd.f32 v55, v37;
	[tilespmem:s17+$0xC000] =	vst v33;
	v55 =	vmul.f32 $1.000000000e+03, v61;
	v57 =	vld [tilespmem:s2+$0x4000]  }
0xff: {  	v38 =	vsub.f32 v38, v56;
	v60 =	vtrunc.f32 v44;
	v9 =	vmul.f32 v14, v9;
	v49 =	vld.idx.msk [tilespmem:v50+s22+$0x0], $0xffff;
	[tilespmem:s19+$0xC080] =	vst v62  }
0x100: {  	v40 =	vcvt.f32.s32 v60;
	v60 =	vcvt.s32.f32 v45;
	v5 =	vld.idx.msk [tilespmem:v45+s24+$0x0], $0xffff  }
0x101: {  	v31 =	vsub.f32 v31, v46;
	v61 =	vld.idx.msk [tilespmem:v50+s21+$0x0], $0xffff;
	v47 =	vcvt.f32.s32 v58;
	v38 =	vmul.f32 v38, v39  }
0x102: {  	v32 =	vcvt.s32.f32 v51;
	[tilespmem:s13+$0xC000] =	vst v37;
	v9 =	vmul.f32 v21, v9;
	v42 =	vsub.f32 v42, v60;
	v45 =	vld.idx.msk [tilespmem:v45+s23+$0x0], $0xffff  }
0x103: {  	s31 =	simm.s32 $0x1800;
	v58 =	vld.idx.msk [tilespmem:v51+s22+$0x0], $0xffff;
	v62 =	vtrunc.f32 v55;
	v14 =	vadd.f32 v38, v43;
	v34 =	vmul.f32 $1.000000000e+03, v57  }
0x104: {  	v31 =	vmul.f32 v31, v49;
	v57 =	vld.idx.msk [tilespmem:v22+s31+$0x0], $0xffff;
	v22 =	vsub.f32 v36, v32;
	v36 =	vcvt.f32.s32 v62  }
0x105: {  	v63 =	vld.idx.msk [tilespmem:v51+s21+$0x0], $0xffff;
	v8 =	vtrunc.f32 v34;
	v42 =	vmul.f32 v42, v5  }
0x106: {  	v27 =	vtrunc.f32 v19;
	v59 =	vld [tilespmem:s16+$0x4180];
	[tilespmem:s16+$0xC080] =	vst v14;
	v6 =	vadd.f32 v31, v61;
	v8 =	vcvt.f32.s32 v8  }
0x107: {  	v27 =	vcvt.f32.s32 v27;
	v9 =	vmul.f32 v52, v9;
	v52 =	vld.idx.msk [tilespmem:v47+s24+$0x0], $0xffff;
	v42 =	vadd.f32 v42, v45  }
0x108: {  	v54 =	vmul.f32 $1.000000000e+03, v54;
	v56 =	vmul.f32 v22, v58;
	v22 =	vld.idx.msk [tilespmem:v23+s29+$0x0], $0xffff;
	[tilespmem:s17+$0xC080] =	vst v6  }
0x109: {  	v28 =	vmul.f32 $1.000000010e+24, v28;
	v48 =	vmul.f32 $1.000000000e+03, v48;
	v38 =	vld.idx.msk [tilespmem:v35+s24+$0x0], $0xffff;
	[tilespmem:s19+$0xC100] =	vst v42  }
0x10a: {  	v26 =	vmul.f32 $1.000000010e+24, v26;
	v37 =	vcvt.s32.f32 v35;
	v50 =	vadd.f32 v56, v63;
	v6 =	vld.idx.msk [tilespmem:v36+s26+$0x0], $0xffff  }
0x10b: {  	v24 =	vadd.f32 v24, v30;
	v30 =	vtrunc.f32 v48;
	s21 =	simm.s32 $0x3C00;
	v62 =	vcvt.s32.f32 v36;
	v36 =	vld.idx.msk [tilespmem:v36+s25+$0x0], $0xffff  }
0x10c: {  	v46 =	vmul.f32 $1.000000000e+03, v59;
	v30 =	vcvt.f32.s32 v30;
	[tilespmem:s13+$0xC080] =	vst v50;
	v60 =	vld.idx.msk [tilespmem:v8+s21+$0x0], $0xffff  }
0x10d: {  	v37 =	vsub.f32 v41, v37;
	v33 =	vcvt.s32.f32 v40;
	v26 =	vmul.f32 v58, v26;
	v51 =	vld.idx.msk [tilespmem:v40+s24+$0x0], $0xffff  }
0x10e: {  	v32 =	vcvt.s32.f32 v47;
	v31 =	vtrunc.f32 v54;
	v43 =	vsub.f32 v55, v62;
	v35 =	vld.idx.msk [tilespmem:v35+s23+$0x0], $0xffff  }
0x10f: {  	s6 =	simm.s32 $0x4;
	v61 =	vtrunc.f32 v46;
	v31 =	vcvt.f32.s32 v31;
	v25 =	vadd.f32 v25, v57;
	v40 =	vld.idx.msk [tilespmem:v40+s23+$0x0], $0xffff  }
0x110: {  	[tilespmem:s7+$0xC000] =	vst v24;
	s22 =	sand.u32 $0x3, s6;
	v33 =	vsub.f32 v44, v33;
	v45 =	vld.idx.msk [tilespmem:v23+s28+$0x0], $0xffff;
	v21 =	vcvt.s32.f32 v8;
	v63 =	vmul.f32 v43, v6  }
0x111: {  	s30 =	sor.u32 $0x380, s1;
	s18 =	sshll.u32 s22, $0x5;
	v56 =	vld.idx.msk [tilespmem:v47+s23+$0x0], $0xffff;
	s24 =	sor.u32 $0x380, s3;
	[tilespmem:s9+$0xC000] =	vst v25;
	v25 =	vsub.f32 v53, v32;
	v24 =	vmul.f32 v60, v9;
	v9 =	vcvt.s32.f32 v23  }
0x112: {  	v57 =	vld [tilespmem:s30+$0x4000];
	s23 =	sadd.s32 $0x400, s18;
	v37 =	vmul.f32 v37, v38;
	[dreg:$0x7] =	wrdreg s24;
	v36 =	vadd.f32 v63, v36;
	v23 =	vmul.f32 v33, v51  }
0x113: {  	v21 =	vsub.f32 v34, v21;
	s18 =	sadd.s32 $0x20, s23;
	v25 =	vmul.f32 v25, v52;
	v59 =	vld [tilespmem:s24+$0x4000];
	v9 =	vsub.f32 v20, v9  }
0x114: {  	v14 =	vcvt.f32.s32 v61;
	s3 =	sor.u32 $0x200, s18;
	[tilespmem:s19+$0xC180] =	vst v36;
	v20 =	vadd.f32 v37, v35;
	v62 =	vadd.f32 v23, v40;
	v23 =	vld.idx.msk [tilespmem:v27+s29+$0x0], $0xffff  }
0x115: {  	v55 =	vtrunc.f32 v17;
	v21 =	vmul.f32 v21, v60;
	v60 =	vld [tilespmem:s3+$0x4000]  }
0x116: {  	v61 =	vcvt.s32.f32 v27;
	v41 =	vcvt.f32.s32 v55;
	[tilespmem:s17+$0xC100] =	vst v20;
	v20 =	vadd.f32 v25, v56;
	v25 =	vld.idx.msk [tilespmem:v27+s28+$0x0], $0xffff  }
0x117: {  	v50 =	vcvt.s32.f32 v31;
	v27 =	vmul.f32 $1.000000010e+24, v29;
	[tilespmem:s13+$0xC100] =	vst v62;
	v29 =	vld.idx.msk [tilespmem:v31+s26+$0x0], $0xffff  }
0x118: {  	v19 =	vsub.f32 v19, v61;
	v34 =	vcvt.s32.f32 v30;
	v32 =	vmul.f32 $1.000000000e+03, v57;
	v63 =	vld.idx.msk [tilespmem:v30+s26+$0x0], $0xffff  }
0x119: {  	v54 =	vsub.f32 v54, v50;
	v43 =	vcvt.s32.f32 v14;
	v9 =	vmul.f32 v9, v22;
	v31 =	vld.idx.msk [tilespmem:v31+s25+$0x0], $0xffff;
	[tilespmem:s16+$0xC100] =	vst v20  }
0x11a: {  	v34 =	vsub.f32 v48, v34;
	v26 =	vmul.f32 v51, v26;
	v20 =	vmul.f32 v49, v28;
	v53 =	vld.idx.msk [tilespmem:v14+s26+$0x0], $0xffff  }
0x11b: {  	v30 =	vld.idx.msk [tilespmem:v30+s25+$0x0], $0xffff;
	v9 =	vadd.f32 v9, v45;
	v19 =	vmul.f32 v19, v23;
	v28 =	vmul.f32 $1.000000000e+03, v60  }
0x11c: {  	p1 =	por !p1, !p1;
	v57 =	vsub.f32 v46, v43;
	v27 =	vmul.f32 v39, v27;
	v14 =	vld.idx.msk [tilespmem:v14+s25+$0x0], $0xffff;
	v20 =	vmul.f32 v38, v20  }
0x11d: {  	s7 =	simm.s32 $0x1;
	s1 =	simm.s32 $0x8;
	s23 =	sor.u32 $0x300, s15;
	[tilespmem:s12+$0xC000] =	vst v9;
	v19 =	vadd.f32 v19, v25;
	v25 =	vld.idx.msk [tilespmem:v41+s29+$0x0], $0xffff;
	v55 =	vtrunc.f32 v28;
	v35 =	vmul.f32 v54, v29  }
0x11e: {  	s7 =	simm.s32 @!p1 $0x0;
	s9 =	sand.u32 $0x7, s1;
	v58 =	vld [tilespmem:s23+$0x4000];
	v34 =	vmul.f32 v34, v63;
	v39 =	vcvt.f32.s32 v55  }
0x11f: {  	s7 =	sshll.u32 s7, $0x6;
	s20 =	sor.u32 $0x300, s10;
	s9 =	sshll.u32 s9, $0x4;
	v36 =	vcvt.s32.f32 v41;
	v41 =	vld.idx.msk [tilespmem:v41+s28+$0x0], $0xffff;
	[tilespmem:s11+$0xC000] =	vst v19;
	v19 =	vmul.f32 v57, v53;
	v31 =	vadd.f32 v35, v31  }
0x120: {  	s1 =	sadd.s32 $0x400, s7;
	v37 =	vmul.f32 $1.000000000e+03, v59;
	s12 =	sadd.s32 $0x400, s9;
	v42 =	vmul.f32 v29, v20;
	s11 =	simm.s32 $0x1C00;
	v60 =	vld [tilespmem:s20+$0x4000];
	v20 =	vadd.f32 v34, v30  }
0x121: {  	v59 =	vcvt.f32.s32 v16;
	v56 =	vtrunc.f32 v32;
	s26 =	sor.u32 $0x200, s1;
	s29 =	sadd.s32 $0x10, s12;
	v61 =	vld.idx.msk [tilespmem:v8+s11+$0x0], $0xffff;
	[tilespmem:s17+$0xC180] =	vst v31;
	v14 =	vadd.f32 v19, v14  }
0x122: {  	v62 =	vcvt.f32.s32 v56;
	v16 =	vmul.f32 v63, v26;
	s25 =	sor.u32 $0x200, s29;
	[tilespmem:s13+$0xC180] =	vst v20;
	v26 =	vld [tilespmem:s26+$0x4000]  }
0x123: {  	s4 =	simm.s32 $0x3000;
	v17 =	vsub.f32 v17, v36;
	v9 =	vtrunc.f32 v37;
	s28 =	sadd.s32 $0x30, s12;
	v20 =	vcvt.s32.f32 v39;
	[tilespmem:s16+$0xC180] =	vst v14;
	v14 =	vld [tilespmem:s25+$0x4000]  }
0x124: {  	v27 =	vmul.f32 v52, v27;
	s24 =	sor.u32 $0x200, s28;
	v29 =	vmul.f32 $1.000000000e+03, v58;
	v8 =	vld.idx.msk [tilespmem:v39+s4+$0x0], $0xffff  }
0x125: {  	s19 =	simm.s32 $0x1000;
	v9 =	vcvt.f32.s32 v9;
	v19 =	vmul.f32 v17, v25;
	v20 =	vsub.f32 v28, v20;
	v28 =	vld [tilespmem:s24+$0x4000]  }
0x126: {  	v17 =	vmul.f32 v53, v27;
	v31 =	vtrunc.f32 v29;
	v27 =	vld.idx.msk [tilespmem:v39+s19+$0x0], $0xffff  }
0x127: {  	s11 =	simm.s32 $0x1C00;
	v30 =	vmul.f32 $1.000000000e+03, v60;
	v31 =	vcvt.f32.s32 v31  }
0x128: {  	v63 =	vcvt.s32.f32 v59;
	v38 =	vld.idx.msk [tilespmem:v59+s11+$0x0], $0xffff;
	v19 =	vadd.f32 v19, v41;
	v26 =	vmul.f32 $1.000000000e+03, v26  }
0x129: {  	s21 =	simm.s32 $0x3C00;
	v36 =	vld.idx.msk [tilespmem:v62+s11+$0x0], $0xffff;
	v35 =	vtrunc.f32 v30;
	v49 =	vmul.f32 v20, v8  }
0x12a: {  	v10 =	vadd.f32 v10, v18;
	s22 =	sor.u32 $0x300, s5;
	[tilespmem:s0+$0xC000] =	vst v19;
	v19 =	vld.idx.msk [tilespmem:v59+s21+$0x0], $0xffff;
	v52 =	vtrunc.f32 v26;
	v39 =	vmul.f32 $1.000000000e+03, v28  }
0x12b: {  	v50 =	vld [tilespmem:s22+$0x4000];
	v45 =	vmul.f32 $1.000000000e+03, v14;
	v18 =	vcvt.f32.s32 v52;
	v27 =	vadd.f32 v49, v27  }
0x12c: {  	s12 =	simm.s32 $0x3800;
	v35 =	vcvt.f32.s32 v35;
	v14 =	vld.idx.msk [tilespmem:v9+s21+$0x0], $0xffff;
	v54 =	vtrunc.f32 v39  }
0x12d: {  	v53 =	vtrunc.f32 v45;
	v44 =	vcvt.f32.s32 v54;
	[tilespmem:s3+$0xC000] =	vst v27;
	v27 =	vld.idx.msk [tilespmem:v31+s12+$0x0], $0xffff  }
0x12e: {  	s9 =	sor.u32 $0x280, s18;
	v28 =	vadd.f32 v21, v61;
	v21 =	vcvt.s32.f32 v31;
	v43 =	vcvt.f32.s32 v53;
	v31 =	vld.idx.msk [tilespmem:v31+s31+$0x0], $0xffff  }
0x12f: {  	v33 =	vsub.f32 v15, v63;
	v15 =	vld [tilespmem:s9+$0x4000];
	s13 =	sld [smem:$0x7F2]  }
0x130: {  	v20 =	vld.idx.msk [tilespmem:v62+s21+$0x0], $0xffff;
	v56 =	vcvt.s32.f32 v35;
	v29 =	vsub.f32 v29, v21;
	v40 =	vmul.f32 $1.000000000e+03, v50  }
0x131: {  	v48 =	vcvt.s32.f32 v62;
	s17 =	simm.s32 $0x1000;
	v57 =	vcvt.s32.f32 v18;
	v60 =	vld.idx.msk [tilespmem:v18+s4+$0x0], $0xffff  }
0x132: {  	v62 =	vld.idx.msk [tilespmem:v18+s17+$0x0], $0xffff;
	[tilespmem:s13+$0xC000] =	vst v10;
	v10 =	vsub.f32 v30, v56;
	v30 =	vtrunc.f32 v40;
	v29 =	vmul.f32 v29, v27  }
0x133: {  	s7 =	simm.s32 $0x14020;
	[tilespmem:s2+$0xC000] =	vst v28;
	v18 =	vmul.f32 v25, v12;
	v63 =	vcvt.f32.s32 v30;
	v25 =	vld.idx.msk [tilespmem:v44+s4+$0x0], $0xffff  }
0x134: {  	v61 =	vmul.f32 v22, v11;
	[tilespmem:s7+$0x0] =	vst v7;
	v28 =	vmul.f32 $1.000000000e+03, v15;
	v15 =	vld.idx.msk [tilespmem:v43+s4+$0x0], $0xffff;
	s4 =	simm.s32 $0x14060;
	v11 =	vadd.f32 v29, v31  }
0x135: {  	v21 =	vld.idx.msk [tilespmem:v35+s12+$0x0], $0xffff;
	s12 =	sor.u32 $0x380, s5;
	[tilespmem:s4+$0x0] =	vst v24  }
0x136: {  	v22 =	vmul.f32 v23, v13;
	s5 =	smov.u32 s20;
	s20 =	simm.s32 $0x1000;
	s2 =	sor.u32 $0x380, s1;
	v34 =	vld.idx.msk [tilespmem:v43+s17+$0x0], $0xffff;
	[tilespmem:s23+$0xC000] =	vst v11  }
0x137: {  	v12 =	vmul.f32 v33, v19;
	s13 =	sor.u32 $0x300, s28;
	v33 =	vld.idx.msk [tilespmem:v44+s20+$0x0], $0xffff;
	v23 =	vcvt.s32.f32 v63;
	[dreg:$0xa] =	wrdreg s2  }
0x138: {  	p1 =	por !p1, !p1;
	v51 =	vcvt.s32.f32 v9;
	v55 =	vsub.f32 v32, v48;
	s16 =	simm.s32 $0x3800;
	v58 =	vcvt.s32.f32 v43;
	v31 =	vld.idx.msk [tilespmem:v35+s31+$0x0], $0xffff;
	[dreg:$0xc] =	wrdreg s13  }
0x139: {  	s11 =	sor.u32 $0x380, s15;
	s15 =	sor.u32 $0x300, s29;
	v7 =	vsub.f32 v26, v57;
	v13 =	vtrunc.f32 v28;
	v26 =	vsub.f32 v40, v23;
	v23 =	vld.idx.msk [tilespmem:v63+s16+$0x0], $0xffff;
	s16 =	sld [smem:$0x7F3]  }
0x13a: {  	v37 =	vsub.f32 v37, v51;
	s19 =	smov.u32 s22;
	s22 =	sor.u32 $0x280, s1;
	v30 =	vcvt.f32.s32 v13;
	v13 =	vmul.f32 v27, v61;
	v27 =	vld.idx.msk [tilespmem:v63+s31+$0x0], $0xffff;
	s31 =	sld [smem:$0x7FB]  }
0x13b: {  	s21 =	sor.u32 $0x280, s29;
	s3 =	sor.u32 $0x380, s10;
	s10 =	sor.u32 $0x300, s1;
	v59 =	vcvt.s32.f32 v44;
	v11 =	vadd.f32 v12, v38;
	v12 =	vmul.f32 v55, v20  }
0x13c: {  	v41 =	vsub.f32 v45, v58;
	s17 =	sor.u32 $0x380, s29;
	s29 =	simm.s32 $0xC;
	v29 =	vmul.f32 v10, v21;
	v10 =	vmul.f32 v7, v60;
	s20 =	sshll.u32 s16, $0x5  }
0x13d: {  	v32 =	vsub.f32 v39, v59;
	v7 =	vmul.f32 v60, v42;
	s23 =	sor.u32 $0x280, s28;
	v24 =	vadd.f32 v12, v36;
	[smem:$0x7F4] =	sst s20;
	s0 =	sor.u32 s31, s20  }
0x13e: {  	s13 =	sor.u32 $0x380, s28;
	v12 =	vmul.f32 v37, v14;
	v35 =	vadd.f32 v10, v62;
	v36 =	vmul.f32 v41, v15;
	s28 =	simm.s32 $0x8;
	[smem:$0x7F5] =	sst s0  }
.LBB2_3:
0x13f: {  	[dreg:$0x12] =	wrdreg s10  }
0x140: {  	s0 =	simm.s32 $0x1;
	s1 =	rddreg [dreg:$0x5]  }
0x141: {  	s2 =	sand.u32 $0x7, s29;
	v60 =	vld [tilespmem:s11+$0x4000];
	s20 =	smov.u32 s11;
	s31 =	simm.s32 $0x3400;
	[tilespmem:s1+$0xC000] =	vst v11  }
0x142: {  	v10 =	vmul.f32 v15, v16;
	s8 =	sadd.s32 $0x40, s8;
	s14 =	sadd.s32 $0x200, s14;
	s10 =	simm.s32 $0x1400;
	v34 =	vadd.f32 v36, v34;
	v15 =	vld.idx.msk [tilespmem:v30+s31+$0x0], $0xffff;
	[tilespmem:s30+$0xC000] =	vst v24  }
0x143: {  	v21 =	vmul.f32 v21, v22;
	v22 =	vmul.f32 v19, v2;
	s0 =	simm.s32 @!p1 $0x0;
	s16 =	sshll.u32 s2, $0x4;
	v24 =	vld.idx.msk [tilespmem:v30+s10+$0x0], $0xffff;
	[tilespmem:s26+$0xC000] =	vst v35;
	s26 =	sadd.s32 $0xFFFFFFF0, s8  }
0x144: {  	s1 =	sadd.s32 $0xFFFFFFD0, s8;
	s31 =	sand.u32 $0x3C00, s14;
	s2 =	sand.u32 $0x60, s26;
	[tilespmem:s25+$0xC000] =	vst v34;
	v16 =	vmul.f32 v32, v25;
	v11 =	vmul.f32 v25, v17;
	v17 =	vld [tilespmem:s22+$0x4000]  }
0x145: {  	s11 =	sshll.u32 s0, $0x6;
	s0 =	sand.u32 $0x40, s1;
	v25 =	vadd.f32 v29, v31;
	s10 =	sor.u32 s31, s2;
	v29 =	vld [tilespmem:s21+$0x4000]  }
0x146: {  	v20 =	vmul.f32 v20, v1;
	v1 =	vmov v21;
	s0 =	sor.u32 s0, s31;
	[tilespmem:s7+$0xFFFFFFE0] =	vst v22;
	v21 =	vld [tilespmem:s10+$0x4000];
	v16 =	vadd.f32 v16, v33  }
0x147: {  	v19 =	vcvt.s32.f32 v30;
	[dreg:$0x5] =	wrdreg s20;
	s20 =	sadd.s32 $0xFFFFFFE0, s8;
	v18 =	vmul.f32 v23, v18;
	v61 =	vld [tilespmem:s0+$0x4100];
	[tilespmem:s5+$0xC000] =	vst v25  }
0x148: {  	[dreg:$0x1c] =	wrdreg s21;
	v2 =	vmov v13;
	s21 =	sand.u32 $0x50, s20;
	v13 =	vmul.f32 $1.000000000e+03, v60;
	v40 =	vld [tilespmem:s0+$0x4180];
	[tilespmem:s24+$0xC000] =	vst v16;
	v16 =	vmul.f32 v26, v23  }
0x149: {  	s2 =	sor.u32 s31, s21;
	[tilespmem:s7+$0xFFFFFFF0] =	vst v20;
	v23 =	vsub.f32 v28, v19;
	v19 =	vmul.f32 v14, v0;
	v0 =	vmov v18;
	v18 =	vld [tilespmem:s0+$0x4000]  }
0x14a: {  	v14 =	vtrunc.f32 v13;
	v34 =	vld [tilespmem:s2+$0x4100];
	v26 =	vadd.f32 v16, v27;
	v16 =	vmul.f32 $1.000000000e+03, v17  }
0x14b: {  	v25 =	vld [tilespmem:s23+$0x4000];
	v22 =	vmul.f32 v23, v15;
	v17 =	vmul.f32 $1.000000000e+03, v29  }
0x14c: {  	s25 =	sadd.s32 s16, s14;
	v23 =	vld [tilespmem:s2+$0x4000];
	v28 =	vmul.f32 $1.000000000e+03, v21;
	v32 =	vmul.f32 $1.000000000e+03, v61  }
0x14d: {  	s20 =	sadd.s32 $0x10, s25;
	s24 =	sand.u32 $0x70, s8;
	v27 =	vld [tilespmem:s0+$0x4080];
	v40 =	vmul.f32 $1.000000000e+03, v40;
	v20 =	vtrunc.f32 v16  }
0x14e: {  	s1 =	sadd.s32 s11, s14;
	s16 =	sor.u32 $0x280, s20;
	s31 =	sor.u32 s31, s24;
	v29 =	vld [tilespmem:s2+$0x4080];
	[tilespmem:s19+$0xC000] =	vst v26;
	v24 =	vadd.f32 v22, v24;
	v22 =	vtrunc.f32 v17;
	v21 =	vcvt.f32.s32 v20  }
0x14f: {  	[dreg:$0x17] =	wrdreg s16;
	s16 =	sor.u32 $0x300, s1;
	v26 =	vld [tilespmem:s31+$0x4000];
	v18 =	vmul.f32 $1.000000000e+03, v18;
	v34 =	vmul.f32 $1.000000000e+03, v34  }
0x150: {  	[dreg:$0xf] =	wrdreg s16;
	s16 =	sor.u32 $0x300, s18;
	[tilespmem:s9+$0xC000] =	vst v24;
	v20 =	vmul.f32 $1.000000000e+03, v25;
	v24 =	vtrunc.f32 v28  }
0x151: {  	v25 =	vld [tilespmem:s16+$0x4000];
	v23 =	vmul.f32 $1.000000000e+03, v23;
	v24 =	vcvt.f32.s32 v24  }
0x152: {  	v31 =	vtrunc.f32 v18;
	v27 =	vmul.f32 $1.000000000e+03, v27  }
0x153: {  	v29 =	vmul.f32 $1.000000000e+03, v29;
	v62 =	vcvt.f32.s32 v31  }
0x154: {  	v30 =	vld [tilespmem:s31+$0x4080];
	v31 =	vtrunc.f32 v23;
	v26 =	vmul.f32 $1.000000000e+03, v26  }
0x155: {  	v54 =	vld [tilespmem:s10+$0x4080];
	v45 =	vcvt.s32.f32 v24;
	v63 =	vcvt.f32.s32 v31  }
0x156: {  	v31 =	vtrunc.f32 v26;
	v39 =	vmul.f32 $1.000000000e+03, v25  }
0x157: {  	s26 =	smov.u32 s15;
	s15 =	sadd.s32 $0x30, s25;
	v44 =	vld [tilespmem:s2+$0x4180];
	v55 =	vtrunc.f32 v27;
	v37 =	vcvt.f32.s32 v31  }
0x158: {  	s25 =	sor.u32 $0x200, s20;
	s5 =	smov.u32 s17;
	s17 =	simm.s32 $0x2000;
	v38 =	vld [tilespmem:s31+$0x4100];
	v47 =	vtrunc.f32 v29;
	v43 =	vtrunc.f32 v39  }
0x159: {  	s21 =	sor.u32 $0x300, s20;
	s30 =	sor.u32 $0x380, s20;
	s20 =	rddreg [dreg:$0xc];
	v30 =	vmul.f32 $1.000000000e+03, v30;
	v31 =	vld.idx.msk [tilespmem:v24+s17+$0x0], $0xffff;
	v43 =	vcvt.f32.s32 v43  }
0x15a: {  	[dreg:$0x1e] =	wrdreg s5;
	s5 =	simm.s32 $0x0;
	v49 =	vld [tilespmem:s10+$0x4100];
	v25 =	vcvt.s32.f32 v62;
	v36 =	vmul.f32 $1.000000000e+03, v54  }
0x15b: {  	[dreg:$0x13] =	wrdreg s21;
	s19 =	sor.u32 $0x280, s1;
	v47 =	vcvt.f32.s32 v47;
	v28 =	vsub.f32 v28, v45;
	v41 =	vcvt.s32.f32 v63;
	v46 =	vld.idx.msk [tilespmem:v24+s5+$0x0], $0xffff  }
0x15c: {  	[dreg:$0x1a] =	wrdreg s19;
	s19 =	sor.u32 $0x300, s15;
	v50 =	vtrunc.f32 v30;
	v18 =	vsub.f32 v18, v25;
	v25 =	vld.idx.msk [tilespmem:v62+s17+$0x0], $0xffff;
	v24 =	vtrunc.f32 v36  }
0x15d: {  	s21 =	smov.u32 s19;
	s19 =	rddreg [dreg:$0xa];
	v42 =	vcvt.s32.f32 v37;
	v56 =	vcvt.f32.s32 v24;
	v24 =	vld.idx.msk [tilespmem:v37+s17+$0x0], $0xffff  }
0x15e: {  	[dreg:$0xc] =	wrdreg s21;
	s21 =	smov.u32 s19;
	s19 =	simm.s32 $0x3800;
	v58 =	vcvt.s32.f32 v47;
	v33 =	vld.idx.msk [tilespmem:v62+s5+$0x0], $0xffff;
	v48 =	vmul.f32 v28, v31  }
0x15f: {  	s11 =	sor.u32 $0x280, s15;
	v49 =	vmul.f32 $1.000000000e+03, v49;
	v26 =	vsub.f32 v26, v42;
	v42 =	vcvt.f32.s32 v55;
	v28 =	vld.idx.msk [tilespmem:v43+s19+$0x0], $0xffff  }
0x160: {  	[dreg:$0x14] =	wrdreg s11;
	s11 =	smov.u32 s3;
	s3 =	simm.s32 $0x1800;
	v41 =	vsub.f32 v23, v41;
	v23 =	vld.idx.msk [tilespmem:v63+s17+$0x0], $0xffff;
	v57 =	vcvt.s32.f32 v43;
	v46 =	vadd.f32 v48, v46  }
0x161: {  	v18 =	vmul.f32 v18, v25;
	v51 =	vcvt.s32.f32 v42;
	v43 =	vld.idx.msk [tilespmem:v43+s3+$0x0], $0xffff  }
0x162: {  	[dreg:$0x1f] =	wrdreg s26;
	s26 =	sor.u32 $0x200, s1;
	v35 =	vld.idx.msk [tilespmem:v63+s5+$0x0], $0xffff;
	v48 =	vcvt.f32.s32 v50;
	s3 =	simm.s32 $0x2400;
	[tilespmem:s10+$0xC000] =	vst v46;
	v53 =	vmul.f32 v26, v24;
	v26 =	vsub.f32 v39, v57  }
0x163: {  	s24 =	sor.u32 $0x200, s15;
	s1 =	sor.u32 $0x380, s1;
	s9 =	sor.u32 $0x380, s15;
	v33 =	vadd.f32 v18, v33;
	v46 =	vsub.f32 v29, v58;
	v29 =	vcvt.s32.f32 v56;
	v52 =	vld.idx.msk [tilespmem:v56+s3+$0x0], $0xffff  }
0x164: {  	s15 =	smov.u32 s20;
	s20 =	smov.u32 s1;
	s1 =	simm.s32 $0x400;
	v37 =	vld.idx.msk [tilespmem:v37+s5+$0x0], $0xffff;
	v39 =	vsub.f32 v27, v51;
	v27 =	vcvt.s32.f32 v48;
	v26 =	vmul.f32 v26, v28  }
0x165: {  	v44 =	vmul.f32 $1.000000000e+03, v44;
	s17 =	simm.s32 $0x3400;
	v41 =	vmul.f32 v41, v23;
	v45 =	vld.idx.msk [tilespmem:v56+s1+$0x0], $0xffff;
	v29 =	vsub.f32 v36, v29  }
0x166: {  	v18 =	vld.idx.msk [tilespmem:v21+s17+$0x0], $0xffff;
	s19 =	simm.s32 $0x1400;
	[tilespmem:s0+$0xC000] =	vst v33;
	v50 =	vsub.f32 v30, v27;
	v27 =	vtrunc.f32 v49;
	v30 =	vadd.f32 v26, v43  }
0x167: {  	v60 =	vmul.f32 $1.000000000e+03, v38;
	v59 =	vadd.f32 v41, v35;
	v35 =	vcvt.f32.s32 v27;
	v27 =	vld.idx.msk [tilespmem:v21+s19+$0x0], $0xffff  }
0x168: {  	s18 =	sor.u32 $0x380, s18;
	v61 =	vtrunc.f32 v34;
	v26 =	vld.idx.msk [tilespmem:v42+s3+$0x0], $0xffff;
	v29 =	vmul.f32 v29, v52;
	[tilespmem:s16+$0xC000] =	vst v30  }
0x169: {  	v56 =	vtrunc.f32 v60;
	v37 =	vadd.f32 v53, v37;
	v30 =	vtrunc.f32 v32;
	v62 =	vld [tilespmem:s18+$0x4000]  }
0x16a: {  	v33 =	vcvt.f32.s32 v61;
	[tilespmem:s2+$0xC000] =	vst v59;
	v41 =	vcvt.f32.s32 v30;
	v30 =	vadd.f32 v29, v45;
	v63 =	vld [tilespmem:s10+$0x4180]  }
0x16b: {  	v22 =	vcvt.f32.s32 v22;
	[tilespmem:s31+$0xC000] =	vst v37;
	v37 =	vcvt.f32.s32 v56;
	v29 =	vld.idx.msk [tilespmem:v47+s3+$0x0], $0xffff  }
0x16c: {  	s5 =	simm.s32 $0x2800;
	v58 =	vcvt.s32.f32 v33;
	v42 =	vld.idx.msk [tilespmem:v42+s1+$0x0], $0xffff;
	v59 =	vcvt.s32.f32 v35;
	[tilespmem:s10+$0xC080] =	vst v30  }
0x16d: {  	v55 =	vcvt.s32.f32 v37;
	v57 =	vcvt.s32.f32 v41;
	v54 =	vld.idx.msk [tilespmem:v35+s5+$0x0], $0xffff  }
0x16e: {  	s19 =	simm.s32 $0x800;
	v47 =	vld.idx.msk [tilespmem:v47+s1+$0x0], $0xffff;
	v39 =	vmul.f32 v39, v26;
	v38 =	vmul.f32 $1.000000000e+03, v62  }
0x16f: {  	v45 =	vsub.f32 v49, v59;
	v35 =	vld.idx.msk [tilespmem:v35+s19+$0x0], $0xffff;
	v43 =	vmul.f32 $1.000000000e+03, v63;
	v62 =	vmul.f32 $1.000000010e+24, v3  }
0x170: {  	v36 =	vsub.f32 v60, v55;
	v30 =	vld.idx.msk [tilespmem:v48+s3+$0x0], $0xffff;
	v3 =	vmovc v31;
	v31 =	vmul.f32 v46, v29;
	v60 =	vtrunc.f32 v38  }
0x171: {  	v51 =	vld [tilespmem:s31+$0x4180];
	v34 =	vsub.f32 v34, v58;
	v61 =	vtrunc.f32 v43;
	v53 =	vcvt.f32.s32 v60  }
0x172: {  	s16 =	simm.s32 $0x1C00;
	v48 =	vld.idx.msk [tilespmem:v48+s1+$0x0], $0xffff;
	v39 =	vadd.f32 v39, v42;
	v49 =	vcvt.f32.s32 v61;
	v45 =	vmul.f32 v45, v54  }
0x173: {  	v9 =	vld.idx.msk [tilespmem:v9+s16+$0x0], $0xffff;
	v32 =	vsub.f32 v32, v57;
	v57 =	vmul.f32 v4, v62;
	v31 =	vadd.f32 v31, v47  }
0x174: {  	s17 =	smov.u32 s13;
	s13 =	smov.u32 s12;
	v58 =	vtrunc.f32 v40;
	v56 =	vld [tilespmem:s11+$0x4000];
	v59 =	vtrunc.f32 v44;
	[tilespmem:s0+$0xC080] =	vst v39;
	v35 =	vadd.f32 v45, v35  }
0x175: {  	v46 =	vld [tilespmem:s13+$0x4000];
	v63 =	vmul.f32 v50, v30;
	v60 =	vmul.f32 v5, v57;
	[tilespmem:s2+$0xC080] =	vst v31  }
0x176: {  	s12 =	simm.s32 $0x3C00;
	v50 =	vcvt.f32.s32 v58;
	v31 =	vcvt.f32.s32 v59;
	v59 =	vld.idx.msk [tilespmem:v41+s5+$0x0], $0xffff;
	[tilespmem:s10+$0xC100] =	vst v35  }
0x177: {  	s1 =	simm.s32 $0x2C00;
	v61 =	vadd.f32 v63, v48;
	v45 =	vmul.f32 $1.000000000e+03, v51;
	v63 =	vmul.f32 v6, v60;
	v48 =	vld.idx.msk [tilespmem:v53+s12+$0x0], $0xffff  }
0x178: {  	v9 =	vadd.f32 v12, v9;
	v57 =	vcvt.s32.f32 v53;
	v12 =	vcvt.s32.f32 v31;
	v6 =	vld.idx.msk [tilespmem:v49+s1+$0x0], $0xffff  }
0x179: {  	[dreg:$0xa] =	wrdreg s20;
	s20 =	smov.u32 s30;
	s30 =	smov.u32 s11;
	v62 =	vtrunc.f32 v45;
	v8 =	vmul.f32 v8, v63;
	v58 =	vld.idx.msk [tilespmem:v53+s16+$0x0], $0xffff  }
0x17a: {  	s11 =	smov.u32 s21;
	s21 =	rddreg [dreg:$0x7];
	s3 =	simm.s32 $0xC00;
	[tilespmem:s31+$0xC080] =	vst v61;
	v61 =	vcvt.s32.f32 v49;
	v38 =	vsub.f32 v38, v57;
	v35 =	vcvt.f32.s32 v62;
	v62 =	vld.idx.msk [tilespmem:v33+s5+$0x0], $0xffff  }
0x17b: {  	v21 =	vcvt.s32.f32 v21;
	[tilespmem:s21+$0xC000] =	vst v9;
	v49 =	vld.idx.msk [tilespmem:v49+s3+$0x0], $0xffff;
	v8 =	vmul.f32 v15, v8  }
0x17c: {  	v9 =	vsub.f32 v44, v12;
	v12 =	vsub.f32 v43, v61;
	v15 =	vld.idx.msk [tilespmem:v37+s5+$0x0], $0xffff;
	v38 =	vmul.f32 v38, v48  }
0x17d: {  	s6 =	sadd.s32 $0x2, s6;
	v60 =	vcvt.s32.f32 v50;
	[tilespmem:s7+$0x10] =	vst v19;
	v19 =	vld.idx.msk [tilespmem:v33+s19+$0x0], $0xffff;
	v8 =	vmul.f32 v28, v8  }
0x17e: {  	v44 =	vld.idx.msk [tilespmem:v41+s19+$0x0], $0xffff;
	s12 =	smov.u32 s17;
	s17 =	smov.u32 s20;
	s20 =	sand.u32 $0x3, s6;
	v32 =	vmul.f32 v32, v59;
	v12 =	vmul.f32 v12, v6;
	v47 =	vadd.f32 v38, v58  }
0x17f: {  	v4 =	vmov v52;
	s5 =	sshll.u32 s20, $0x5;
	v28 =	vtrunc.f32 v20;
	v8 =	vmul.f32 v48, v8  }
0x180: {  	s7 =	smov.u32 s4;
	s4 =	sadd.s32 $0x40, s4;
	v37 =	vld.idx.msk [tilespmem:v37+s19+$0x0], $0xffff;
	s5 =	sadd.s32 s14, s5;
	v28 =	vcvt.f32.s32 v28;
	v52 =	vmul.f32 v34, v62;
	v12 =	vadd.f32 v12, v49;
	[tilespmem:s18+$0xC000] =	vst v47  }
0x181: {  	v53 =	vcvt.s32.f32 v22;
	v63 =	vcvt.s32.f32 v35;
	s18 =	sadd.s32 $0x20, s5;
	[tilespmem:s4+$0x0] =	vst v8  }
0x182: {  	s21 =	smov.u32 s13;
	s13 =	smov.u32 s9;
	v19 =	vadd.f32 v52, v19;
	s9 =	sor.u32 $0x200, s18;
	[tilespmem:s10+$0xC180] =	vst v12;
	v12 =	vsub.f32 v16, v21;
	v16 =	vcvt.s32.f32 v28  }
0x183: {  	v5 =	vmovc v54;
	v8 =	vmul.f32 v36, v15;
	v21 =	vmul.f32 $1.000000010e+24, v25;
	v25 =	vadd.f32 v32, v44;
	v54 =	vld [tilespmem:s9+$0x4000]  }
0x184: {  	s10 =	simm.s32 $0x3400;
	v55 =	vmul.f32 v12, v18;
	v20 =	vsub.f32 v20, v16;
	v16 =	vmul.f32 $1.000000010e+24, v23  }
0x185: {  	s19 =	simm.s32 $0x1400;
	v8 =	vadd.f32 v8, v37;
	v12 =	vld.idx.msk [tilespmem:v22+s10+$0x0], $0xffff;
	[tilespmem:s0+$0xC100] =	vst v25;
	v23 =	vmul.f32 $1.000000010e+24, v24;
	v25 =	vmul.f32 $1.000000000e+03, v56  }
0x186: {  	v22 =	vld.idx.msk [tilespmem:v22+s19+$0x0], $0xffff;
	[tilespmem:s2+$0xC100] =	vst v19;
	v21 =	vmul.f32 v26, v21;
	v19 =	vadd.f32 v55, v27;
	v27 =	vmul.f32 $1.000000000e+03, v46  }
0x187: {  	v24 =	vld.idx.msk [tilespmem:v50+s1+$0x0], $0xffff;
	[tilespmem:s31+$0xC100] =	vst v8;
	v16 =	vmul.f32 v29, v16;
	v8 =	vmul.f32 v30, v23  }
0x188: {  	v26 =	vld.idx.msk [tilespmem:v31+s1+$0x0], $0xffff;
	v30 =	vtrunc.f32 v25;
	v29 =	vmul.f32 $1.000000000e+03, v54;
	[tilespmem:s22+$0xC000] =	vst v19  }
0x189: {  	v17 =	vsub.f32 v17, v53;
	v21 =	vmul.f32 v59, v21;
	v30 =	vcvt.f32.s32 v30;
	v19 =	vld.idx.msk [tilespmem:v50+s3+$0x0], $0xffff  }
0x18a: {  	v40 =	vsub.f32 v40, v60;
	v23 =	vld.idx.msk [tilespmem:v35+s1+$0x0], $0xffff;
	v56 =	vtrunc.f32 v27;
	v57 =	vtrunc.f32 v29  }
0x18b: {  	[dreg:$0x7] =	wrdreg s21;
	v31 =	vld.idx.msk [tilespmem:v31+s3+$0x0], $0xffff;
	v17 =	vmul.f32 v17, v12;
	v33 =	vcvt.f32.s32 v57  }
0x18c: {  	s21 =	rddreg [dreg:$0x1a];
	v45 =	vsub.f32 v45, v63;
	v58 =	vld.idx.msk [tilespmem:v35+s3+$0x0], $0xffff;
	v16 =	vmul.f32 v62, v16;
	v59 =	vmul.f32 v40, v24  }
0x18d: {  	v36 =	vld.idx.msk [tilespmem:v28+s10+$0x0], $0xffff;
	s1 =	rddreg [dreg:$0x12];
	v15 =	vmul.f32 v15, v8;
	v62 =	vcvt.f32.s32 v14;
	v17 =	vadd.f32 v17, v22  }
0x18e: {  	s22 =	smov.u32 s21;
	s21 =	rddreg [dreg:$0x1c];
	v61 =	vld [tilespmem:s1+$0x4000];
	v24 =	vmul.f32 v24, v21;
	v22 =	vmul.f32 v9, v26;
	v8 =	vadd.f32 v59, v19  }
0x18f: {  	s5 =	rddreg [dreg:$0x1f];
	v28 =	vld.idx.msk [tilespmem:v28+s19+$0x0], $0xffff;
	v16 =	vmul.f32 v26, v16;
	v60 =	vmul.f32 v45, v23;
	[tilespmem:s21+$0xC000] =	vst v17  }
0x190: {  	v9 =	vcvt.f32.s32 v56;
	v17 =	vmul.f32 v23, v15;
	v14 =	vld [tilespmem:s5+$0x4000];
	v19 =	vadd.f32 v22, v31;
	[tilespmem:s0+$0xC180] =	vst v8;
	s0 =	simm.s32 $0x3000  }
0x191: {  	v21 =	vadd.f32 v60, v58;
	v15 =	vcvt.s32.f32 v62;
	v23 =	vcvt.s32.f32 v33;
	v8 =	vld.idx.msk [tilespmem:v33+s0+$0x0], $0xffff  }
0x192: {  	v58 =	vmul.f32 v18, v7;
	v18 =	vmul.f32 v36, v11;
	[tilespmem:s2+$0xC180] =	vst v19;
	s2 =	simm.s32 $0x1000;
	v22 =	vld [tilespmem:s26+$0x4000]  }
0x193: {  	[tilespmem:s31+$0xC180] =	vst v21;
	v21 =	vmul.f32 $1.000000000e+03, v61;
	v19 =	vmul.f32 v20, v36;
	v26 =	vld.idx.msk [tilespmem:v33+s2+$0x0], $0xffff  }
0x194: {  	v13 =	vsub.f32 v13, v15;
	v23 =	vsub.f32 v29, v23;
	v20 =	vcvt.s32.f32 v30;
	v15 =	vld [tilespmem:s25+$0x4000]  }
0x195: {  	v29 =	vld [tilespmem:s24+$0x4000];
	v31 =	vmul.f32 $1.000000000e+03, v14;
	v14 =	vadd.f32 v19, v28;
	v19 =	vtrunc.f32 v21  }
0x196: {  	v51 =	vld.idx.msk [tilespmem:v62+s16+$0x0], $0xffff;
	v63 =	vsub.f32 v25, v20;
	v28 =	vcvt.s32.f32 v9;
	v25 =	vcvt.f32.s32 v19  }
0x197: {  	s20 =	simm.s32 $0x3C00;
	v52 =	vld.idx.msk [tilespmem:v30+s16+$0x0], $0xffff;
	v20 =	vtrunc.f32 v31;
	[tilespmem:s23+$0xC000] =	vst v14;
	v14 =	vmul.f32 v23, v8  }
0x198: {  	v19 =	vld.idx.msk [tilespmem:v62+s20+$0x0], $0xffff;
	v27 =	vsub.f32 v27, v28;
	v22 =	vmul.f32 $1.000000000e+03, v22;
	v28 =	vcvt.s32.f32 v25  }
0x199: {  	v23 =	vld [tilespmem:s15+$0x4000];
	v48 =	vcvt.f32.s32 v20;
	v15 =	vmul.f32 $1.000000000e+03, v15;
	v26 =	vadd.f32 v14, v26  }
0x19a: {  	v29 =	vmul.f32 $1.000000000e+03, v29;
	v20 =	vld.idx.msk [tilespmem:v30+s20+$0x0], $0xffff;
	v49 =	vtrunc.f32 v22  }
0x19b: {  	v14 =	vld.idx.msk [tilespmem:v9+s20+$0x0], $0xffff;
	v50 =	vsub.f32 v21, v28;
	v21 =	vtrunc.f32 v15;
	v32 =	vcvt.f32.s32 v49;
	[tilespmem:s9+$0xC000] =	vst v26;
	s9 =	sor.u32 $0x280, s18  }
0x19c: {  	s31 =	rddreg [dreg:$0x14];
	s16 =	simm.s32 $0x3800;
	v30 =	vcvt.f32.s32 v21;
	v26 =	vcvt.s32.f32 v48;
	v28 =	vld [tilespmem:s9+$0x4000]  }
0x19d: {  	s23 =	smov.u32 s31;
	s31 =	simm.s32 $0x1800;
	v21 =	vtrunc.f32 v29;
	v55 =	vld.idx.msk [tilespmem:v25+s16+$0x0], $0xffff;
	v53 =	vcvt.s32.f32 v32  }
0x19e: {  	v59 =	vld.idx.msk [tilespmem:v25+s31+$0x0], $0xffff;
	v23 =	vmul.f32 $1.000000000e+03, v23;
	v26 =	vsub.f32 v31, v26;
	v31 =	vcvt.s32.f32 v30  }
0x19f: {  	v11 =	vmul.f32 v13, v19;
	v54 =	vcvt.f32.s32 v21;
	v21 =	vld.idx.msk [tilespmem:v48+s16+$0x0], $0xffff;
	v56 =	vsub.f32 v22, v53  }
0x1a0: {  	v22 =	vmul.f32 v12, v10;
	v10 =	vtrunc.f32 v23;
	v60 =	vsub.f32 v15, v31;
	v31 =	vld.idx.msk [tilespmem:v48+s31+$0x0], $0xffff  }
0x1a1: {  	v10 =	vcvt.f32.s32 v10;
	v7 =	vld.idx.msk [tilespmem:v32+s0+$0x0], $0xffff;
	v28 =	vmul.f32 $1.000000000e+03, v28  }
0x1a2: {  	s28 =	sadd.s32 $0x4, s28;
	v35 =	vmul.f32 v63, v20;
	v57 =	vcvt.s32.f32 v54;
	v15 =	vld.idx.msk [tilespmem:v30+s0+$0x0], $0xffff  }
0x1a3: {  	p2 =	slt.u32 s28, $0x7C;
	v61 =	vld.idx.msk [tilespmem:v32+s2+$0x0], $0xffff;
	v13 =	vcvt.s32.f32 v10;
	v12 =	vtrunc.f32 v28  }
.Ltmp0:
0x1a4: {  	v11 =	vadd.f32 v11, v51;
	v34 =	vld.idx.msk [tilespmem:v30+s2+$0x0], $0xffff;
	v30 =	vcvt.f32.s32 v12;
	v12 =	vmul.f32 v50, v55;
	(pc) =	sbr.rel @p2 .LBB2_3-.Ltmp0, $4  }
0x1a5: {  	s29 =	sadd.s32 $0x4, s29;
	s19 =	rddreg [dreg:$0x17];
	v32 =	vsub.f32 v29, v57;
	v25 =	vld.idx.msk [tilespmem:v54+s0+$0x0], $0xffff;
	v29 =	vmul.f32 v26, v21;
	v26 =	vsub.f32 v23, v13  }
0x1a6: {  	p1 =	por !p1, !p1;
	s10 =	simm.s32 $0x3800;
	s3 =	rddreg [dreg:$0x1e];
	v33 =	vld.idx.msk [tilespmem:v54+s2+$0x0], $0xffff;
	v13 =	vmul.f32 v55, v58;
	v62 =	vmul.f32 v56, v7;
	v63 =	vadd.f32 v12, v59  }
0x1a7: {  	s21 =	smov.u32 s19;
	s16 =	simm.s32 $0x1800;
	s31 =	rddreg [dreg:$0xf];
	v7 =	vmul.f32 v7, v24;
	v23 =	vld.idx.msk [tilespmem:v10+s10+$0x0], $0xffff;
	v24 =	vadd.f32 v35, v52;
	v36 =	vmul.f32 v60, v15  }
0x1a8: {  	s19 =	smov.u32 s15;
	s15 =	rddreg [dreg:$0x13];
	s10 =	smov.u32 s31;
	v12 =	vmul.f32 v27, v14;
	v27 =	vld.idx.msk [tilespmem:v10+s16+$0x0], $0xffff;
	v35 =	vadd.f32 v62, v61;
	[tilespmem:s1+$0xC000] =	vst v63  }
0x1a9: {  	_ =	sdelay $0x2  }
0x1aa: {  	v10 =	vadd.f32 v36, v34;
	s0 =	simm.s32 $0x3400  }
0x1ab: {  	v47 =	vmul.f32 v32, v25;
	[tilespmem:s26+$0xC000] =	vst v35;
	v48 =	vld.idx.msk [tilespmem:v30+s0+$0x0], $0xffff  }
0x1ac: {  	v35 =	vld [tilespmem:s22+$0x4000];
	[tilespmem:s25+$0xC000] =	vst v10  }
0x1ad: {  	v10 =	vadd.f32 v47, v33;
	v49 =	vld [tilespmem:s21+$0x4000]  }
0x1ae: {  	v50 =	vcvt.s32.f32 v30;
	s6 =	simm.s32 $0x1400  }
0x1af: {  	v30 =	vld.idx.msk [tilespmem:v30+s6+$0x0], $0xffff;
	[tilespmem:s24+$0xC000] =	vst v10  }
0x1b0: {  	v10 =	vsub.f32 v28, v50;
	v28 =	vld [tilespmem:s23+$0x4000]  }
0x1b1: {  	v51 =	vmul.f32 $1.000000000e+03, v35  }
0x1b2: {  	v10 =	vmul.f32 v10, v48;
	v33 =	vmul.f32 $1.000000000e+03, v49  }
0x1b3: {  	v35 =	vtrunc.f32 v51  }
0x1b4: {  	v10 =	vadd.f32 v10, v30;
	v35 =	vcvt.f32.s32 v35;
	v30 =	vtrunc.f32 v33  }
0x1b5: {  	v52 =	vmul.f32 $1.000000000e+03, v28;
	v37 =	vcvt.f32.s32 v30  }
0x1b6: {  	s8 =	sor.u32 $0x300, s18;
	[tilespmem:s9+$0xC000] =	vst v10  }
0x1b7: {  	v10 =	vld [tilespmem:s8+$0x4000];
	v28 =	vtrunc.f32 v52  }
0x1b8: {  	v38 =	vcvt.f32.s32 v28  }
0x1b9: {  	s1 =	simm.s32 $0x3400  }
0x1ba: {  	v30 =	vld.idx.msk [tilespmem:v35+s1+$0x0], $0xffff  }
0x1bb: {  	s16 =	simm.s32 $0x1400;
	v39 =	vcvt.s32.f32 v35;
	v28 =	vld.idx.msk [tilespmem:v37+s1+$0x0], $0xffff  }
0x1bc: {  	v35 =	vld.idx.msk [tilespmem:v35+s16+$0x0], $0xffff;
	v40 =	vmul.f32 $1.000000000e+03, v10;
	v10 =	vcvt.s32.f32 v37  }
0x1bd: {  	s2 =	simm.s32 $0x3400;
	v34 =	vsub.f32 v51, v39;
	v37 =	vld.idx.msk [tilespmem:v37+s16+$0x0], $0xffff  }
0x1be: {  	v41 =	vcvt.s32.f32 v38;
	v33 =	vsub.f32 v33, v10;
	v10 =	vld.idx.msk [tilespmem:v38+s2+$0x0], $0xffff  }
0x1bf: {  	v53 =	vtrunc.f32 v40;
	v34 =	vmul.f32 v34, v30  }
0x1c0: {  	v39 =	vcvt.f32.s32 v53;
	v38 =	vld.idx.msk [tilespmem:v38+s16+$0x0], $0xffff;
	v33 =	vmul.f32 v33, v28  }
0x1c1: {  	v36 =	vsub.f32 v52, v41;
	v34 =	vadd.f32 v34, v35  }
0x1c2: {  	v33 =	vadd.f32 v33, v37  }
0x1c3: {  	[tilespmem:s22+$0xC000] =	vst v34;
	v54 =	vmul.f32 v36, v10  }
0x1c4: {  	v55 =	vld [tilespmem:s10+$0x4000];
	[tilespmem:s21+$0xC000] =	vst v33  }
0x1c5: {  	s22 =	simm.s32 $0x3800;
	v33 =	vld [tilespmem:s15+$0x4000];
	v34 =	vadd.f32 v54, v38  }
0x1c6: {  	v56 =	vld.idx.msk [tilespmem:v39+s22+$0x0], $0xffff  }
0x1c7: {  	s6 =	smov.u32 s15;
	v57 =	vcvt.s32.f32 v39;
	s15 =	simm.s32 $0x1800;
	[tilespmem:s23+$0xC000] =	vst v34  }
0x1c8: {  	v58 =	vld.idx.msk [tilespmem:v39+s15+$0x0], $0xffff;
	s24 =	rddreg [dreg:$0xc]  }
0x1c9: {  	v37 =	vsub.f32 v40, v57;
	v34 =	vld [tilespmem:s24+$0x4000];
	v35 =	vmul.f32 $1.000000000e+03, v55  }
0x1ca: {  	v33 =	vmul.f32 $1.000000000e+03, v33  }
0x1cb: {  	v37 =	vmul.f32 v37, v56;
	v59 =	vtrunc.f32 v35  }
0x1cc: {  	v39 =	vcvt.f32.s32 v59;
	v60 =	vtrunc.f32 v33  }
0x1cd: {  	v29 =	vadd.f32 v29, v31;
	v61 =	vcvt.f32.s32 v60  }
0x1ce: {  	v15 =	vmul.f32 v15, v16;
	v37 =	vadd.f32 v37, v58;
	v34 =	vmul.f32 $1.000000000e+03, v34  }
0x1cf: {  	v62 =	vld [tilespmem:s11+$0x4000];
	v21 =	vmul.f32 v21, v22;
	v16 =	vmul.f32 v25, v17;
	[tilespmem:s5+$0xC000] =	vst v29  }
0x1d0: {  	s25 =	sor.u32 $0x380, s18;
	v22 =	vmul.f32 v26, v23;
	v17 =	vld [tilespmem:s3+$0x4000];
	[tilespmem:s8+$0xC000] =	vst v37;
	v31 =	vtrunc.f32 v34  }
0x1d1: {  	s26 =	simm.s32 $0x3800;
	v29 =	vld [tilespmem:s25+$0x4000];
	v31 =	vcvt.f32.s32 v31  }
0x1d2: {  	v2 =	vmul.f32 v19, v2;
	v3 =	vmul.f32 $1.000000010e+24, v3;
	v19 =	vadd.f32 v22, v27;
	v25 =	vld.idx.msk [tilespmem:v39+s26+$0x0], $0xffff  }
0x1d3: {  	v63 =	vcvt.s32.f32 v39;
	v44 =	vld.idx.msk [tilespmem:v61+s26+$0x0], $0xffff  }
0x1d4: {  	v3 =	vmul.f32 v4, v3;
	[tilespmem:s19+$0xC000] =	vst v19;
	v22 =	vcvt.s32.f32 v61;
	v27 =	vld.idx.msk [tilespmem:v39+s15+$0x0], $0xffff  }
0x1d5: {  	v46 =	vld [tilespmem:s12+$0x4000];
	v35 =	vsub.f32 v35, v63  }
0x1d6: {  	v3 =	vmul.f32 v5, v3;
	s16 =	simm.s32 $0x3800;
	v22 =	vsub.f32 v33, v22;
	v45 =	vld.idx.msk [tilespmem:v61+s15+$0x0], $0xffff;
	v19 =	vmul.f32 $1.000000000e+03, v29  }
0x1d7: {  	v47 =	vcvt.s32.f32 v31;
	v29 =	vld.idx.msk [tilespmem:v31+s16+$0x0], $0xffff;
	v35 =	vmul.f32 v35, v25  }
0x1d8: {  	v4 =	vmul.f32 v22, v44;
	v22 =	vld.idx.msk [tilespmem:v31+s15+$0x0], $0xffff;
	v31 =	vtrunc.f32 v19  }
0x1d9: {  	v26 =	vmul.f32 $1.000000000e+03, v62;
	v27 =	vadd.f32 v35, v27;
	v31 =	vcvt.f32.s32 v31  }
0x1da: {  	v1 =	vmul.f32 v20, v1;
	v34 =	vsub.f32 v34, v47  }
0x1db: {  	v3 =	vmul.f32 v6, v3;
	v20 =	vtrunc.f32 v26;
	v4 =	vadd.f32 v4, v45;
	[tilespmem:s10+$0xC000] =	vst v27  }
0x1dc: {  	v5 =	vmul.f32 $1.000000000e+03, v17;
	v17 =	vmul.f32 v34, v29;
	s5 =	rddreg [dreg:$0xa]  }
0x1dd: {  	v20 =	vcvt.f32.s32 v20;
	v6 =	vmul.f32 $1.000000000e+03, v46;
	[tilespmem:s6+$0xC000] =	vst v4;
	v27 =	vld [tilespmem:s5+$0x4000]  }
0x1de: {  	v0 =	vmul.f32 v14, v0;
	v3 =	vmul.f32 v8, v3;
	v17 =	vadd.f32 v17, v22;
	v22 =	vld [tilespmem:s17+$0x4000]  }
0x1df: {  	s31 =	simm.s32 $0x1C00;
	v33 =	vtrunc.f32 v6;
	v4 =	vtrunc.f32 v5;
	v14 =	vld.idx.msk [tilespmem:v31+s20+$0x0], $0xffff  }
0x1e0: {  	v9 =	vld.idx.msk [tilespmem:v9+s31+$0x0], $0xffff;
	v4 =	vcvt.f32.s32 v4;
	[tilespmem:s24+$0xC000] =	vst v17;
	v17 =	vcvt.s32.f32 v31  }
0x1e1: {  	v18 =	vmul.f32 v23, v18;
	v23 =	vcvt.f32.s32 v33  }
0x1e2: {  	v3 =	vmul.f32 v48, v3;
	v8 =	vld [tilespmem:s13+$0x4000];
	s6 =	rddreg [dreg:$0x5];
	[tilespmem:s30+$0xC000] =	vst v24;
	v27 =	vmul.f32 $1.000000000e+03, v27;
	v17 =	vsub.f32 v19, v17  }
0x1e3: {  	v48 =	vld.idx.msk [tilespmem:v20+s20+$0x0], $0xffff;
	[tilespmem:s6+$0xC000] =	vst v11;
	v11 =	vcvt.s32.f32 v20;
	v22 =	vmul.f32 $1.000000000e+03, v22  }
0x1e4: {  	s8 =	simm.s32 $0x1C00;
	v31 =	vld.idx.msk [tilespmem:v31+s31+$0x0], $0xffff;
	[tilespmem:s7+$0xFFFFFFF0] =	vst v1;
	v49 =	vtrunc.f32 v27;
	v1 =	vmul.f32 v17, v14  }
0x1e5: {  	v20 =	vld.idx.msk [tilespmem:v20+s8+$0x0], $0xffff;
	[tilespmem:s7+$0xFFFFFFE0] =	vst v2;
	v2 =	vadd.f32 v12, v9;
	v24 =	vtrunc.f32 v22;
	v33 =	vcvt.f32.s32 v49  }
0x1e6: {  	v19 =	vld.idx.msk [tilespmem:v4+s20+$0x0], $0xffff;
	v17 =	vcvt.s32.f32 v4;
	s2 =	rddreg [dreg:$0x7];
	v12 =	vcvt.f32.s32 v24  }
0x1e7: {  	v9 =	vld.idx.msk [tilespmem:v23+s20+$0x0], $0xffff;
	[tilespmem:s2+$0xC000] =	vst v2;
	v2 =	vmul.f32 v56, v3;
	v8 =	vmul.f32 $1.000000000e+03, v8  }
0x1e8: {  	v4 =	vld.idx.msk [tilespmem:v4+s8+$0x0], $0xffff;
	v3 =	vsub.f32 v26, v11;
	[tilespmem:s7+$0x10] =	vst v0;
	v0 =	vcvt.s32.f32 v23  }
0x1e9: {  	s10 =	simm.s32 $0x1C00;
	v5 =	vsub.f32 v5, v17;
	v2 =	vmul.f32 v14, v2;
	v11 =	vtrunc.f32 v8  }
0x1ea: {  	v1 =	vadd.f32 v1, v31;
	v3 =	vmul.f32 v3, v48;
	v14 =	vld.idx.msk [tilespmem:v23+s10+$0x0], $0xffff;
	v11 =	vcvt.f32.s32 v11  }
0x1eb: {  	v0 =	vsub.f32 v6, v0;
	v6 =	vmul.f32 v30, v7;
	v5 =	vmul.f32 v5, v19;
	v7 =	vld.idx.msk [tilespmem:v33+s20+$0x0], $0xffff  }
0x1ec: {  	s18 =	sadd.s32 $0x40, s4;
	[tilespmem:s25+$0xC000] =	vst v1;
	v1 =	vmul.f32 v28, v15;
	v15 =	vcvt.s32.f32 v33;
	v3 =	vadd.f32 v3, v20;
	v17 =	vld.idx.msk [tilespmem:v12+s20+$0x0], $0xffff  }
0x1ed: {  	[tilespmem:s18+$0x0] =	vst v2;
	v2 =	vadd.f32 v5, v4;
	v0 =	vmul.f32 v0, v9;
	v4 =	vcvt.s32.f32 v12;
	v5 =	vld.idx.msk [tilespmem:v33+s10+$0x0], $0xffff  }
0x1ee: {  	[tilespmem:s11+$0xC000] =	vst v3;
	v3 =	vmul.f32 v48, v13;
	v13 =	vsub.f32 v27, v15;
	v12 =	vld.idx.msk [tilespmem:v12+s10+$0x0], $0xffff  }
0x1ef: {  	v9 =	vmul.f32 v9, v18;
	[tilespmem:s3+$0xC000] =	vst v2;
	v2 =	vmul.f32 v19, v21;
	v4 =	vsub.f32 v22, v4  }
0x1f0: {  	v0 =	vadd.f32 v0, v14;
	[tilespmem:s4+$0xFFFFFFE0] =	vst v3;
	v3 =	vcvt.s32.f32 v11;
	v15 =	vld.idx.msk [tilespmem:v11+s20+$0x0], $0xffff;
	v13 =	vmul.f32 v13, v7  }
0x1f1: {  	s19 =	simm.s32 $0x1C00;
	v6 =	vmul.f32 v25, v6;
	[tilespmem:s4+$0xFFFFFFF0] =	vst v2;
	v2 =	vmul.f32 v4, v17  }
0x1f2: {  	[tilespmem:s12+$0xC000] =	vst v0;
	v0 =	vsub.f32 v8, v3;
	v4 =	vld.idx.msk [tilespmem:v11+s19+$0x0], $0xffff;
	v3 =	vadd.f32 v13, v5  }
0x1f3: {  	v1 =	vmul.f32 v44, v1;
	[tilespmem:s4+$0x10] =	vst v9;
	v2 =	vadd.f32 v2, v12  }
0x1f4: {  	v5 =	vmul.f32 v10, v16;
	[tilespmem:s5+$0xC000] =	vst v3;
	v3 =	vmul.f32 v7, v6  }
0x1f5: {  	v1 =	vmul.f32 v17, v1;
	v0 =	vmul.f32 v0, v15;
	[tilespmem:s17+$0xC000] =	vst v2  }
0x1f6: {  	s0 =	rddreg [dreg:$0x0];
	v5 =	vmul.f32 v29, v5;
	[tilespmem:s18+$0xFFFFFFE0] =	vst v3  }
0x1f7: {  	v0 =	vadd.f32 v0, v4;
	s21 =	sld [smem:$0x7F3];
	[tilespmem:s18+$0xFFFFFFF0] =	vst v1  }
0x1f8: {  	v2 =	vmul.f32 v15, v5;
	s1 =	sld [smem:$0x7FA]  }
0x1f9: {  	s2 =	sld [smem:$0x7F4];
	[tilespmem:s13+$0xC000] =	vst v0  }
0x1fa: {  	s24 =	rddreg [dreg:$0x2];
	[tilespmem:s18+$0x10] =	vst v2  }
0x1fb: {  	p1 =	seq.s32 s21, $0x7;
	s22 =	sld [smem:$0x7F5]  }
0x1fc: {  	s31 =	rddreg [dreg:$0x3];
	s1 =	sadd.s32 @!p1 s2, s1  }
0x1fd: {  	s25 =	simm.s32 $0xC000;
	s2 =	simm.s32 @!p1 $0x4000;
	s1 =	sshll.u32 @!p1 s1, $0x7  }
0x1fe: {  	s0 =	sadd.s32 @!p1 s0, s1;
	s1 =	simm.s32 @!p1 $0x0;
	s23 =	sshll.u32 s22, $0x7  }
0x1ff: {  	[tilespmem:s2], [sflag:$0x1] =	stream.linear.gather @!p1 [hbm4b:s0+s1], $0x4000, $0x38;
	[tilespmem:$0x15000] =	vst v63  }
0x200: {  	s21 =	simm.s32 $0x0;
	s26 =	sshll.u32 s22, $0x4;
	s0 =	sadd.s32 s24, s23  }
0x201: {  	[hbm4b:s0+s21] =	stream.linear.scatter [tilespmem:s25], [sflag:$0x3], $0x4000, $0x38;
	[tilespmem:$0x15000] =	vst v63  }
0x202: {  	s3 =	simm.s32 $0x2;
	s2 =	simm.s32 $0x14000;
	s0 =	sadd.s32 s31, s26  }
0x203: {  	[hbm4b:s0+s21] =	stream.linear.scatter [tilespmem:s2], [sflag:$0x3], $0x800, $0x38;
	[tilespmem:$0x15000] =	vst v63  }
0x204: {  	_ =	swait.ge [sflag:s3], $0x4000  }
0x205: {  	[sflag:s3] =	ssyncset.done $0x0  }
0x206: {  	s1 =	simm.s32 @!p0 $0x4;
	[sflag:s3] =	ssyncadd.s32 $0xFFFFC000  }
0x207: {  	_ =	swait.ge @!p0 [sflag:s1], $0x4000  }
0x208: {  	[sflag:s1] =	ssyncset.done @!p0 $0x0  }
0x209: {  	[sflag:s1] =	ssyncadd.s32 @!p0 $0xFFFFC000  }
0x20a: {  	s6 =	simm.s32 $0x20;
	s4 =	simm.s32 $0x0;
	_ =	swait.ge @!p0 [sflag:s1], $0x800  }
0x20b: {  	s7 =	sand.u32 $0x3C00, s4;
	s2 =	sand.u32 $0x60, s6;
	[sflag:s1] =	ssyncset.done @!p0 $0x0  }
0x20c: {  	s8 =	sor.u32 s7, s2;
	[sflag:s1] =	ssyncadd.s32 @!p0 $0xFFFFF800  }
0x20d: {  	v0 =	vld [tilespmem:s8+$0x8000];
	_ =	sdelay $0x4  }
0x20e: {  	v1 =	vmul.f32 $1.000000000e+03, v0  }
0x20f: {  	s10 =	simm.s32 $0x0  }
0x210: {  	s1 =	sand.u32 $0x40, s10;
	v0 =	vtrunc.f32 v1  }
0x211: {  	s11 =	simm.s32 $0x10;
	s1 =	sor.u32 s1, s7;
	v2 =	vcvt.f32.s32 v0  }
0x212: {  	s12 =	simm.s32 $0x30;
	s2 =	sand.u32 $0x50, s11;
	v0 =	vld [tilespmem:s1+$0x8000]  }
0x213: {  	s17 =	sand.u32 $0x70, s12;
	s13 =	sor.u32 s7, s2;
	v3 =	vld [tilespmem:s8+$0x8080]  }
0x214: {  	s5 =	sor.u32 s7, s17;
	v4 =	vld [tilespmem:s13+$0x8000]  }
0x215: {  	v5 =	vld [tilespmem:s5+$0x8000]  }
0x216: {  	s29 =	simm.s32 $0x2000  }
0x217: {  	v7 =	vmul.f32 $1.000000000e+03, v0;
	v0 =	vld.idx.msk [tilespmem:v2+s29+$0x0], $0xffff  }
0x218: {  	v3 =	vmul.f32 $1.000000000e+03, v3;
	v6 =	vcvt.s32.f32 v2  }
0x219: {  	v8 =	vmul.f32 $1.000000000e+03, v4;
	v2 =	vld.idx.msk [tilespmem:v2+s21+$0x0], $0xffff  }
0x21a: {  	v9 =	vmul.f32 $1.000000000e+03, v5;
	v1 =	vsub.f32 v1, v6;
	v6 =	vtrunc.f32 v3  }
0x21b: {  	v5 =	vcvt.f32.s32 v6;
	v4 =	vtrunc.f32 v7  }
0x21c: {  	v12 =	vld [tilespmem:s13+$0x8080];
	v11 =	vcvt.f32.s32 v4;
	v1 =	vmul.f32 v1, v0  }
0x21d: {  	v6 =	vld [tilespmem:s8+$0x8100]  }
0x21e: {  	v24 =	vld [tilespmem:s5+$0x8100];
	v4 =	vtrunc.f32 v8;
	v18 =	vcvt.s32.f32 v11;
	v1 =	vadd.f32 v1, v2  }
0x21f: {  	v10 =	vld [tilespmem:s1+$0x8080];
	v13 =	vcvt.f32.s32 v4  }
0x220: {  	s22 =	simm.s32 $0x2400;
	v4 =	vtrunc.f32 v9;
	v7 =	vsub.f32 v7, v18;
	v18 =	vld [tilespmem:s8+$0x8180];
	[tilespmem:s8+$0x10000] =	vst v1  }
0x221: {  	v14 =	vcvt.f32.s32 v4;
	v1 =	vld.idx.msk [tilespmem:v5+s22+$0x0], $0xffff  }
0x222: {  	s23 =	simm.s32 $0x400;
	v17 =	vcvt.s32.f32 v5;
	v16 =	vmul.f32 $1.000000000e+03, v6;
	v2 =	vld [tilespmem:s5+$0x8080]  }
0x223: {  	v12 =	vmul.f32 $1.000000000e+03, v12;
	v20 =	vld.idx.msk [tilespmem:v5+s23+$0x0], $0xffff  }
0x224: {  	v22 =	vmul.f32 $1.000000000e+03, v10;
	v3 =	vsub.f32 v3, v17;
	v17 =	vtrunc.f32 v16;
	v4 =	vld.idx.msk [tilespmem:v11+s29+$0x0], $0xffff  }
0x225: {  	v19 =	vcvt.s32.f32 v13;
	v10 =	vcvt.f32.s32 v17;
	v6 =	vld.idx.msk [tilespmem:v13+s29+$0x0], $0xffff  }
0x226: {  	v21 =	vcvt.s32.f32 v14;
	v11 =	vld.idx.msk [tilespmem:v11+s21+$0x0], $0xffff;
	v3 =	vmul.f32 v3, v1  }
0x227: {  	v8 =	vsub.f32 v8, v19;
	v5 =	vld.idx.msk [tilespmem:v14+s29+$0x0], $0xffff;
	v17 =	vmul.f32 $1.000000000e+03, v2;
	v2 =	vtrunc.f32 v22  }
0x228: {  	v19 =	vtrunc.f32 v12;
	v13 =	vld.idx.msk [tilespmem:v13+s21+$0x0], $0xffff;
	v23 =	vcvt.f32.s32 v2;
	v2 =	vadd.f32 v3, v20  }
0x229: {  	v19 =	vcvt.f32.s32 v19;
	v14 =	vld.idx.msk [tilespmem:v14+s21+$0x0], $0xffff;
	v7 =	vmul.f32 v7, v4  }
0x22a: {  	s28 =	simm.s32 $0x2800;
	v15 =	vld [tilespmem:s1+$0x8100];
	v8 =	vmul.f32 v8, v6;
	v3 =	vsub.f32 v9, v21;
	v9 =	vtrunc.f32 v17;
	[tilespmem:s8+$0x10080] =	vst v2  }
0x22b: {  	v7 =	vadd.f32 v7, v11;
	v11 =	vmul.f32 $1.000000000e+03, v18;
	v21 =	vcvt.f32.s32 v9;
	v2 =	vld.idx.msk [tilespmem:v10+s28+$0x0], $0xffff  }
0x22c: {  	s24 =	simm.s32 $0x800;
	v20 =	vld [tilespmem:s13+$0x8100];
	v9 =	vcvt.s32.f32 v10;
	v3 =	vmul.f32 v3, v5  }
0x22d: {  	v13 =	vadd.f32 v8, v13;
	v25 =	vld.idx.msk [tilespmem:v10+s24+$0x0], $0xffff  }
0x22e: {  	v26 =	vld [tilespmem:s13+$0x8180];
	[tilespmem:s1+$0x10000] =	vst v7;
	v7 =	vsub.f32 v16, v9;
	v9 =	vtrunc.f32 v11;
	v3 =	vadd.f32 v3, v14  }
0x22f: {  	v18 =	vcvt.s32.f32 v23;
	[tilespmem:s13+$0x10000] =	vst v13;
	v8 =	vld.idx.msk [tilespmem:v23+s22+$0x0], $0xffff;
	v13 =	vcvt.f32.s32 v9  }
0x230: {  	v15 =	vmul.f32 $1.000000000e+03, v15;
	v9 =	vld.idx.msk [tilespmem:v19+s22+$0x0], $0xffff;
	[tilespmem:s5+$0x10000] =	vst v3;
	v3 =	vmul.f32 v7, v2  }
0x231: {  	v18 =	vsub.f32 v22, v18;
	v23 =	vld.idx.msk [tilespmem:v23+s23+$0x0], $0xffff;
	v14 =	vcvt.s32.f32 v19;
	v16 =	vmul.f32 $1.000000000e+03, v20  }
0x232: {  	v19 =	vld.idx.msk [tilespmem:v19+s23+$0x0], $0xffff;
	v20 =	vmul.f32 $1.000000000e+03, v24;
	v24 =	vtrunc.f32 v15;
	v3 =	vadd.f32 v3, v25  }
0x233: {  	v12 =	vsub.f32 v12, v14;
	v10 =	vld.idx.msk [tilespmem:v21+s22+$0x0], $0xffff;
	v22 =	vtrunc.f32 v16;
	v7 =	vcvt.s32.f32 v21  }
0x234: {  	s25 =	simm.s32 $0x2C00;
	v24 =	vcvt.f32.s32 v24;
	v22 =	vcvt.f32.s32 v22;
	v21 =	vld.idx.msk [tilespmem:v21+s23+$0x0], $0xffff;
	[tilespmem:s8+$0x10100] =	vst v3  }
0x235: {  	v12 =	vmul.f32 v12, v9;
	v7 =	vsub.f32 v17, v7;
	v17 =	vmul.f32 v18, v8;
	v3 =	vld.idx.msk [tilespmem:v13+s25+$0x0], $0xffff  }
0x236: {  	s26 =	simm.s32 $0xC00;
	v14 =	vtrunc.f32 v20;
	v18 =	vld [tilespmem:s1+$0x8180];
	v25 =	vcvt.s32.f32 v13  }
0x237: {  	v14 =	vcvt.f32.s32 v14;
	v12 =	vadd.f32 v12, v19;
	v17 =	vadd.f32 v17, v23;
	v23 =	vld.idx.msk [tilespmem:v13+s26+$0x0], $0xffff  }
0x238: {  	v7 =	vmul.f32 v7, v10;
	v11 =	vsub.f32 v11, v25  }
0x239: {  	v19 =	vld [tilespmem:s5+$0x8180];
	[tilespmem:s13+$0x10080] =	vst v12  }
0x23a: {  	s18 =	sand.u32 $0x3, s4;
	[tilespmem:s1+$0x10080] =	vst v17;
	v7 =	vadd.f32 v7, v21;
	v13 =	vld.idx.msk [tilespmem:v22+s28+$0x0], $0xffff;
	v17 =	vmul.f32 v11, v3  }
0x23b: {  	s2 =	sshll.u32 s18, $0x5;
	v25 =	vmul.f32 $1.000000000e+03, v26;
	v21 =	vcvt.s32.f32 v22;
	v22 =	vld.idx.msk [tilespmem:v22+s24+$0x0], $0xffff  }
0x23c: {  	s2 =	sadd.s32 $0x0, s2;
	v12 =	vld.idx.msk [tilespmem:v24+s28+$0x0], $0xffff;
	v18 =	vmul.f32 $1.000000000e+03, v18;
	[tilespmem:s5+$0x10080] =	vst v7;
	v7 =	vcvt.s32.f32 v24;
	v17 =	vadd.f32 v17, v23  }
0x23d: {  	s2 =	sadd.s32 $0x20, s2;
	v16 =	vsub.f32 v16, v21;
	v21 =	vtrunc.f32 v25;
	v11 =	vld.idx.msk [tilespmem:v14+s28+$0x0], $0xffff  }
0x23e: {  	s19 =	sor.u32 $0x200, s2;
	v21 =	vcvt.f32.s32 v21;
	v7 =	vsub.f32 v15, v7;
	v15 =	vtrunc.f32 v18;
	v23 =	vld.idx.msk [tilespmem:v24+s24+$0x0], $0xffff;
	[tilespmem:s8+$0x10180] =	vst v17  }
0x23f: {  	v24 =	vcvt.s32.f32 v14;
	v17 =	vmul.f32 $1.000000000e+03, v19;
	v19 =	vld [tilespmem:s19+$0x8000]  }
0x240: {  	v15 =	vcvt.f32.s32 v15;
	v16 =	vmul.f32 v16, v13;
	v14 =	vld.idx.msk [tilespmem:v14+s24+$0x0], $0xffff  }
0x241: {  	v7 =	vmul.f32 v7, v12;
	v20 =	vsub.f32 v20, v24  }
0x242: {  	v16 =	vadd.f32 v16, v22;
	v24 =	vtrunc.f32 v17  }
0x243: {  	v20 =	vmul.f32 v20, v11;
	v24 =	vcvt.f32.s32 v24;
	v7 =	vadd.f32 v7, v23  }
0x244: {  	[tilespmem:s13+$0x10100] =	vst v16;
	v19 =	vmul.f32 $1.000000000e+03, v19  }
0x245: {  	v22 =	vld.idx.msk [tilespmem:v21+s25+$0x0], $0xffff;
	[tilespmem:s1+$0x10100] =	vst v7;
	v7 =	vadd.f32 v20, v14  }
0x246: {  	v14 =	vld.idx.msk [tilespmem:v15+s25+$0x0], $0xffff;
	v16 =	vtrunc.f32 v19  }
0x247: {  	v20 =	vcvt.s32.f32 v15;
	[tilespmem:s5+$0x10100] =	vst v7;
	v7 =	vld.idx.msk [tilespmem:v15+s26+$0x0], $0xffff;
	v16 =	vcvt.f32.s32 v16  }
0x248: {  	v15 =	vcvt.s32.f32 v21;
	v21 =	vld.idx.msk [tilespmem:v21+s26+$0x0], $0xffff  }
0x249: {  	v18 =	vsub.f32 v18, v20;
	v20 =	vld.idx.msk [tilespmem:v24+s25+$0x0], $0xffff  }
0x24a: {  	v23 =	vcvt.s32.f32 v24;
	v15 =	vsub.f32 v25, v15  }
0x24b: {  	s3 =	simm.s32 $0x1;
	p0 =	por $0x0, $0x0;
	v24 =	vld.idx.msk [tilespmem:v24+s26+$0x0], $0xffff;
	v18 =	vmul.f32 v18, v14  }
0x24c: {  	s30 =	simm.s32 $0x3000;
	s0 =	sand.u32 $0x7, s4;
	s3 =	simm.s32 @!p0 $0x0;
	v17 =	vsub.f32 v17, v23;
	v15 =	vmul.f32 v15, v22  }
0x24d: {  	s3 =	sshll.u32 s3, $0x6;
	s8 =	sshll.u32 s0, $0x4;
	v18 =	vadd.f32 v18, v7;
	v7 =	vld.idx.msk [tilespmem:v16+s30+$0x0], $0xffff  }
0x24e: {  	s31 =	simm.s32 $0x1000;
	s0 =	sadd.s32 $0x0, s3;
	s10 =	sadd.s32 $0x0, s8;
	v23 =	vcvt.s32.f32 v16;
	v15 =	vadd.f32 v15, v21;
	v17 =	vmul.f32 v17, v20  }
0x24f: {  	s8 =	sor.u32 $0x200, s0;
	[tilespmem:s1+$0x10180] =	vst v18;
	v16 =	vld.idx.msk [tilespmem:v16+s31+$0x0], $0xffff;
	s1 =	sadd.s32 $0x10, s10  }
0x250: {  	v19 =	vsub.f32 v19, v23;
	[tilespmem:s13+$0x10180] =	vst v15;
	v17 =	vadd.f32 v17, v24;
	v18 =	vld [tilespmem:s8+$0x8000];
	s6 =	sor.u32 $0x200, s1  }
0x251: {  	v15 =	vld [tilespmem:s6+$0x8000]  }
0x252: {  	s3 =	sadd.s32 $0x30, s10;
	[tilespmem:s5+$0x10180] =	vst v17;
	v17 =	vmul.f32 v19, v7  }
0x253: {  	s4 =	sor.u32 $0x200, s3  }
0x254: {  	v19 =	vld [tilespmem:s4+$0x8000];
	v16 =	vadd.f32 v17, v16  }
0x255: {  	v17 =	vmul.f32 $1.000000000e+03, v18  }
0x256: {  	s12 =	sor.u32 $0x280, s2;
	v15 =	vmul.f32 $1.000000000e+03, v15;
	[tilespmem:s19+$0x10000] =	vst v16  }
0x257: {  	v16 =	vtrunc.f32 v17;
	v18 =	vld [tilespmem:s12+$0x8000]  }
0x258: {  	v21 =	vtrunc.f32 v15;
	v16 =	vcvt.f32.s32 v16  }
0x259: {  	v19 =	vmul.f32 $1.000000000e+03, v19;
	v21 =	vcvt.f32.s32 v21;
	_ =	sdelay $0x1  }
0x25a: {  	v23 =	vtrunc.f32 v19  }
0x25b: {  	v23 =	vcvt.f32.s32 v23;
	v18 =	vmul.f32 $1.000000000e+03, v18;
	_ =	sdelay $0x1  }
0x25c: {  	v4 =	vmul.f32 $1.000000010e+24, v4;
	v24 =	vld.idx.msk [tilespmem:v16+s30+$0x0], $0xffff;
	v25 =	vtrunc.f32 v18  }
0x25d: {  	v26 =	vcvt.s32.f32 v16;
	v27 =	vld.idx.msk [tilespmem:v21+s30+$0x0], $0xffff;
	v25 =	vcvt.f32.s32 v25  }
0x25e: {  	v6 =	vmul.f32 $1.000000010e+24, v6;
	v28 =	vcvt.s32.f32 v21;
	v16 =	vld.idx.msk [tilespmem:v16+s31+$0x0], $0xffff  }
0x25f: {  	s11 =	simm.s32 $0x60;
	v5 =	vmul.f32 $1.000000010e+24, v5;
	s13 =	simm.s32 $0x200;
	v17 =	vsub.f32 v17, v26;
	v21 =	vld.idx.msk [tilespmem:v21+s31+$0x0], $0xffff  }
0x260: {  	v4 =	vmul.f32 v8, v4;
	v6 =	vmul.f32 v9, v6;
	s10 =	sand.u32 $0x3C00, s13;
	s5 =	sand.u32 $0x60, s11;
	v15 =	vsub.f32 v15, v28;
	v26 =	vld.idx.msk [tilespmem:v23+s30+$0x0], $0xffff  }
0x261: {  	s17 =	simm.s32 $0x40;
	s11 =	sor.u32 s10, s5;
	v8 =	vcvt.s32.f32 v23;
	v29 =	vld.idx.msk [tilespmem:v23+s31+$0x0], $0xffff;
	v17 =	vmul.f32 v17, v24  }
0x262: {  	s14 =	simm.s32 $0x3400;
	s7 =	sand.u32 $0x40, s17;
	v5 =	vmul.f32 v10, v5;
	v23 =	vld [tilespmem:s11+$0x8000];
	v15 =	vmul.f32 v15, v27  }
0x263: {  	v4 =	vmul.f32 v12, v4;
	s7 =	sor.u32 s7, s10;
	v8 =	vsub.f32 v19, v8;
	v9 =	vadd.f32 v17, v16;
	v10 =	vld.idx.msk [tilespmem:v25+s14+$0x0], $0xffff  }
0x264: {  	s9 =	simm.s32 $0x1400;
	s18 =	simm.s32 $0x50;
	v5 =	vmul.f32 v11, v5;
	v11 =	vld [tilespmem:s7+$0x8000];
	v16 =	vcvt.s32.f32 v25;
	v12 =	vadd.f32 v15, v21  }
0x265: {  	s5 =	sor.u32 $0x280, s0;
	v8 =	vmul.f32 v8, v26;
	[tilespmem:s8+$0x10000] =	vst v9;
	v9 =	vld.idx.msk [tilespmem:v25+s9+$0x0], $0xffff;
	s8 =	sand.u32 $0x50, s18  }
0x266: {  	v6 =	vmul.f32 v13, v6;
	s19 =	simm.s32 $0x70;
	v15 =	vsub.f32 v18, v16;
	[tilespmem:s6+$0x10000] =	vst v12;
	v13 =	vld [tilespmem:s5+$0x8000];
	s9 =	sor.u32 s10, s8;
	s8 =	sor.u32 $0x280, s1  }
0x267: {  	v4 =	vmul.f32 v14, v4;
	s13 =	sand.u32 $0x70, s19;
	v8 =	vadd.f32 v8, v29;
	v17 =	vld [tilespmem:s8+$0x8000]  }
0x268: {  	v16 =	vmul.f32 $1.000000000e+03, v23;
	s10 =	sor.u32 s10, s13;
	v12 =	vmul.f32 v15, v10;
	v15 =	vld [tilespmem:s9+$0x8000];
	[smem:$0x7EF] =	sst s3  }
0x269: {  	v6 =	vmul.f32 v22, v6;
	v4 =	vmul.f32 v24, v4;
	[tilespmem:s4+$0x10000] =	vst v8;
	v8 =	vld [tilespmem:s10+$0x8000]  }
0x26a: {  	v18 =	vmul.f32 v20, v5;
	v14 =	vtrunc.f32 v16;
	v24 =	vld [tilespmem:s9+$0x8080]  }
0x26b: {  	v30 =	vld [tilespmem:s7+$0x8100];
	v9 =	vadd.f32 v12, v9;
	v12 =	vcvt.f32.s32 v14;
	v14 =	vmul.f32 $1.000000000e+03, v13  }
0x26c: {  	v5 =	vmul.f32 v27, v6;
	v62 =	vld [tilespmem:s11+$0x8180];
	v13 =	vmul.f32 $1.000000000e+03, v17  }
0x26d: {  	v51 =	vld [tilespmem:s10+$0x8100];
	[tilespmem:s12+$0x10000] =	vst v9;
	v9 =	vmul.f32 $1.000000000e+03, v11;
	v20 =	vtrunc.f32 v14  }
0x26e: {  	v17 =	vld [tilespmem:s7+$0x8080];
	v23 =	vmul.f32 $1.000000000e+03, v15;
	v15 =	vcvt.s32.f32 v12  }
0x26f: {  	s14 =	sor.u32 $0x300, s2;
	v11 =	vld [tilespmem:s11+$0x8080];
	v36 =	vtrunc.f32 v13;
	v6 =	vtrunc.f32 v9  }
0x270: {  	v21 =	vld [tilespmem:s14+$0x8000];
	v25 =	vmul.f32 $1.000000000e+03, v8;
	v57 =	vmul.f32 $1.000000000e+03, v24  }
0x271: {  	v30 =	vmul.f32 $1.000000000e+03, v30;
	v35 =	vmul.f32 $1.000000000e+03, v62  }
0x272: {  	v33 =	vmul.f32 $1.000000000e+03, v51;
	v8 =	vtrunc.f32 v23  }
0x273: {  	v27 =	vcvt.f32.s32 v6;
	v28 =	vcvt.f32.s32 v8;
	v6 =	vld.idx.msk [tilespmem:v12+s29+$0x0], $0xffff  }
0x274: {  	v22 =	vtrunc.f32 v25;
	v11 =	vmul.f32 $1.000000000e+03, v11  }
0x275: {  	s6 =	sor.u32 $0x280, s3;
	v29 =	vld.idx.msk [tilespmem:v12+s21+$0x0], $0xffff;
	v56 =	vmul.f32 $1.000000000e+03, v17;
	v21 =	vmul.f32 $1.000000000e+03, v21  }
0x276: {  	v19 =	vld [tilespmem:s6+$0x8000];
	v12 =	vsub.f32 v16, v15;
	v31 =	vcvt.f32.s32 v22;
	v15 =	vtrunc.f32 v11  }
0x277: {  	v22 =	vtrunc.f32 v21;
	v50 =	vcvt.f32.s32 v15  }
0x278: {  	v8 =	vld [tilespmem:s10+$0x8080];
	v52 =	vcvt.f32.s32 v22;
	v53 =	vmul.f32 v12, v6  }
0x279: {  	v59 =	vtrunc.f32 v57;
	v12 =	vmul.f32 v26, v18;
	v26 =	vld [tilespmem:s11+$0x8100]  }
0x27a: {  	v16 =	vld [tilespmem:s9+$0x8100];
	v47 =	vtrunc.f32 v33;
	v22 =	vcvt.f32.s32 v20;
	v20 =	vadd.f32 v53, v29  }
0x27b: {  	v41 =	vcvt.f32.s32 v59;
	v15 =	vmul.f32 $1.000000000e+03, v19;
	v19 =	vld.idx.msk [tilespmem:v27+s29+$0x0], $0xffff  }
0x27c: {  	v54 =	vcvt.s32.f32 v28;
	v29 =	vcvt.s32.f32 v27;
	v27 =	vld.idx.msk [tilespmem:v27+s21+$0x0], $0xffff;
	[tilespmem:s11+$0x10000] =	vst v20  }
0x27d: {  	v55 =	vcvt.s32.f32 v31;
	v58 =	vmul.f32 $1.000000000e+03, v8;
	v8 =	vld.idx.msk [tilespmem:v50+s22+$0x0], $0xffff  }
0x27e: {  	v24 =	vmul.f32 $1.000000000e+03, v26;
	v26 =	vcvt.s32.f32 v50;
	v20 =	vld.idx.msk [tilespmem:v52+s16+$0x0], $0xffff  }
0x27f: {  	v60 =	vcvt.s32.f32 v52;
	v9 =	vsub.f32 v9, v29;
	v29 =	vtrunc.f32 v56;
	v32 =	vld.idx.msk [tilespmem:v50+s23+$0x0], $0xffff  }
0x280: {  	v43 =	vcvt.s32.f32 v41;
	v29 =	vcvt.f32.s32 v29;
	v34 =	vld.idx.msk [tilespmem:v52+s15+$0x0], $0xffff;
	v11 =	vsub.f32 v11, v26  }
0x281: {  	v18 =	vld.idx.msk [tilespmem:v28+s29+$0x0], $0xffff;
	v21 =	vsub.f32 v21, v60;
	v9 =	vmul.f32 v9, v19;
	v26 =	vtrunc.f32 v24  }
0x282: {  	v17 =	vld.idx.msk [tilespmem:v31+s29+$0x0], $0xffff;
	v26 =	vcvt.f32.s32 v26;
	v11 =	vmul.f32 v11, v8  }
0x283: {  	v23 =	vsub.f32 v23, v54;
	v28 =	vld.idx.msk [tilespmem:v28+s21+$0x0], $0xffff;
	v9 =	vadd.f32 v9, v27;
	v21 =	vmul.f32 v21, v20  }
0x284: {  	v25 =	vsub.f32 v25, v55;
	v61 =	vtrunc.f32 v58;
	v31 =	vld.idx.msk [tilespmem:v31+s21+$0x0], $0xffff;
	v11 =	vadd.f32 v11, v32  }
0x285: {  	v63 =	vld [tilespmem:s7+$0x8180];
	v44 =	vmul.f32 $1.000000000e+03, v16;
	v37 =	vcvt.f32.s32 v61;
	[tilespmem:s7+$0x10000] =	vst v9;
	v34 =	vadd.f32 v21, v34  }
0x286: {  	v23 =	vmul.f32 v23, v18;
	v42 =	vcvt.s32.f32 v29;
	v27 =	vld [tilespmem:s9+$0x8180];
	[tilespmem:s11+$0x10080] =	vst v11  }
0x287: {  	s2 =	sor.u32 $0x380, s2;
	v6 =	vmul.f32 $1.000000010e+24, v6;
	v25 =	vmul.f32 v25, v17;
	v21 =	vld.idx.msk [tilespmem:v29+s22+$0x0], $0xffff;
	[tilespmem:s14+$0x10000] =	vst v34  }
0x288: {  	v23 =	vadd.f32 v23, v28;
	v38 =	vsub.f32 v56, v42;
	v42 =	vcvt.f32.s32 v47;
	v9 =	vld.idx.msk [tilespmem:v26+s28+$0x0], $0xffff;
	[smem:$0x7F0] =	sst s2  }
0x289: {  	v46 =	vtrunc.f32 v44;
	v16 =	vadd.f32 v25, v31;
	v28 =	vcvt.s32.f32 v26;
	v25 =	vld.idx.msk [tilespmem:v26+s24+$0x0], $0xffff  }
0x28a: {  	v49 =	vcvt.s32.f32 v42;
	v32 =	vmul.f32 $1.000000000e+03, v63;
	[tilespmem:s9+$0x10000] =	vst v23;
	v31 =	vld [tilespmem:s2+$0x8000]  }
0x28b: {  	v27 =	vmul.f32 $1.000000000e+03, v27;
	v23 =	vtrunc.f32 v35;
	[tilespmem:s10+$0x10000] =	vst v16;
	v29 =	vld.idx.msk [tilespmem:v29+s23+$0x0], $0xffff  }
0x28c: {  	v28 =	vsub.f32 v24, v28;
	v11 =	vcvt.s32.f32 v37;
	v16 =	vcvt.f32.s32 v23;
	v23 =	vld.idx.msk [tilespmem:v37+s22+$0x0], $0xffff  }
0x28d: {  	v53 =	vtrunc.f32 v32;
	v34 =	vcvt.f32.s32 v46;
	v24 =	vld.idx.msk [tilespmem:v41+s22+$0x0], $0xffff  }
0x28e: {  	v26 =	vtrunc.f32 v30;
	v37 =	vld.idx.msk [tilespmem:v37+s23+$0x0], $0xffff;
	v28 =	vmul.f32 v28, v9  }
0x28f: {  	s16 =	simm.s32 $0x3400;
	v40 =	vsub.f32 v58, v11;
	v26 =	vcvt.f32.s32 v26;
	v41 =	vld.idx.msk [tilespmem:v41+s23+$0x0], $0xffff;
	v38 =	vmul.f32 v38, v21  }
0x290: {  	s18 =	simm.s32 $0x1400;
	v46 =	vmul.f32 $1.000000010e+24, v0;
	v0 =	vld.idx.msk [tilespmem:v22+s16+$0x0], $0xffff;
	v25 =	vadd.f32 v28, v25;
	v28 =	vsub.f32 v57, v43  }
0x291: {  	v60 =	vld.idx.msk [tilespmem:v22+s18+$0x0], $0xffff;
	v22 =	vcvt.s32.f32 v22;
	v29 =	vadd.f32 v38, v29;
	v50 =	vmul.f32 v40, v23  }
0x292: {  	[tilespmem:s11+$0x10100] =	vst v25;
	v25 =	vmul.f32 $1.000000000e+03, v31;
	v28 =	vmul.f32 v28, v24;
	v31 =	vld [tilespmem:s10+$0x8180]  }
0x293: {  	v54 =	vtrunc.f32 v27;
	v1 =	vmul.f32 v1, v46;
	[tilespmem:s7+$0x10080] =	vst v29;
	v11 =	vld.idx.msk [tilespmem:v16+s25+$0x0], $0xffff;
	v29 =	vadd.f32 v50, v37  }
0x294: {  	v14 =	vsub.f32 v14, v22;
	v51 =	vcvt.s32.f32 v16;
	v52 =	vld.idx.msk [tilespmem:v16+s26+$0x0], $0xffff;
	v28 =	vadd.f32 v28, v41  }
0x295: {  	v1 =	vmul.f32 v2, v1;
	v2 =	vld.idx.msk [tilespmem:v26+s24+$0x0], $0xffff;
	v16 =	vtrunc.f32 v25;
	[tilespmem:s10+$0x10080] =	vst v29  }
0x296: {  	v35 =	vsub.f32 v35, v51;
	v14 =	vmul.f32 v14, v0;
	v16 =	vcvt.f32.s32 v16;
	[tilespmem:s9+$0x10080] =	vst v28;
	v28 =	vld.idx.msk [tilespmem:v26+s28+$0x0], $0xffff  }
0x297: {  	s17 =	simm.s32 $0x2;
	v33 =	vsub.f32 v33, v49;
	v56 =	vcvt.f32.s32 v53;
	v45 =	vcvt.s32.f32 v26;
	v55 =	vld.idx.msk [tilespmem:v42+s28+$0x0], $0xffff  }
0x298: {  	s2 =	sand.u32 $0x3, s17;
	v14 =	vadd.f32 v14, v60;
	v26 =	vcvt.f32.s32 v36;
	v29 =	vld.idx.msk [tilespmem:v34+s28+$0x0], $0xffff;
	v35 =	vmul.f32 v35, v11  }
0x299: {  	v48 =	vcvt.s32.f32 v34;
	s2 =	sshll.u32 s2, $0x5;
	v1 =	vmul.f32 v3, v1;
	v30 =	vsub.f32 v30, v45;
	v3 =	vld.idx.msk [tilespmem:v42+s24+$0x0], $0xffff  }
0x29a: {  	s14 =	sor.u32 $0x300, s0;
	s2 =	sadd.s32 $0x200, s2;
	v38 =	vcvt.f32.s32 v54;
	[tilespmem:s5+$0x10000] =	vst v14;
	v31 =	vmul.f32 $1.000000000e+03, v31;
	v34 =	vld.idx.msk [tilespmem:v34+s24+$0x0], $0xffff;
	v35 =	vadd.f32 v35, v52  }
0x29b: {  	v39 =	vsub.f32 v44, v48;
	s2 =	sadd.s32 $0x20, s2;
	v7 =	vmul.f32 v7, v1;
	v52 =	vld [tilespmem:s14+$0x8000];
	v30 =	vmul.f32 v30, v28  }
0x29c: {  	v57 =	vtrunc.f32 v31;
	v62 =	vld.idx.msk [tilespmem:v16+s20+$0x0], $0xffff;
	v33 =	vmul.f32 v33, v55;
	[tilespmem:s11+$0x10180] =	vst v35;
	s11 =	sor.u32 $0x200, s2  }
0x29d: {  	v58 =	vcvt.f32.s32 v57;
	v39 =	vmul.f32 v39, v29;
	v59 =	vld [tilespmem:s11+$0x8000];
	v2 =	vadd.f32 v30, v2  }
0x29e: {  	v19 =	vmul.f32 $1.000000010e+24, v19;
	v63 =	vcvt.s32.f32 v56;
	v1 =	vld.idx.msk [tilespmem:v26+s16+$0x0], $0xffff;
	v3 =	vadd.f32 v33, v3  }
0x29f: {  	v46 =	vtrunc.f32 v15;
	v7 =	vmul.f32 v10, v7;
	v34 =	vadd.f32 v39, v34;
	[tilespmem:s7+$0x10100] =	vst v2;
	v2 =	vld.idx.msk [tilespmem:v26+s18+$0x0], $0xffff  }
0x2a0: {  	v61 =	vcvt.s32.f32 v16;
	v39 =	vcvt.f32.s32 v46;
	[tilespmem:s10+$0x10100] =	vst v3;
	v47 =	vld.idx.msk [tilespmem:v56+s25+$0x0], $0xffff  }
0x2a1: {  	v7 =	vmul.f32 v20, v7;
	v20 =	vcvt.s32.f32 v26;
	[tilespmem:s9+$0x10100] =	vst v34;
	v3 =	vld.idx.msk [tilespmem:v56+s26+$0x0], $0xffff  }
0x2a2: {  	v25 =	vsub.f32 v25, v61;
	v30 =	vcvt.s32.f32 v38;
	v22 =	vld.idx.msk [tilespmem:v38+s25+$0x0], $0xffff;
	v48 =	vmul.f32 $1.000000000e+03, v59  }
0x2a3: {  	v32 =	vsub.f32 v32, v63;
	v13 =	vsub.f32 v13, v20;
	v49 =	vcvt.s32.f32 v58;
	v50 =	vld.idx.msk [tilespmem:v58+s25+$0x0], $0xffff  }
0x2a4: {  	v27 =	vsub.f32 v27, v30;
	v10 =	vmul.f32 v25, v62;
	v26 =	vld.idx.msk [tilespmem:v38+s26+$0x0], $0xffff;
	v25 =	vtrunc.f32 v48  }
0x2a5: {  	p0 =	por !p0, !p0;
	s19 =	simm.s32 $0x3400;
	s12 =	simm.s32 $0x1;
	v30 =	vsub.f32 v31, v49;
	v31 =	vld.idx.msk [tilespmem:v58+s26+$0x0], $0xffff;
	v25 =	vcvt.f32.s32 v25;
	v32 =	vmul.f32 v32, v47  }
0x2a6: {  	s12 =	simm.s32 @!p0 $0x0;
	v18 =	vmul.f32 $1.000000010e+24, v18;
	v53 =	vmul.f32 v13, v1;
	v20 =	vld.idx.msk [tilespmem:v39+s19+$0x0], $0xffff  }
0x2a7: {  	s12 =	sshll.u32 s12, $0x6;
	s20 =	simm.s32 $0x1400;
	s16 =	simm.s32 $0x4;
	v51 =	vcvt.s32.f32 v39;
	v14 =	vmul.f32 v27, v22;
	v3 =	vadd.f32 v32, v3  }
0x2a8: {  	v17 =	vmul.f32 $1.000000010e+24, v17;
	s5 =	sadd.s32 $0x200, s12;
	s13 =	sand.u32 $0x7, s16;
	v2 =	vadd.f32 v53, v2;
	v30 =	vmul.f32 v30, v50;
	v27 =	vld.idx.msk [tilespmem:v39+s20+$0x0], $0xffff  }
0x2a9: {  	v6 =	vmul.f32 v8, v6;
	s13 =	sshll.u32 s13, $0x4;
	s18 =	sor.u32 $0x200, s5;
	v15 =	vsub.f32 v15, v51;
	v14 =	vadd.f32 v14, v26;
	[tilespmem:s7+$0x10180] =	vst v3  }
0x2aa: {  	s17 =	sadd.s32 $0x200, s13;
	[tilespmem:s8+$0x10000] =	vst v2;
	v2 =	vmul.f32 $1.000000000e+03, v52;
	v3 =	vmul.f32 v21, v19;
	v19 =	vadd.f32 v30, v31;
	v21 =	vld [tilespmem:s18+$0x8000]  }
0x2ab: {  	s12 =	sadd.s32 $0x30, s17;
	v26 =	vcvt.s32.f32 v25;
	v15 =	vmul.f32 v15, v20;
	[tilespmem:s9+$0x10180] =	vst v14;
	v13 =	vld.idx.msk [tilespmem:v25+s30+$0x0], $0xffff  }
0x2ac: {  	v18 =	vmul.f32 v24, v18;
	v17 =	vmul.f32 v23, v17;
	s13 =	sor.u32 $0x200, s12;
	s7 =	sadd.s32 $0x10, s17;
	v14 =	vld.idx.msk [tilespmem:v25+s31+$0x0], $0xffff;
	[tilespmem:s10+$0x10180] =	vst v19  }
0x2ad: {  	s17 =	sor.u32 $0x200, s7;
	v23 =	vsub.f32 v48, v26;
	v26 =	vtrunc.f32 v2;
	v15 =	vadd.f32 v15, v27;
	v24 =	vld [tilespmem:s13+$0x8000]  }
0x2ae: {  	s16 =	sor.u32 $0x300, s1;
	v19 =	vld [tilespmem:s17+$0x8000];
	v26 =	vcvt.f32.s32 v26  }
0x2af: {  	v6 =	vmul.f32 v9, v6;
	v25 =	vld [tilespmem:s16+$0x8000];
	s10 =	sor.u32 $0x300, s3;
	[tilespmem:s6+$0x10000] =	vst v15  }
0x2b0: {  	v18 =	vmul.f32 v29, v18;
	v15 =	vld [tilespmem:s10+$0x8000];
	v23 =	vmul.f32 v23, v13  }
0x2b1: {  	v3 =	vmul.f32 v28, v3;
	v21 =	vmul.f32 $1.000000000e+03, v21  }
0x2b2: {  	v31 =	vcvt.s32.f32 v26;
	v24 =	vmul.f32 $1.000000000e+03, v24;
	v14 =	vadd.f32 v23, v14  }
0x2b3: {  	s20 =	simm.s32 $0x3800;
	v19 =	vmul.f32 $1.000000000e+03, v19;
	v23 =	vtrunc.f32 v21  }
0x2b4: {  	s6 =	sor.u32 $0x280, s2;
	v30 =	vld.idx.msk [tilespmem:v26+s20+$0x0], $0xffff;
	v23 =	vcvt.f32.s32 v23;
	v28 =	vtrunc.f32 v24;
	[tilespmem:s11+$0x10000] =	vst v14  }
0x2b5: {  	v15 =	vmul.f32 $1.000000000e+03, v15;
	v14 =	vmul.f32 $1.000000000e+03, v25;
	v27 =	vld [tilespmem:s6+$0x8000]  }
0x2b6: {  	v25 =	vtrunc.f32 v19;
	v28 =	vcvt.f32.s32 v28  }
0x2b7: {  	v17 =	vmul.f32 v55, v17;
	v25 =	vcvt.f32.s32 v25  }
0x2b8: {  	v18 =	vmul.f32 v22, v18;
	v2 =	vsub.f32 v2, v31;
	v55 =	vtrunc.f32 v15  }
0x2b9: {  	v26 =	vld.idx.msk [tilespmem:v26+s15+$0x0], $0xffff;
	v29 =	vtrunc.f32 v14;
	v31 =	vcvt.f32.s32 v55  }
0x2ba: {  	v2 =	vmul.f32 v2, v30;
	v54 =	vld.idx.msk [tilespmem:v23+s30+$0x0], $0xffff;
	v56 =	vmul.f32 $1.000000000e+03, v27  }
0x2bb: {  	v29 =	vcvt.f32.s32 v29;
	v27 =	vcvt.s32.f32 v23;
	v23 =	vld.idx.msk [tilespmem:v23+s31+$0x0], $0xffff  }
0x2bc: {  	v22 =	vcvt.s32.f32 v28;
	v60 =	vld.idx.msk [tilespmem:v28+s30+$0x0], $0xffff;
	v59 =	vtrunc.f32 v56  }
0x2bd: {  	v0 =	vmul.f32 v0, v4;
	v58 =	vld.idx.msk [tilespmem:v25+s30+$0x0], $0xffff;
	v21 =	vsub.f32 v21, v27;
	v37 =	vcvt.f32.s32 v59  }
0x2be: {  	v57 =	vcvt.s32.f32 v25;
	v2 =	vadd.f32 v2, v26;
	v22 =	vsub.f32 v24, v22;
	v24 =	vld.idx.msk [tilespmem:v28+s31+$0x0], $0xffff  }
0x2bf: {  	v11 =	vmul.f32 v11, v6;
	v25 =	vld.idx.msk [tilespmem:v25+s31+$0x0], $0xffff;
	v21 =	vmul.f32 v21, v54  }
0x2c0: {  	s0 =	sor.u32 $0x380, s0;
	v7 =	vmul.f32 v62, v7;
	v19 =	vsub.f32 v19, v57;
	[tilespmem:s14+$0x10000] =	vst v2;
	v28 =	vld.idx.msk [tilespmem:v31+s20+$0x0], $0xffff  }
0x2c1: {  	v1 =	vmul.f32 v1, v5;
	v26 =	vcvt.s32.f32 v29;
	v61 =	vld.idx.msk [tilespmem:v29+s20+$0x0], $0xffff;
	[dreg:$0x6] =	wrdreg s0;
	v21 =	vadd.f32 v21, v23  }
0x2c2: {  	s19 =	simm.s32 $0x3400;
	v4 =	vld [tilespmem:s0+$0x8000];
	v5 =	vmul.f32 v22, v60;
	v19 =	vmul.f32 v19, v58  }
0x2c3: {  	v17 =	vmul.f32 v50, v17;
	s8 =	simm.s32 $0xA0;
	s15 =	sor.u32 $0x280, s5;
	s14 =	simm.s32 $0x400;
	v2 =	vsub.f32 v14, v26;
	[tilespmem:s18+$0x10000] =	vst v21;
	v22 =	vld.idx.msk [tilespmem:v37+s19+$0x0], $0xffff  }
0x2c4: {  	s4 =	simm.s32 $0x1400;
	s20 =	sand.u32 $0x3C00, s14;
	s0 =	sand.u32 $0x60, s8;
	v5 =	vadd.f32 v5, v24;
	v14 =	vadd.f32 v19, v25;
	v19 =	vmul.f32 v20, v12;
	v20 =	vld [tilespmem:s15+$0x8000]  }
0x2c5: {  	v3 =	vmul.f32 v47, v3;
	v21 =	vcvt.s32.f32 v37;
	v24 =	vld.idx.msk [tilespmem:v37+s4+$0x0], $0xffff;
	s19 =	sor.u32 s20, s0  }
0x2c6: {  	v11 =	vmul.f32 v13, v11;
	s11 =	simm.s32 $0x80;
	v12 =	vcvt.s32.f32 v31;
	s0 =	sor.u32 $0x280, s12;
	[tilespmem:s13+$0x10000] =	vst v5;
	v5 =	vld [tilespmem:s19+$0x8000]  }
0x2c7: {  	s9 =	sor.u32 $0x280, s7;
	s8 =	sand.u32 $0x40, s11;
	v27 =	vmul.f32 v2, v61;
	v2 =	vmul.f32 v30, v0;
	s18 =	simm.s32 $0x90;
	[tilespmem:s17+$0x10000] =	vst v14;
	v0 =	vsub.f32 v56, v21;
	v21 =	vld [tilespmem:s0+$0x8000]  }
0x2c8: {  	v1 =	vmul.f32 v61, v1;
	s11 =	sand.u32 $0x50, s18;
	s18 =	sor.u32 s8, s20;
	v23 =	vsub.f32 v15, v12;
	v15 =	vmul.f32 v54, v3;
	v3 =	vld [tilespmem:s9+$0x8000]  }
0x2c9: {  	v14 =	vmul.f32 v58, v18;
	v18 =	vmul.f32 $1.000000000e+03, v4;
	v4 =	vld [tilespmem:s18+$0x8000]  }
0x2ca: {  	s8 =	simm.s32 $0xB0;
	v12 =	vmul.f32 v60, v17;
	s11 =	sor.u32 s20, s11;
	v41 =	vld [tilespmem:s18+$0x8100];
	v25 =	vmul.f32 v23, v28  }
0x2cb: {  	s4 =	sand.u32 $0x70, s8;
	v45 =	vld [tilespmem:s11+$0x8100];
	v26 =	vmul.f32 v0, v22;
	v23 =	vmul.f32 $1.000000000e+03, v20  }
0x2cc: {  	s13 =	sor.u32 s20, s4;
	v0 =	vmul.f32 v28, v19;
	v28 =	vld [tilespmem:s11+$0x8000];
	v5 =	vmul.f32 $1.000000000e+03, v5  }
0x2cd: {  	s20 =	simm.s32 $0x1C00;
	v30 =	vld [tilespmem:s13+$0x8000];
	v20 =	vmul.f32 $1.000000000e+03, v3;
	v3 =	vadd.f32 v26, v24;
	v19 =	vtrunc.f32 v23  }
0x2ce: {  	s4 =	simm.s32 $0x1800;
	v16 =	vld.idx.msk [tilespmem:v16+s20+$0x0], $0xffff;
	v4 =	vmul.f32 $1.000000000e+03, v4;
	v24 =	vcvt.f32.s32 v19  }
0x2cf: {  	v33 =	vld.idx.msk [tilespmem:v29+s4+$0x0], $0xffff;
	v19 =	vmul.f32 $1.000000000e+03, v21;
	v21 =	vtrunc.f32 v5;
	[tilespmem:s6+$0x10000] =	vst v3;
	s6 =	sor.u32 $0x300, s2  }
0x2d0: {  	v17 =	vtrunc.f32 v18;
	v21 =	vcvt.f32.s32 v21;
	v3 =	vld [tilespmem:s6+$0x8000]  }
0x2d1: {  	v29 =	vld [tilespmem:s18+$0x8080];
	v62 =	vmul.f32 $1.000000000e+03, v28;
	v28 =	vtrunc.f32 v4  }
0x2d2: {  	v34 =	vmul.f32 $1.000000000e+03, v30;
	v63 =	vcvt.f32.s32 v28;
	v28 =	vld [tilespmem:s19+$0x8080]  }
0x2d3: {  	v31 =	vld.idx.msk [tilespmem:v31+s4+$0x0], $0xffff;
	v11 =	vmul.f32 v22, v11;
	v30 =	vtrunc.f32 v62  }
0x2d4: {  	v53 =	vtrunc.f32 v34;
	v36 =	vcvt.f32.s32 v30;
	v30 =	vld [tilespmem:s11+$0x8080]  }
0x2d5: {  	v54 =	vld [tilespmem:s13+$0x8080];
	v59 =	vcvt.s32.f32 v21;
	v38 =	vmul.f32 $1.000000000e+03, v3  }
0x2d6: {  	v48 =	vmul.f32 $1.000000000e+03, v29;
	v37 =	vcvt.f32.s32 v53;
	v3 =	vld.idx.msk [tilespmem:v21+s29+$0x0], $0xffff  }
0x2d7: {  	v5 =	vsub.f32 v5, v59;
	v59 =	vld [tilespmem:s13+$0x8100];
	v47 =	vmul.f32 $1.000000000e+03, v28;
	v57 =	vtrunc.f32 v38  }
0x2d8: {  	v56 =	vcvt.s32.f32 v36;
	v21 =	vld.idx.msk [tilespmem:v21+s21+$0x0], $0xffff;
	v43 =	vcvt.f32.s32 v57  }
0x2d9: {  	v29 =	vld.idx.msk [tilespmem:v63+s29+$0x0], $0xffff;
	v49 =	vmul.f32 $1.000000000e+03, v30;
	v30 =	vtrunc.f32 v47  }
0x2da: {  	v35 =	vmul.f32 $1.000000000e+03, v41;
	v32 =	vsub.f32 v62, v56;
	v62 =	vld [tilespmem:s19+$0x8100];
	v50 =	vcvt.f32.s32 v30  }
0x2db: {  	v55 =	vcvt.s32.f32 v63;
	v63 =	vld.idx.msk [tilespmem:v63+s21+$0x0], $0xffff;
	v5 =	vmul.f32 v5, v3  }
0x2dc: {  	v45 =	vmul.f32 $1.000000000e+03, v45;
	v39 =	vmul.f32 $1.000000000e+03, v54;
	v30 =	vld.idx.msk [tilespmem:v37+s29+$0x0], $0xffff  }
0x2dd: {  	s3 =	simm.s32 $0x3800;
	v60 =	vtrunc.f32 v48;
	v58 =	vcvt.s32.f32 v37;
	v28 =	vld.idx.msk [tilespmem:v36+s29+$0x0], $0xffff;
	v5 =	vadd.f32 v5, v21  }
0x2de: {  	s4 =	simm.s32 $0x1800;
	v26 =	vtrunc.f32 v20;
	v46 =	vcvt.f32.s32 v60;
	v4 =	vsub.f32 v4, v55;
	v52 =	vld.idx.msk [tilespmem:v43+s3+$0x0], $0xffff  }
0x2df: {  	v61 =	vtrunc.f32 v49;
	v21 =	vsub.f32 v34, v58;
	v58 =	vcvt.s32.f32 v43;
	v43 =	vld.idx.msk [tilespmem:v43+s4+$0x0], $0xffff;
	[tilespmem:s19+$0x10000] =	vst v5  }
0x2e0: {  	v60 =	vcvt.s32.f32 v50;
	v57 =	vmul.f32 v4, v29;
	v4 =	vld.idx.msk [tilespmem:v50+s22+$0x0], $0xffff  }
0x2e1: {  	v36 =	vld.idx.msk [tilespmem:v36+s21+$0x0], $0xffff;
	v42 =	vmul.f32 $1.000000000e+03, v62;
	v5 =	vmul.f32 v21, v30;
	v21 =	vsub.f32 v38, v58  }
0x2e2: {  	v40 =	vcvt.f32.s32 v61;
	v54 =	vmul.f32 v32, v28;
	v34 =	vadd.f32 v57, v63;
	v50 =	vld.idx.msk [tilespmem:v50+s23+$0x0], $0xffff  }
0x2e3: {  	s17 =	simm.s32 $0x1400;
	v37 =	vld.idx.msk [tilespmem:v37+s21+$0x0], $0xffff;
	v32 =	vsub.f32 v47, v60;
	v61 =	vtrunc.f32 v42;
	v21 =	vmul.f32 v21, v52  }
0x2e4: {  	v51 =	vtrunc.f32 v39;
	v9 =	vld.idx.msk [tilespmem:v24+s17+$0x0], $0xffff;
	[tilespmem:s18+$0x10000] =	vst v34;
	v34 =	vcvt.f32.s32 v61  }
0x2e5: {  	v55 =	vcvt.s32.f32 v40;
	v60 =	vld [tilespmem:s19+$0x8180];
	v63 =	vmul.f32 v32, v4;
	v21 =	vadd.f32 v21, v43  }
0x2e6: {  	v26 =	vcvt.f32.s32 v26;
	v51 =	vcvt.f32.s32 v51;
	v62 =	vld [tilespmem:s18+$0x8180];
	v36 =	vadd.f32 v54, v36  }
0x2e7: {  	s2 =	sor.u32 $0x380, s2;
	v53 =	vcvt.s32.f32 v46;
	v8 =	vsub.f32 v49, v55;
	v55 =	vld.idx.msk [tilespmem:v46+s23+$0x0], $0xffff;
	v41 =	vadd.f32 v63, v50;
	[tilespmem:s6+$0x10000] =	vst v21  }
0x2e8: {  	v44 =	vcvt.s32.f32 v51;
	v29 =	vmul.f32 $1.000000010e+24, v29;
	v5 =	vadd.f32 v5, v37;
	[tilespmem:s11+$0x10000] =	vst v36;
	v56 =	vld [tilespmem:s2+$0x8000]  }
0x2e9: {  	v38 =	vmul.f32 $1.000000000e+03, v59;
	v59 =	vtrunc.f32 v35;
	v32 =	vld.idx.msk [tilespmem:v46+s22+$0x0], $0xffff;
	[tilespmem:s19+$0x10080] =	vst v41  }
0x2ea: {  	[tilespmem:s13+$0x10000] =	vst v5;
	v54 =	vmul.f32 $1.000000000e+03, v60;
	v21 =	vtrunc.f32 v45;
	v5 =	vld.idx.msk [tilespmem:v34+s28+$0x0], $0xffff  }
0x2eb: {  	v50 =	vld.idx.msk [tilespmem:v40+s22+$0x0], $0xffff;
	v57 =	vcvt.f32.s32 v21;
	v21 =	vsub.f32 v48, v53;
	v53 =	vcvt.s32.f32 v34  }
0x2ec: {  	v47 =	vmul.f32 $1.000000000e+03, v62;
	v43 =	vcvt.f32.s32 v59;
	v34 =	vld.idx.msk [tilespmem:v34+s24+$0x0], $0xffff  }
0x2ed: {  	v59 =	vld.idx.msk [tilespmem:v51+s22+$0x0], $0xffff;
	v62 =	vtrunc.f32 v54;
	v42 =	vsub.f32 v42, v53;
	v56 =	vmul.f32 $1.000000000e+03, v56  }
0x2ee: {  	v61 =	vtrunc.f32 v38;
	v53 =	vcvt.f32.s32 v62;
	v62 =	vld.idx.msk [tilespmem:v40+s23+$0x0], $0xffff  }
0x2ef: {  	v27 =	vadd.f32 v27, v33;
	v58 =	vld [tilespmem:s11+$0x8180];
	v42 =	vmul.f32 v42, v5;
	v63 =	vtrunc.f32 v56  }
0x2f0: {  	v39 =	vsub.f32 v39, v44;
	v60 =	vmul.f32 v21, v32;
	v46 =	vcvt.f32.s32 v63;
	v63 =	vld.idx.msk [tilespmem:v51+s23+$0x0], $0xffff  }
0x2f1: {  	s1 =	sor.u32 $0x380, s1;
	[tilespmem:s16+$0x10000] =	vst v27;
	v36 =	vcvt.f32.s32 v61;
	v61 =	vld [tilespmem:s13+$0x8180];
	s6 =	simm.s32 $0x3400;
	v8 =	vmul.f32 v8, v50;
	v34 =	vadd.f32 v42, v34  }
0x2f2: {  	v28 =	vmul.f32 $1.000000010e+24, v28;
	v27 =	vtrunc.f32 v47;
	v21 =	vld.idx.msk [tilespmem:v24+s6+$0x0], $0xffff;
	v44 =	vadd.f32 v60, v55;
	[dreg:$0x9] =	wrdreg s1  }
0x2f3: {  	v27 =	vcvt.f32.s32 v27;
	v39 =	vmul.f32 v39, v59;
	v8 =	vadd.f32 v8, v62;
	v51 =	vld [tilespmem:s1+$0x8000];
	[tilespmem:s19+$0x10100] =	vst v34  }
0x2f4: {  	v22 =	vadd.f32 v25, v31;
	v30 =	vmul.f32 $1.000000010e+24, v30;
	v11 =	vmul.f32 v52, v11;
	[tilespmem:s18+$0x10080] =	vst v44;
	v6 =	vld.idx.msk [tilespmem:v53+s25+$0x0], $0xffff  }
0x2f5: {  	s16 =	simm.s32 $0x3C00;
	v31 =	vcvt.s32.f32 v27;
	v13 =	vcvt.s32.f32 v53;
	[tilespmem:s11+$0x10080] =	vst v8;
	v39 =	vadd.f32 v39, v63;
	v63 =	vld.idx.msk [tilespmem:v53+s26+$0x0], $0xffff  }
0x2f6: {  	v37 =	vcvt.s32.f32 v43;
	v48 =	vcvt.s32.f32 v36;
	[tilespmem:s10+$0x10000] =	vst v22;
	v62 =	vld.idx.msk [tilespmem:v46+s16+$0x0], $0xffff  }
0x2f7: {  	v29 =	vmul.f32 v32, v29;
	v13 =	vsub.f32 v54, v13;
	v8 =	vcvt.s32.f32 v46;
	v53 =	vld.idx.msk [tilespmem:v43+s28+$0x0], $0xffff;
	[tilespmem:s13+$0x10080] =	vst v39  }
0x2f8: {  	v35 =	vsub.f32 v35, v37;
	v41 =	vcvt.s32.f32 v57;
	v40 =	vmul.f32 $1.000000000e+03, v58;
	s6 =	simm.s32 $0x4;
	v54 =	vld.idx.msk [tilespmem:v57+s28+$0x0], $0xffff;
	s21 =	sld [smem:$0x7EF]  }
0x2f9: {  	v24 =	vcvt.s32.f32 v24;
	s17 =	sand.u32 $0x3, s6;
	v8 =	vsub.f32 v56, v8;
	v43 =	vld.idx.msk [tilespmem:v43+s24+$0x0], $0xffff;
	v13 =	vmul.f32 v13, v6  }
0x2fa: {  	v38 =	vsub.f32 v38, v48;
	v30 =	vmul.f32 v59, v30;
	v42 =	vmul.f32 $1.000000000e+03, v61;
	s16 =	sshll.u32 s17, $0x5;
	v52 =	vld.idx.msk [tilespmem:v36+s28+$0x0], $0xffff  }
0x2fb: {  	v58 =	vtrunc.f32 v40;
	v57 =	vld.idx.msk [tilespmem:v57+s24+$0x0], $0xffff;
	s16 =	sadd.s32 $0x400, s16;
	v25 =	vmul.f32 v8, v62;
	v8 =	vadd.f32 v13, v63;
	s1 =	sor.u32 $0x380, s21  }
0x2fc: {  	v41 =	vsub.f32 v45, v41;
	v61 =	vtrunc.f32 v42;
	v36 =	vld.idx.msk [tilespmem:v36+s24+$0x0], $0xffff;
	s17 =	sadd.s32 $0x20, s16;
	v35 =	vmul.f32 v35, v53;
	[dreg:$0x8] =	wrdreg s1  }
0x2fd: {  	v34 =	vcvt.f32.s32 v58;
	s3 =	sor.u32 $0x200, s17;
	v22 =	vmul.f32 v62, v11;
	v11 =	vsub.f32 v23, v24;
	v58 =	vld [tilespmem:s1+$0x8000];
	[tilespmem:s19+$0x10180] =	vst v8  }
0x2fe: {  	s22 =	simm.s32 $0x3400;
	v44 =	vcvt.f32.s32 v61;
	v35 =	vadd.f32 v35, v43;
	v8 =	vmul.f32 v41, v54;
	v23 =	vld [tilespmem:s3+$0x8000]  }
0x2ff: {  	s23 =	simm.s32 $0x1400;
	v38 =	vmul.f32 v38, v52;
	v62 =	vmul.f32 v11, v21;
	v11 =	vld.idx.msk [tilespmem:v26+s22+$0x0], $0xffff  }
0x300: {  	v60 =	vcvt.s32.f32 v26;
	v13 =	vtrunc.f32 v19;
	v26 =	vld.idx.msk [tilespmem:v26+s23+$0x0], $0xffff;
	[tilespmem:s18+$0x10100] =	vst v35;
	v8 =	vadd.f32 v8, v57  }
0x301: {  	v28 =	vmul.f32 v50, v28;
	v13 =	vcvt.f32.s32 v13;
	v63 =	vadd.f32 v38, v36;
	v48 =	vld.idx.msk [tilespmem:v27+s25+$0x0], $0xffff  }
0x302: {  	v56 =	vcvt.s32.f32 v44;
	v39 =	vcvt.s32.f32 v34;
	v27 =	vld.idx.msk [tilespmem:v27+s26+$0x0], $0xffff;
	[tilespmem:s11+$0x10100] =	vst v8  }
0x303: {  	v28 =	vmul.f32 v54, v28;
	v8 =	vsub.f32 v47, v31;
	[tilespmem:s13+$0x10100] =	vst v63;
	v31 =	vld.idx.msk [tilespmem:v34+s25+$0x0], $0xffff;
	v23 =	vmul.f32 $1.000000000e+03, v23  }
0x304: {  	v20 =	vsub.f32 v20, v60;
	v29 =	vmul.f32 v53, v29;
	v30 =	vmul.f32 v52, v30;
	v49 =	vld.idx.msk [tilespmem:v44+s25+$0x0], $0xffff  }
0x305: {  	v38 =	vmul.f32 $1.000000000e+03, v51;
	v9 =	vadd.f32 v62, v9;
	v34 =	vld.idx.msk [tilespmem:v34+s26+$0x0], $0xffff;
	v51 =	vtrunc.f32 v23  }
0x306: {  	v37 =	vsub.f32 v42, v56;
	v20 =	vmul.f32 v20, v11;
	v55 =	vld.idx.msk [tilespmem:v44+s26+$0x0], $0xffff;
	v35 =	vcvt.f32.s32 v51  }
0x307: {  	v39 =	vsub.f32 v40, v39;
	v61 =	vcvt.s32.f32 v13;
	[tilespmem:s15+$0x10000] =	vst v9;
	s15 =	sor.u32 $0x300, s5;
	v45 =	vmul.f32 $1.000000000e+03, v58;
	v42 =	vld.idx.msk [tilespmem:v13+s22+$0x0], $0xffff  }
0x308: {  	p0 =	por !p0, !p0;
	s10 =	simm.s32 $0x1;
	v50 =	vtrunc.f32 v38;
	v56 =	vld [tilespmem:s15+$0x8000];
	v8 =	vmul.f32 v8, v48;
	v20 =	vadd.f32 v20, v26  }
0x309: {  	s10 =	simm.s32 @!p0 $0x0;
	v57 =	vld.idx.msk [tilespmem:v13+s23+$0x0], $0xffff;
	v58 =	vcvt.f32.s32 v17;
	v9 =	vtrunc.f32 v45  }
0x30a: {  	s10 =	sshll.u32 s10, $0x6;
	s24 =	simm.s32 $0x8;
	s25 =	sor.u32 $0x300, s7;
	v36 =	vmul.f32 v48, v29;
	[tilespmem:s9+$0x10000] =	vst v20;
	v8 =	vadd.f32 v8, v27;
	v26 =	vmul.f32 v39, v31  }
0x30b: {  	s19 =	sand.u32 $0x7, s24;
	s24 =	sadd.s32 $0x400, s10;
	v19 =	vsub.f32 v19, v61;
	v9 =	vcvt.f32.s32 v9;
	v13 =	vmul.f32 v37, v49;
	v20 =	vld [tilespmem:s25+$0x8000]  }
0x30c: {  	s26 =	sshll.u32 s19, $0x4;
	s19 =	smov.u32 s25;
	v27 =	vcvt.f32.s32 v50;
	s25 =	sor.u32 $0x200, s24;
	v17 =	vmul.f32 v31, v28;
	[tilespmem:s18+$0x10180] =	vst v8;
	v26 =	vadd.f32 v26, v34;
	v8 =	vld.idx.msk [tilespmem:v35+s30+$0x0], $0xffff  }
0x30d: {  	v19 =	vmul.f32 v19, v42;
	v60 =	vcvt.s32.f32 v35;
	v29 =	vld [tilespmem:s25+$0x8000]  }
0x30e: {  	s9 =	sadd.s32 $0x400, s26;
	v31 =	vmul.f32 $1.000000000e+03, v56;
	v63 =	vcvt.s32.f32 v9;
	[tilespmem:s11+$0x10180] =	vst v26;
	v26 =	vld.idx.msk [tilespmem:v35+s31+$0x0], $0xffff  }
0x30f: {  	s16 =	simm.s32 $0x1C00;
	v24 =	vld.idx.msk [tilespmem:v46+s20+$0x0], $0xffff;
	s29 =	sadd.s32 $0x10, s9;
	v59 =	vcvt.s32.f32 v27;
	v28 =	vadd.f32 v13, v55;
	v23 =	vsub.f32 v23, v60  }
0x310: {  	s28 =	sadd.s32 $0x30, s9;
	s26 =	sor.u32 $0x200, s29;
	v37 =	vld.idx.msk [tilespmem:v58+s16+$0x0], $0xffff;
	v13 =	vmul.f32 v49, v30;
	v61 =	vmul.f32 $1.000000000e+03, v20  }
0x311: {  	s21 =	sor.u32 $0x200, s28;
	v19 =	vadd.f32 v19, v57;
	[tilespmem:s13+$0x10180] =	vst v28;
	v28 =	vld [tilespmem:s26+$0x8000];
	v20 =	vtrunc.f32 v31;
	v23 =	vmul.f32 v23, v8  }
0x312: {  	v30 =	vcvt.s32.f32 v58;
	v62 =	vld [tilespmem:s21+$0x8000];
	v48 =	vcvt.f32.s32 v20  }
0x313: {  	[tilespmem:s0+$0x10000] =	vst v19;
	s11 =	simm.s32 $0x3C00;
	v52 =	vld.idx.msk [tilespmem:v27+s16+$0x0], $0xffff;
	v19 =	vtrunc.f32 v61;
	v29 =	vmul.f32 $1.000000000e+03, v29;
	v23 =	vadd.f32 v23, v26  }
0x314: {  	v24 =	vadd.f32 v25, v24;
	v41 =	vcvt.f32.s32 v19;
	v19 =	vld.idx.msk [tilespmem:v27+s11+$0x0], $0xffff;
	v25 =	vcvt.s32.f32 v48  }
0x315: {  	s18 =	sor.u32 $0x300, s12;
	v27 =	vsub.f32 v18, v30;
	v30 =	vsub.f32 v38, v59;
	v59 =	vmul.f32 v21, v15;
	[tilespmem:s3+$0x10000] =	vst v23  }
0x316: {  	s13 =	simm.s32 $0x3C00;
	v49 =	vld [tilespmem:s18+$0x8000];
	v50 =	vtrunc.f32 v29;
	v28 =	vmul.f32 $1.000000000e+03, v28;
	s22 =	sld [smem:$0x7F0]  }
0x317: {  	v10 =	vadd.f32 v10, v16;
	s20 =	simm.s32 $0x3800;
	v16 =	vld.idx.msk [tilespmem:v9+s13+$0x0], $0xffff;
	v35 =	vmul.f32 $1.000000000e+03, v62;
	v26 =	vcvt.f32.s32 v50  }
0x318: {  	s9 =	sor.u32 $0x280, s17;
	v21 =	vmul.f32 v11, v14;
	v51 =	vtrunc.f32 v28;
	v53 =	vld.idx.msk [tilespmem:v48+s20+$0x0], $0xffff;
	[tilespmem:s2+$0x10000] =	vst v24  }
0x319: {  	s10 =	simm.s32 $0x14820;
	v18 =	vtrunc.f32 v35;
	v23 =	vcvt.f32.s32 v51;
	v55 =	vld [tilespmem:s9+$0x8000];
	[tilespmem:s22+$0x10000] =	vst v10  }
0x31a: {  	v20 =	vld.idx.msk [tilespmem:v58+s11+$0x0], $0xffff;
	v14 =	vmul.f32 v42, v12;
	v56 =	vcvt.f32.s32 v18;
	[tilespmem:s10+$0x0] =	vst v7  }
0x31b: {  	v54 =	vcvt.s32.f32 v41;
	v40 =	vmul.f32 $1.000000000e+03, v49;
	v25 =	vsub.f32 v31, v25;
	v33 =	vld.idx.msk [tilespmem:v48+s4+$0x0], $0xffff;
	s1 =	sld [smem:$0x7F5]  }
0x31c: {  	v57 =	vcvt.s32.f32 v26;
	v18 =	vld.idx.msk [tilespmem:v41+s20+$0x0], $0xffff;
	v31 =	vcvt.s32.f32 v23  }
0x31d: {  	v39 =	vsub.f32 v45, v63;
	v15 =	vmul.f32 v25, v53;
	v60 =	vld.idx.msk [tilespmem:v26+s30+$0x0], $0xffff;
	v10 =	vtrunc.f32 v40  }
0x31e: {  	v32 =	vsub.f32 v61, v54;
	v61 =	vld.idx.msk [tilespmem:v26+s31+$0x0], $0xffff;
	v62 =	vcvt.f32.s32 v10;
	v26 =	vmul.f32 $1.000000000e+03, v55;
	s1 =	sor.u32 $0x10, s1  }
0x31f: {  	s23 =	sor.u32 $0x380, s12;
	v12 =	vmul.f32 v27, v20;
	v58 =	vcvt.s32.f32 v56;
	v31 =	vsub.f32 v28, v31;
	v10 =	vld.idx.msk [tilespmem:v23+s30+$0x0], $0xffff;
	[smem:$0x7F1] =	sst s1  }
0x320: {  	p0 =	por !p0, !p0;
	s3 =	simm.s32 $0x14860;
	v7 =	vsub.f32 v29, v57;
	v24 =	vadd.f32 v15, v33;
	v15 =	vtrunc.f32 v26;
	v11 =	vld.idx.msk [tilespmem:v56+s30+$0x0], $0xffff;
	[dreg:$0xb] =	wrdreg s23  }
0x321: {  	s0 =	simm.s32 $0x3800;
	s13 =	sor.u32 $0x380, s7;
	s7 =	sor.u32 $0x380, s24;
	v27 =	vcvt.f32.s32 v15;
	v15 =	vadd.f32 v12, v37;
	v12 =	vmul.f32 v30, v19;
	[tilespmem:s3+$0x0] =	vst v22;
	v25 =	vld.idx.msk [tilespmem:v23+s31+$0x0], $0xffff  }
0x322: {  	s16 =	sor.u32 $0x380, s29;
	s11 =	sor.u32 $0x380, s28;
	v30 =	vmul.f32 v32, v18;
	v63 =	vmul.f32 v7, v60;
	v33 =	vld.idx.msk [tilespmem:v56+s31+$0x0], $0xffff;
	[tilespmem:s15+$0x10000] =	vst v24;
	s31 =	sor.u32 $0x300, s28  }
0x323: {  	s20 =	sor.u32 $0x380, s5;
	v28 =	vsub.f32 v35, v58;
	s22 =	sor.u32 $0x280, s29;
	v7 =	vmul.f32 v60, v36;
	v22 =	vcvt.s32.f32 v62;
	v32 =	vld.idx.msk [tilespmem:v41+s4+$0x0], $0xffff;
	[dreg:$0xd] =	wrdreg s31  }
0x324: {  	s23 =	sor.u32 $0x280, s24;
	s30 =	sor.u32 $0x300, s29;
	v34 =	vadd.f32 v63, v61;
	v35 =	vmul.f32 v31, v10;
	s29 =	simm.s32 $0xC;
	v24 =	vadd.f32 v12, v52;
	v23 =	vld.idx.msk [tilespmem:v62+s0+$0x0], $0xffff  }
0x325: {  	s15 =	sor.u32 $0x300, s24;
	s24 =	sor.u32 $0x280, s28;
	v12 =	vmul.f32 v39, v16;
	s28 =	simm.s32 $0x8;
	v29 =	vsub.f32 v40, v22;
	v22 =	vmul.f32 v53, v59;
	v31 =	vld.idx.msk [tilespmem:v62+s4+$0x0], $0xffff  }
.LBB2_5:
0x326: {  	[dreg:$0x11] =	wrdreg s15  }
0x327: {  	s2 =	sand.u32 $0x7, s29;
	s1 =	rddreg [dreg:$0x6]  }
0x328: {  	s15 =	smov.u32 s20;
	s8 =	sadd.s32 $0x40, s8;
	s5 =	rddreg [dreg:$0x9]  }
0x329: {  	s14 =	sadd.s32 $0x200, s14;
	[dreg:$0x6] =	wrdreg s15;
	s4 =	sadd.s32 $0xFFFFFFF0, s8  }
0x32a: {  	s15 =	sshll.u32 s2, $0x4;
	s2 =	sand.u32 $0x60, s4;
	s4 =	simm.s32 $0x1400  }
0x32b: {  	[tilespmem:s5+$0x10000] =	vst v24;
	s12 =	sand.u32 $0x3C00, s14;
	v24 =	vld.idx.msk [tilespmem:v27+s4+$0x0], $0xffff  }
0x32c: {  	v10 =	vmul.f32 v10, v17;
	s4 =	sor.u32 s12, s2;
	v17 =	vmul.f32 v28, v11;
	v28 =	vld [tilespmem:s20+$0x8000];
	[tilespmem:s1+$0x10000] =	vst v15  }
0x32d: {  	s0 =	simm.s32 $0x1;
	v20 =	vmul.f32 v20, v2;
	v2 =	vmov v22;
	v25 =	vadd.f32 v35, v25;
	v22 =	vld [tilespmem:s4+$0x8000];
	[tilespmem:s25+$0x10000] =	vst v34;
	s25 =	simm.s32 $0x3400  }
0x32e: {  	s0 =	simm.s32 @!p0 $0x0;
	s31 =	sadd.s32 $0xFFFFFFD0, s8;
	v15 =	vld.idx.msk [tilespmem:v27+s25+$0x0], $0xffff  }
0x32f: {  	[dreg:$0x19] =	wrdreg s11;
	s11 =	sshll.u32 s0, $0x6;
	s0 =	sand.u32 $0x40, s31;
	v11 =	vmul.f32 v11, v13;
	[tilespmem:s26+$0x10000] =	vst v25;
	v25 =	vadd.f32 v30, v32;
	v13 =	vld [tilespmem:s23+$0x8000]  }
0x330: {  	v18 =	vmul.f32 v18, v21;
	v21 =	vcvt.s32.f32 v27;
	s0 =	sor.u32 s0, s12;
	v17 =	vadd.f32 v17, v33;
	v27 =	vld [tilespmem:s22+$0x8000];
	[tilespmem:s10+$0xFFFFFFE0] =	vst v20  }
0x331: {  	v19 =	vmul.f32 v19, v1;
	s25 =	sadd.s32 $0xFFFFFFE0, s8;
	[tilespmem:s19+$0x10000] =	vst v25;
	v57 =	vld [tilespmem:s0+$0x8100]  }
0x332: {  	v1 =	vmov v18;
	s31 =	sand.u32 $0x50, s25;
	v40 =	vld [tilespmem:s0+$0x8180];
	[tilespmem:s21+$0x10000] =	vst v17;
	v17 =	vmul.f32 v29, v23  }
0x333: {  	v21 =	vsub.f32 v26, v21;
	v18 =	vmul.f32 v16, v0;
	[tilespmem:s10+$0xFFFFFFF0] =	vst v19;
	v23 =	vmul.f32 v23, v14;
	s2 =	sor.u32 s12, s31;
	v25 =	vld [tilespmem:s24+$0x8000]  }
0x334: {  	v14 =	vmul.f32 $1.000000000e+03, v28;
	v28 =	vmul.f32 $1.000000000e+03, v22;
	v29 =	vld [tilespmem:s2+$0x8080];
	v17 =	vadd.f32 v17, v31  }
0x335: {  	s5 =	sand.u32 $0x70, s8;
	v0 =	vmov v23;
	v23 =	vld [tilespmem:s0+$0x8000];
	v16 =	vmul.f32 $1.000000000e+03, v13;
	v20 =	vmul.f32 v21, v15  }
0x336: {  	s31 =	sor.u32 s12, s5;
	s12 =	sadd.s32 s15, s14;
	v21 =	vld [tilespmem:s2+$0x8000];
	v13 =	vtrunc.f32 v14;
	[tilespmem:s18+$0x10000] =	vst v17;
	v17 =	vmul.f32 $1.000000000e+03, v27  }
0x337: {  	s20 =	sadd.s32 $0x10, s12;
	v32 =	vmul.f32 $1.000000000e+03, v57;
	v19 =	vtrunc.f32 v16  }
0x338: {  	s1 =	sadd.s32 s11, s14;
	s15 =	sor.u32 $0x280, s20;
	v40 =	vmul.f32 $1.000000000e+03, v40;
	v26 =	vld [tilespmem:s31+$0x8000];
	v24 =	vadd.f32 v20, v24;
	v20 =	vcvt.f32.s32 v19  }
0x339: {  	[dreg:$0x18] =	wrdreg s15;
	s15 =	sor.u32 $0x300, s1;
	v22 =	vtrunc.f32 v17;
	v19 =	vmul.f32 $1.000000000e+03, v25  }
0x33a: {  	[dreg:$0x10] =	wrdreg s15;
	s15 =	sor.u32 $0x300, s17;
	v29 =	vmul.f32 $1.000000000e+03, v29;
	[tilespmem:s9+$0x10000] =	vst v24;
	v23 =	vmul.f32 $1.000000000e+03, v23  }
0x33b: {  	v24 =	vtrunc.f32 v28;
	v25 =	vld [tilespmem:s15+$0x8000];
	v21 =	vmul.f32 $1.000000000e+03, v21  }
0x33c: {  	v27 =	vld [tilespmem:s0+$0x8080];
	v24 =	vcvt.f32.s32 v24;
	v47 =	vtrunc.f32 v29  }
0x33d: {  	s5 =	smov.u32 s30;
	s19 =	sor.u32 $0x300, s20;
	v30 =	vld [tilespmem:s31+$0x8080];
	v31 =	vtrunc.f32 v23;
	v26 =	vmul.f32 $1.000000000e+03, v26  }
0x33e: {  	s12 =	sadd.s32 $0x30, s12;
	v59 =	vld [tilespmem:s2+$0x8100];
	[dreg:$0xe] =	wrdreg s19;
	s18 =	sor.u32 $0x280, s1;
	v58 =	vcvt.f32.s32 v31;
	v31 =	vtrunc.f32 v21  }
0x33f: {  	s26 =	sor.u32 $0x200, s20;
	[dreg:$0x1b] =	wrdreg s18;
	s18 =	sor.u32 $0x300, s12;
	v36 =	vld [tilespmem:s4+$0x8080];
	v45 =	vcvt.s32.f32 v24;
	v60 =	vcvt.f32.s32 v31  }
0x340: {  	s30 =	sor.u32 $0x380, s20;
	s19 =	rddreg [dreg:$0xd];
	v38 =	vld [tilespmem:s31+$0x8100];
	s20 =	smov.u32 s18;
	v31 =	vtrunc.f32 v26;
	v39 =	vmul.f32 $1.000000000e+03, v25  }
0x341: {  	[dreg:$0xd] =	wrdreg s20;
	v49 =	vld [tilespmem:s4+$0x8100];
	v27 =	vmul.f32 $1.000000000e+03, v27;
	v37 =	vcvt.f32.s32 v31  }
0x342: {  	s20 =	smov.u32 s7;
	s7 =	smov.u32 s13;
	s13 =	simm.s32 $0x2000;
	v30 =	vmul.f32 $1.000000000e+03, v30;
	v28 =	vsub.f32 v28, v45;
	v45 =	vld [tilespmem:s31+$0x8180];
	v43 =	vtrunc.f32 v39  }
0x343: {  	[smem:$0x7EE] =	sst s5;
	s5 =	simm.s32 $0x0;
	v25 =	vcvt.s32.f32 v58;
	v31 =	vld.idx.msk [tilespmem:v24+s13+$0x0], $0xffff;
	v43 =	vcvt.f32.s32 v43  }
0x344: {  	v47 =	vcvt.f32.s32 v47;
	v36 =	vmul.f32 $1.000000000e+03, v36;
	v46 =	vld.idx.msk [tilespmem:v24+s5+$0x0], $0xffff  }
0x345: {  	v61 =	vtrunc.f32 v27;
	v50 =	vtrunc.f32 v30;
	v44 =	vsub.f32 v23, v25;
	v25 =	vld.idx.msk [tilespmem:v58+s13+$0x0], $0xffff  }
0x346: {  	s25 =	sor.u32 $0x200, s1;
	s1 =	sor.u32 $0x380, s1;
	v42 =	vcvt.s32.f32 v37;
	v24 =	vtrunc.f32 v36;
	v23 =	vld.idx.msk [tilespmem:v60+s13+$0x0], $0xffff  }
0x347: {  	s21 =	sor.u32 $0x200, s12;
	s11 =	sor.u32 $0x280, s12;
	s18 =	smov.u32 s1;
	v41 =	vcvt.s32.f32 v60;
	v62 =	vcvt.f32.s32 v24;
	v24 =	vld.idx.msk [tilespmem:v37+s13+$0x0], $0xffff  }
0x348: {  	[dreg:$0x1d] =	wrdreg s18;
	s18 =	smov.u32 s16;
	s16 =	simm.s32 $0x3800;
	v33 =	vld.idx.msk [tilespmem:v58+s5+$0x0], $0xffff;
	v26 =	vsub.f32 v26, v42;
	v42 =	vcvt.f32.s32 v61;
	v48 =	vmul.f32 v28, v31  }
0x349: {  	s9 =	sor.u32 $0x380, s12;
	s12 =	smov.u32 s19;
	s19 =	smov.u32 s30;
	v49 =	vmul.f32 $1.000000000e+03, v49;
	v21 =	vsub.f32 v21, v41;
	v63 =	vcvt.s32.f32 v43;
	v28 =	vld.idx.msk [tilespmem:v43+s16+$0x0], $0xffff  }
0x34a: {  	[dreg:$0x16] =	wrdreg s19;
	s19 =	simm.s32 $0x1800;
	v41 =	vld [tilespmem:s2+$0x8180];
	v51 =	vcvt.s32.f32 v42;
	v46 =	vadd.f32 v48, v46;
	v48 =	vcvt.f32.s32 v50  }
0x34b: {  	v44 =	vmul.f32 v44, v25;
	v43 =	vld.idx.msk [tilespmem:v43+s19+$0x0], $0xffff;
	v52 =	vmul.f32 v21, v23  }
0x34c: {  	s1 =	simm.s32 $0x2400;
	v35 =	vld.idx.msk [tilespmem:v60+s5+$0x0], $0xffff;
	v21 =	vcvt.s32.f32 v47;
	[tilespmem:s4+$0x10000] =	vst v46;
	v53 =	vmul.f32 v26, v24;
	v26 =	vsub.f32 v39, v63  }
0x34d: {  	v33 =	vadd.f32 v44, v33;
	v46 =	vld.idx.msk [tilespmem:v62+s1+$0x0], $0xffff;
	v39 =	vsub.f32 v27, v51;
	v27 =	vcvt.s32.f32 v48  }
0x34e: {  	v37 =	vld.idx.msk [tilespmem:v37+s5+$0x0], $0xffff;
	s13 =	simm.s32 $0x400;
	v50 =	vsub.f32 v29, v21;
	v21 =	vcvt.s32.f32 v62;
	v26 =	vmul.f32 v26, v28  }
0x34f: {  	v34 =	vmul.f32 $1.000000000e+03, v59;
	v57 =	vtrunc.f32 v32;
	s16 =	simm.s32 $0x3400;
	v29 =	vld.idx.msk [tilespmem:v62+s13+$0x0], $0xffff;
	v44 =	vsub.f32 v30, v27  }
0x350: {  	s19 =	simm.s32 $0x1400;
	v30 =	vsub.f32 v36, v21;
	v27 =	vtrunc.f32 v49;
	v21 =	vld.idx.msk [tilespmem:v20+s16+$0x0], $0xffff;
	[tilespmem:s0+$0x10000] =	vst v33;
	v55 =	vadd.f32 v26, v43  }
0x351: {  	v38 =	vmul.f32 $1.000000000e+03, v38;
	v56 =	vadd.f32 v52, v35;
	v35 =	vcvt.f32.s32 v27;
	v27 =	vld.idx.msk [tilespmem:v20+s19+$0x0], $0xffff  }
0x352: {  	s17 =	sor.u32 $0x380, s17;
	v22 =	vcvt.f32.s32 v22;
	v26 =	vld.idx.msk [tilespmem:v42+s1+$0x0], $0xffff;
	v30 =	vmul.f32 v30, v46;
	[tilespmem:s15+$0x10000] =	vst v55  }
0x353: {  	v58 =	vtrunc.f32 v34;
	v61 =	vtrunc.f32 v38;
	v37 =	vadd.f32 v53, v37;
	v59 =	vld [tilespmem:s17+$0x8000]  }
0x354: {  	v45 =	vmul.f32 $1.000000000e+03, v45;
	v41 =	vmul.f32 $1.000000000e+03, v41;
	[tilespmem:s2+$0x10000] =	vst v56;
	v30 =	vadd.f32 v30, v29;
	v60 =	vld [tilespmem:s4+$0x8180]  }
0x355: {  	v36 =	vcvt.f32.s32 v57;
	v33 =	vcvt.f32.s32 v58;
	[tilespmem:s31+$0x10000] =	vst v37;
	v42 =	vld.idx.msk [tilespmem:v42+s13+$0x0], $0xffff  }
0x356: {  	s5 =	simm.s32 $0x2800;
	v20 =	vcvt.s32.f32 v20;
	v37 =	vcvt.f32.s32 v61;
	v29 =	vld.idx.msk [tilespmem:v47+s1+$0x0], $0xffff;
	[tilespmem:s4+$0x10080] =	vst v30  }
0x357: {  	v62 =	vcvt.s32.f32 v36;
	v63 =	vcvt.s32.f32 v33;
	v54 =	vld.idx.msk [tilespmem:v35+s5+$0x0], $0xffff  }
0x358: {  	s19 =	simm.s32 $0x800;
	v57 =	vcvt.s32.f32 v35;
	v30 =	vld.idx.msk [tilespmem:v48+s1+$0x0], $0xffff;
	v43 =	vmul.f32 $1.000000000e+03, v59  }
0x359: {  	v39 =	vmul.f32 v39, v26;
	v35 =	vld.idx.msk [tilespmem:v35+s19+$0x0], $0xffff;
	v51 =	vmul.f32 $1.000000000e+03, v60  }
0x35a: {  	v47 =	vld.idx.msk [tilespmem:v47+s13+$0x0], $0xffff;
	v49 =	vsub.f32 v49, v57;
	v60 =	vmul.f32 $1.000000010e+24, v3;
	v58 =	vtrunc.f32 v43  }
0x35b: {  	v48 =	vld.idx.msk [tilespmem:v48+s13+$0x0], $0xffff;
	v59 =	vtrunc.f32 v51;
	v53 =	vcvt.f32.s32 v58  }
0x35c: {  	s15 =	simm.s32 $0x1C00;
	v49 =	vmul.f32 v49, v54;
	v52 =	vcvt.f32.s32 v59  }
0x35d: {  	v32 =	vsub.f32 v32, v62;
	v9 =	vld.idx.msk [tilespmem:v9+s15+$0x0], $0xffff;
	v39 =	vadd.f32 v39, v42;
	v62 =	vmul.f32 v4, v60  }
0x35e: {  	v56 =	vld [tilespmem:s7+$0x8000];
	s13 =	rddreg [dreg:$0xb];
	v3 =	vmovc v31;
	v31 =	vmul.f32 v50, v29;
	v61 =	vmul.f32 v44, v30;
	v35 =	vadd.f32 v49, v35  }
0x35f: {  	v34 =	vsub.f32 v34, v63;
	v63 =	vtrunc.f32 v40;
	v50 =	vld [tilespmem:s13+$0x8000];
	[tilespmem:s0+$0x10080] =	vst v39;
	v44 =	vmul.f32 v5, v62  }
0x360: {  	s16 =	simm.s32 $0x3C00;
	v31 =	vadd.f32 v31, v47;
	v5 =	vmov v54;
	v54 =	vadd.f32 v61, v48;
	v48 =	vld.idx.msk [tilespmem:v36+s5+$0x0], $0xffff;
	[tilespmem:s4+$0x10100] =	vst v35  }
0x361: {  	s1 =	simm.s32 $0x2C00;
	v49 =	vtrunc.f32 v41;
	v58 =	vmul.f32 v6, v44;
	v57 =	vld.idx.msk [tilespmem:v53+s16+$0x0], $0xffff  }
0x362: {  	[tilespmem:s2+$0x10080] =	vst v31;
	v31 =	vcvt.f32.s32 v49;
	v59 =	vcvt.s32.f32 v53;
	v6 =	vld.idx.msk [tilespmem:v52+s1+$0x0], $0xffff  }
0x363: {  	[dreg:$0x15] =	wrdreg s11;
	v55 =	vcvt.s32.f32 v37;
	v9 =	vadd.f32 v12, v9;
	v8 =	vmul.f32 v8, v58;
	v60 =	vld.idx.msk [tilespmem:v53+s15+$0x0], $0xffff  }
0x364: {  	[dreg:$0x9] =	wrdreg s7;
	s7 =	simm.s32 $0xC00;
	v62 =	vcvt.s32.f32 v52;
	v12 =	vcvt.s32.f32 v31;
	v42 =	vsub.f32 v43, v59;
	v43 =	vld.idx.msk [tilespmem:v33+s5+$0x0], $0xffff  }
0x365: {  	s11 =	rddreg [dreg:$0x8];
	v38 =	vsub.f32 v38, v55;
	v55 =	vtrunc.f32 v45;
	[tilespmem:s31+$0x10080] =	vst v54;
	v52 =	vld.idx.msk [tilespmem:v52+s7+$0x0], $0xffff;
	v8 =	vmul.f32 v15, v8  }
0x366: {  	[tilespmem:s11+$0x10000] =	vst v9;
	v9 =	vsub.f32 v41, v12;
	v12 =	vsub.f32 v51, v62;
	v53 =	vmul.f32 v42, v57  }
0x367: {  	s30 =	rddreg [dreg:$0x19];
	v4 =	vmov v46;
	v46 =	vcvt.f32.s32 v63;
	s11 =	smov.u32 s13;
	v15 =	vld.idx.msk [tilespmem:v37+s5+$0x0], $0xffff;
	v8 =	vmul.f32 v28, v8  }
0x368: {  	s6 =	sadd.s32 $0x2, s6;
	v35 =	vcvt.f32.s32 v55;
	[dreg:$0x8] =	wrdreg s11;
	s11 =	smov.u32 s30;
	[tilespmem:s10+$0x10] =	vst v18;
	v18 =	vld.idx.msk [tilespmem:v33+s19+$0x0], $0xffff;
	v12 =	vmul.f32 v12, v6;
	v55 =	vadd.f32 v53, v60  }
0x369: {  	v61 =	vcvt.s32.f32 v46;
	v36 =	vld.idx.msk [tilespmem:v36+s19+$0x0], $0xffff;
	[dreg:$0xb] =	wrdreg s11;
	s11 =	smov.u32 s9;
	s9 =	sand.u32 $0x3, s6;
	v8 =	vmul.f32 v57, v8  }
0x36a: {  	v63 =	vcvt.s32.f32 v35;
	s10 =	smov.u32 s3;
	s5 =	sshll.u32 s9, $0x5;
	s3 =	sadd.s32 $0x40, s3;
	v28 =	vtrunc.f32 v19;
	v12 =	vadd.f32 v12, v52;
	[tilespmem:s17+$0x10000] =	vst v55  }
0x36b: {  	v37 =	vld.idx.msk [tilespmem:v37+s19+$0x0], $0xffff;
	s5 =	sadd.s32 s14, s5;
	v28 =	vcvt.f32.s32 v28;
	v57 =	vmul.f32 v34, v43;
	[tilespmem:s3+$0x0] =	vst v8  }
0x36c: {  	v58 =	vcvt.s32.f32 v22;
	v32 =	vmul.f32 v32, v48;
	s17 =	sadd.s32 $0x20, s5;
	[tilespmem:s4+$0x10180] =	vst v12;
	v12 =	vsub.f32 v16, v20  }
0x36d: {  	v18 =	vadd.f32 v57, v18;
	v8 =	vmul.f32 v38, v15;
	s4 =	sor.u32 $0x200, s17;
	v16 =	vcvt.s32.f32 v28  }
0x36e: {  	s5 =	simm.s32 $0x3400;
	v20 =	vmul.f32 $1.000000010e+24, v25;
	v25 =	vadd.f32 v32, v36;
	v59 =	vld [tilespmem:s4+$0x8000];
	v60 =	vmul.f32 v12, v21  }
0x36f: {  	s9 =	simm.s32 $0x1400;
	v12 =	vld.idx.msk [tilespmem:v22+s5+$0x0], $0xffff;
	v16 =	vsub.f32 v19, v16;
	v19 =	vmul.f32 $1.000000010e+24, v23;
	v23 =	vmul.f32 $1.000000010e+24, v24  }
0x370: {  	v8 =	vadd.f32 v8, v37;
	[tilespmem:s0+$0x10100] =	vst v25;
	v22 =	vld.idx.msk [tilespmem:v22+s9+$0x0], $0xffff;
	v25 =	vmul.f32 $1.000000000e+03, v56;
	v20 =	vmul.f32 v26, v20  }
0x371: {  	[tilespmem:s2+$0x10100] =	vst v18;
	v24 =	vld.idx.msk [tilespmem:v46+s1+$0x0], $0xffff;
	v18 =	vadd.f32 v60, v27;
	v27 =	vmul.f32 $1.000000000e+03, v50;
	v19 =	vmul.f32 v29, v19  }
0x372: {  	v26 =	vld.idx.msk [tilespmem:v31+s1+$0x0], $0xffff;
	[tilespmem:s31+$0x10100] =	vst v8;
	v8 =	vmul.f32 v30, v23;
	v30 =	vtrunc.f32 v25  }
0x373: {  	v40 =	vsub.f32 v40, v61;
	v31 =	vld.idx.msk [tilespmem:v31+s7+$0x0], $0xffff;
	v20 =	vmul.f32 v48, v20;
	v30 =	vcvt.f32.s32 v30  }
0x374: {  	v17 =	vsub.f32 v17, v58;
	v23 =	vld.idx.msk [tilespmem:v35+s1+$0x0], $0xffff;
	v29 =	vmul.f32 $1.000000000e+03, v59;
	[tilespmem:s23+$0x10000] =	vst v18;
	v61 =	vtrunc.f32 v27  }
0x375: {  	s1 =	rddreg [dreg:$0x1b];
	v19 =	vmul.f32 v43, v19;
	v15 =	vmul.f32 v15, v8;
	v18 =	vld.idx.msk [tilespmem:v46+s7+$0x0], $0xffff  }
0x376: {  	v54 =	vsub.f32 v45, v63;
	v63 =	vld.idx.msk [tilespmem:v35+s7+$0x0], $0xffff;
	s23 =	smov.u32 s1;
	s1 =	rddreg [dreg:$0x11];
	v17 =	vmul.f32 v17, v12;
	v62 =	vtrunc.f32 v29  }
0x377: {  	v45 =	vld [tilespmem:s1+$0x8000];
	v43 =	vmul.f32 v9, v26;
	v33 =	vcvt.f32.s32 v62  }
0x378: {  	s19 =	sld [smem:$0x7EE];
	v46 =	vcvt.f32.s32 v13;
	v42 =	vmul.f32 v40, v24;
	v17 =	vadd.f32 v17, v22  }
0x379: {  	v24 =	vmul.f32 v24, v20;
	v22 =	vld.idx.msk [tilespmem:v28+s5+$0x0], $0xffff;
	v44 =	vmul.f32 v54, v23;
	v20 =	vadd.f32 v43, v31  }
0x37a: {  	v28 =	vld.idx.msk [tilespmem:v28+s9+$0x0], $0xffff;
	v13 =	vmul.f32 v23, v15;
	v15 =	vcvt.s32.f32 v46;
	[tilespmem:s22+$0x10000] =	vst v17;
	v8 =	vadd.f32 v42, v18  }
0x37b: {  	v9 =	vcvt.f32.s32 v61;
	v17 =	vmul.f32 v26, v19;
	v19 =	vadd.f32 v44, v63;
	v18 =	vld [tilespmem:s19+$0x8000];
	[tilespmem:s2+$0x10180] =	vst v20  }
0x37c: {  	v26 =	vcvt.s32.f32 v33;
	v15 =	vsub.f32 v14, v15;
	v47 =	vmul.f32 $1.000000000e+03, v45;
	v14 =	vld [tilespmem:s26+$0x8000];
	[tilespmem:s0+$0x10180] =	vst v8;
	s0 =	simm.s32 $0x3000  }
0x37d: {  	v20 =	vcvt.s32.f32 v30;
	v8 =	vld.idx.msk [tilespmem:v33+s0+$0x0], $0xffff  }
0x37e: {  	[tilespmem:s31+$0x10180] =	vst v19;
	v19 =	vcvt.s32.f32 v9;
	v26 =	vsub.f32 v29, v26;
	v29 =	vtrunc.f32 v47;
	v23 =	vld [tilespmem:s25+$0x8000]  }
0x37f: {  	s13 =	smov.u32 s18;
	s18 =	smov.u32 s12;
	s12 =	simm.s32 $0x1000;
	v52 =	vld.idx.msk [tilespmem:v30+s15+$0x0], $0xffff;
	v16 =	vmul.f32 v16, v22;
	v48 =	vsub.f32 v25, v20;
	v25 =	vcvt.f32.s32 v29  }
0x380: {  	v59 =	vmul.f32 v21, v7;
	v31 =	vld.idx.msk [tilespmem:v33+s12+$0x0], $0xffff;
	v18 =	vmul.f32 $1.000000000e+03, v18  }
0x381: {  	v49 =	vsub.f32 v27, v19;
	v16 =	vadd.f32 v16, v28;
	v28 =	vld [tilespmem:s21+$0x8000];
	v27 =	vcvt.s32.f32 v25  }
0x382: {  	v20 =	vld.idx.msk [tilespmem:v46+s16+$0x0], $0xffff;
	v14 =	vmul.f32 $1.000000000e+03, v14;
	v29 =	vtrunc.f32 v18  }
0x383: {  	v19 =	vld.idx.msk [tilespmem:v30+s16+$0x0], $0xffff;
	[tilespmem:s24+$0x10000] =	vst v16;
	v23 =	vmul.f32 $1.000000000e+03, v23;
	v16 =	vmul.f32 v26, v8  }
0x384: {  	v32 =	vsub.f32 v47, v27;
	v26 =	vld [tilespmem:s18+$0x8000];
	v50 =	vcvt.f32.s32 v29;
	v27 =	vtrunc.f32 v14  }
0x385: {  	s9 =	rddreg [dreg:$0x18];
	v51 =	vld.idx.msk [tilespmem:v46+s15+$0x0], $0xffff;
	s15 =	simm.s32 $0x3800;
	v27 =	vcvt.f32.s32 v27;
	v29 =	vtrunc.f32 v23;
	v31 =	vadd.f32 v16, v31  }
0x386: {  	s5 =	simm.s32 $0x1800;
	s22 =	smov.u32 s9;
	s9 =	rddreg [dreg:$0x15];
	v28 =	vmul.f32 $1.000000000e+03, v28;
	v55 =	vld.idx.msk [tilespmem:v25+s15+$0x0], $0xffff;
	v29 =	vcvt.f32.s32 v29  }
0x387: {  	v21 =	vmul.f32 v12, v10;
	s24 =	smov.u32 s9;
	s9 =	sor.u32 $0x280, s17;
	v12 =	vmul.f32 v15, v20;
	v60 =	vld.idx.msk [tilespmem:v25+s5+$0x0], $0xffff;
	[tilespmem:s4+$0x10000] =	vst v31  }
0x388: {  	v53 =	vtrunc.f32 v28;
	v31 =	vcvt.s32.f32 v50;
	v30 =	vld [tilespmem:s9+$0x8000]  }
0x389: {  	v16 =	vld.idx.msk [tilespmem:v9+s16+$0x0], $0xffff;
	v56 =	vcvt.s32.f32 v27;
	v57 =	vmul.f32 $1.000000000e+03, v26  }
0x38a: {  	v38 =	vcvt.f32.s32 v53;
	v54 =	vcvt.s32.f32 v29;
	v31 =	vsub.f32 v18, v31;
	v18 =	vld.idx.msk [tilespmem:v50+s15+$0x0], $0xffff  }
0x38b: {  	v41 =	vsub.f32 v14, v56;
	v14 =	vmul.f32 v22, v11;
	v10 =	vtrunc.f32 v57;
	v25 =	vld.idx.msk [tilespmem:v27+s12+$0x0], $0xffff  }
0x38c: {  	v58 =	vcvt.s32.f32 v38;
	v62 =	vcvt.f32.s32 v10;
	v7 =	vld.idx.msk [tilespmem:v29+s0+$0x0], $0xffff  }
0x38d: {  	s28 =	sadd.s32 $0x4, s28;
	v32 =	vmul.f32 v32, v55;
	v10 =	vld.idx.msk [tilespmem:v27+s0+$0x0], $0xffff;
	v26 =	vmul.f32 $1.000000000e+03, v30  }
0x38e: {  	p2 =	slt.u32 s28, $0x7C;
	v23 =	vsub.f32 v23, v54;
	v28 =	vsub.f32 v28, v58;
	v61 =	vld.idx.msk [tilespmem:v29+s12+$0x0], $0xffff;
	v22 =	vcvt.s32.f32 v62  }
.Ltmp1:
0x38f: {  	v63 =	vadd.f32 v32, v60;
	v32 =	vld.idx.msk [tilespmem:v50+s5+$0x0], $0xffff;
	v30 =	vmul.f32 v31, v18;
	v15 =	vtrunc.f32 v26;
	(pc) =	sbr.rel @p2 .LBB2_5-.Ltmp1, $4  }
0x390: {  	s30 =	rddreg [dreg:$0xe];
	v11 =	vld.idx.msk [tilespmem:v38+s0+$0x0], $0xffff;
	v29 =	vsub.f32 v57, v22;
	v22 =	vmul.f32 v55, v59;
	v27 =	vcvt.f32.s32 v15  }
0x391: {  	s7 =	rddreg [dreg:$0x1d];
	s31 =	simm.s32 $0x3800;
	v33 =	vld.idx.msk [tilespmem:v38+s12+$0x0], $0xffff;
	v15 =	vadd.f32 v12, v51;
	v12 =	vmul.f32 v48, v19;
	v31 =	vmul.f32 v23, v7  }
0x392: {  	s29 =	sadd.s32 $0x4, s29;
	s15 =	simm.s32 $0x1800;
	[tilespmem:s1+$0x10000] =	vst v63;
	v35 =	vmul.f32 v41, v10;
	v7 =	vmul.f32 v7, v24;
	v23 =	vld.idx.msk [tilespmem:v62+s31+$0x0], $0xffff;
	s31 =	rddreg [dreg:$0x10]  }
0x393: {  	p0 =	por !p0, !p0;
	s16 =	rddreg [dreg:$0x16];
	v24 =	vadd.f32 v12, v52;
	v12 =	vmul.f32 v49, v16;
	v34 =	vadd.f32 v31, v61;
	v31 =	vld.idx.msk [tilespmem:v62+s15+$0x0], $0xffff;
	s15 =	smov.u32 s31  }
0x394: {  	v25 =	vadd.f32 v35, v25  }
0x395: {  	[tilespmem:s25+$0x10000] =	vst v34  }
0x396: {  	[tilespmem:s26+$0x10000] =	vst v25;
	v34 =	vld [tilespmem:s23+$0x8000]  }
0x397: {  	s1 =	simm.s32 $0x3400;
	v49 =	vld [tilespmem:s22+$0x8000]  }
0x398: {  	v28 =	vmul.f32 v28, v11;
	v25 =	vld.idx.msk [tilespmem:v27+s1+$0x0], $0xffff  }
0x399: {  	v36 =	vcvt.s32.f32 v27;
	s2 =	simm.s32 $0x1400  }
0x39a: {  	v50 =	vld.idx.msk [tilespmem:v27+s2+$0x0], $0xffff;
	v28 =	vadd.f32 v28, v33  }
0x39b: {  	v26 =	vsub.f32 v26, v36;
	v51 =	vmul.f32 $1.000000000e+03, v34  }
0x39c: {  	[tilespmem:s21+$0x10000] =	vst v28;
	v52 =	vmul.f32 $1.000000000e+03, v49  }
0x39d: {  	v54 =	vld [tilespmem:s24+$0x8000];
	v26 =	vmul.f32 v26, v25;
	v53 =	vtrunc.f32 v51  }
0x39e: {  	v28 =	vcvt.f32.s32 v53;
	v55 =	vtrunc.f32 v52  }
0x39f: {  	v26 =	vadd.f32 v26, v50;
	v36 =	vcvt.f32.s32 v55;
	_ =	sdelay $0x1  }
0x3a0: {  	s0 =	sor.u32 $0x300, s17;
	[tilespmem:s9+$0x10000] =	vst v26  }
0x3a1: {  	v35 =	vmul.f32 $1.000000000e+03, v54;
	v37 =	vld [tilespmem:s0+$0x8000];
	_ =	sdelay $0x1  }
0x3a2: {  	v38 =	vtrunc.f32 v35;
	v27 =	vld.idx.msk [tilespmem:v28+s1+$0x0], $0xffff  }
0x3a3: {  	v39 =	vcvt.s32.f32 v28;
	v38 =	vcvt.f32.s32 v38;
	v26 =	vld.idx.msk [tilespmem:v36+s1+$0x0], $0xffff  }
0x3a4: {  	v40 =	vcvt.s32.f32 v36;
	v28 =	vld.idx.msk [tilespmem:v28+s2+$0x0], $0xffff  }
0x3a5: {  	v33 =	vsub.f32 v51, v39;
	v37 =	vmul.f32 $1.000000000e+03, v37;
	v36 =	vld.idx.msk [tilespmem:v36+s2+$0x0], $0xffff  }
0x3a6: {  	v34 =	vsub.f32 v52, v40  }
0x3a7: {  	v56 =	vtrunc.f32 v37;
	v33 =	vmul.f32 v33, v27  }
0x3a8: {  	v39 =	vcvt.f32.s32 v56;
	v34 =	vmul.f32 v34, v26  }
0x3a9: {  	v33 =	vadd.f32 v33, v28;
	v28 =	vld.idx.msk [tilespmem:v38+s1+$0x0], $0xffff  }
0x3aa: {  	v57 =	vcvt.s32.f32 v38;
	v34 =	vadd.f32 v34, v36  }
0x3ab: {  	v58 =	vld.idx.msk [tilespmem:v38+s2+$0x0], $0xffff;
	[tilespmem:s23+$0x10000] =	vst v33  }
0x3ac: {  	v35 =	vsub.f32 v35, v57;
	[tilespmem:s22+$0x10000] =	vst v34;
	v59 =	vld [tilespmem:s15+$0x8000]  }
0x3ad: {  	s8 =	simm.s32 $0x3800;
	v60 =	vld [tilespmem:s30+$0x8000]  }
0x3ae: {  	v33 =	vld.idx.msk [tilespmem:v39+s8+$0x0], $0xffff;
	v35 =	vmul.f32 v35, v28  }
0x3af: {  	v61 =	vcvt.s32.f32 v39  }
0x3b0: {  	s9 =	simm.s32 $0x1800;
	v35 =	vadd.f32 v35, v58  }
0x3b1: {  	v37 =	vsub.f32 v37, v61;
	v39 =	vld.idx.msk [tilespmem:v39+s9+$0x0], $0xffff;
	v34 =	vmul.f32 $1.000000000e+03, v59  }
0x3b2: {  	v62 =	vmul.f32 $1.000000000e+03, v60;
	[tilespmem:s24+$0x10000] =	vst v35  }
0x3b3: {  	v63 =	vmul.f32 v37, v33;
	v44 =	vtrunc.f32 v34;
	s4 =	rddreg [dreg:$0xd]  }
0x3b4: {  	v37 =	vcvt.f32.s32 v44;
	v38 =	vtrunc.f32 v62;
	v45 =	vld [tilespmem:s4+$0x8000]  }
0x3b5: {  	v30 =	vadd.f32 v30, v32;
	v38 =	vcvt.f32.s32 v38  }
0x3b6: {  	v35 =	vadd.f32 v63, v39  }
0x3b7: {  	v46 =	vld [tilespmem:s20+$0x8000];
	[tilespmem:s19+$0x10000] =	vst v30  }
0x3b8: {  	s14 =	sor.u32 $0x380, s17;
	v52 =	vld [tilespmem:s13+$0x8000];
	[tilespmem:s0+$0x10000] =	vst v35  }
0x3b9: {  	v47 =	vld [tilespmem:s14+$0x8000];
	v40 =	vmul.f32 $1.000000000e+03, v45  }
0x3ba: {  	v3 =	vmul.f32 $1.000000010e+24, v3;
	v29 =	vmul.f32 v29, v23;
	v41 =	vld.idx.msk [tilespmem:v37+s8+$0x0], $0xffff  }
0x3bb: {  	v48 =	vcvt.s32.f32 v37;
	v42 =	vld.idx.msk [tilespmem:v38+s8+$0x0], $0xffff;
	v43 =	vtrunc.f32 v40  }
0x3bc: {  	v49 =	vcvt.s32.f32 v38;
	v37 =	vld.idx.msk [tilespmem:v37+s9+$0x0], $0xffff;
	v43 =	vcvt.f32.s32 v43  }
0x3bd: {  	v10 =	vmul.f32 v10, v17;
	v2 =	vmul.f32 v20, v2;
	v29 =	vadd.f32 v29, v31;
	v51 =	vld.idx.msk [tilespmem:v38+s9+$0x0], $0xffff  }
0x3be: {  	v3 =	vmul.f32 v4, v3;
	v50 =	vsub.f32 v34, v48;
	v31 =	vsub.f32 v62, v49  }
0x3bf: {  	[tilespmem:s18+$0x10000] =	vst v29;
	v34 =	vmul.f32 $1.000000000e+03, v46;
	v29 =	vmul.f32 $1.000000000e+03, v52  }
0x3c0: {  	s5 =	rddreg [dreg:$0xb];
	v30 =	vmul.f32 v50, v41;
	v31 =	vmul.f32 v31, v42  }
0x3c1: {  	v53 =	vld [tilespmem:s5+$0x8000];
	v54 =	vmul.f32 $1.000000000e+03, v47;
	v63 =	vtrunc.f32 v29  }
0x3c2: {  	v39 =	vcvt.f32.s32 v63;
	v55 =	vadd.f32 v30, v37;
	v37 =	vld.idx.msk [tilespmem:v43+s8+$0x0], $0xffff;
	v31 =	vadd.f32 v31, v51  }
0x3c3: {  	v57 =	vtrunc.f32 v54;
	v59 =	vcvt.s32.f32 v43  }
0x3c4: {  	v3 =	vmul.f32 v5, v3;
	v58 =	vcvt.f32.s32 v57;
	v60 =	vld.idx.msk [tilespmem:v43+s9+$0x0], $0xffff;
	[tilespmem:s30+$0x10000] =	vst v31  }
0x3c5: {  	v1 =	vmul.f32 v19, v1;
	v56 =	vtrunc.f32 v34;
	v30 =	vsub.f32 v40, v59;
	[tilespmem:s15+$0x10000] =	vst v55;
	v62 =	vld [tilespmem:s16+$0x8000]  }
0x3c6: {  	v3 =	vmul.f32 v6, v3;
	v20 =	vcvt.f32.s32 v56;
	v61 =	vld [tilespmem:s7+$0x8000]  }
0x3c7: {  	s17 =	simm.s32 $0x1C00;
	v31 =	vmul.f32 $1.000000000e+03, v53;
	v30 =	vmul.f32 v30, v37  }
0x3c8: {  	v0 =	vmul.f32 v16, v0;
	v3 =	vmul.f32 v8, v3;
	s18 =	simm.s32 $0x3C00;
	v45 =	vld.idx.msk [tilespmem:v9+s17+$0x0], $0xffff  }
0x3c9: {  	v52 =	vcvt.s32.f32 v20;
	v6 =	vld.idx.msk [tilespmem:v39+s18+$0x0], $0xffff;
	v44 =	vtrunc.f32 v31;
	v30 =	vadd.f32 v30, v60  }
0x3ca: {  	v19 =	vld.idx.msk [tilespmem:v58+s18+$0x0], $0xffff;
	v46 =	vcvt.f32.s32 v44;
	v32 =	vmul.f32 $1.000000000e+03, v62  }
0x3cb: {  	v17 =	vcvt.s32.f32 v58;
	v47 =	vld.idx.msk [tilespmem:v58+s17+$0x0], $0xffff;
	v35 =	vmul.f32 $1.000000000e+03, v61;
	[tilespmem:s4+$0x10000] =	vst v30  }
0x3cc: {  	v53 =	vcvt.s32.f32 v39;
	v49 =	vld [tilespmem:s11+$0x8000];
	v50 =	vtrunc.f32 v32  }
0x3cd: {  	v17 =	vsub.f32 v54, v17;
	v54 =	vld.idx.msk [tilespmem:v20+s17+$0x0], $0xffff;
	v48 =	vtrunc.f32 v35;
	s4 =	rddreg [dreg:$0x6];
	v51 =	vcvt.f32.s32 v50  }
0x3ce: {  	v7 =	vmul.f32 v27, v7;
	v55 =	vsub.f32 v34, v52;
	v30 =	vld.idx.msk [tilespmem:v20+s18+$0x0], $0xffff;
	v38 =	vcvt.f32.s32 v48;
	[tilespmem:s4+$0x10000] =	vst v15  }
0x3cf: {  	v52 =	vmul.f32 v18, v21;
	v58 =	vld.idx.msk [tilespmem:v39+s17+$0x0], $0xffff;
	v57 =	vsub.f32 v29, v53;
	v56 =	vmul.f32 v17, v19;
	s4 =	rddreg [dreg:$0x9]  }
0x3d0: {  	v4 =	vadd.f32 v12, v45;
	v53 =	vmul.f32 v23, v14;
	v59 =	vcvt.s32.f32 v46;
	v43 =	vld.idx.msk [tilespmem:v46+s18+$0x0], $0xffff;
	[tilespmem:s4+$0x10000] =	vst v24  }
0x3d1: {  	v62 =	vmul.f32 v57, v6;
	v44 =	vadd.f32 v56, v47;
	s4 =	rddreg [dreg:$0x8];
	[tilespmem:s10+$0xFFFFFFE0] =	vst v2;
	v60 =	vmul.f32 $1.000000000e+03, v49  }
0x3d2: {  	v57 =	vmul.f32 v26, v10;
	v48 =	vmul.f32 v25, v3;
	v9 =	vld.idx.msk [tilespmem:v46+s17+$0x0], $0xffff;
	[tilespmem:s10+$0xFFFFFFF0] =	vst v1  }
0x3d3: {  	v34 =	vsub.f32 v31, v59;
	v61 =	vmul.f32 v55, v30;
	[tilespmem:s14+$0x10000] =	vst v44;
	v36 =	vtrunc.f32 v60;
	v40 =	vld.idx.msk [tilespmem:v51+s18+$0x0], $0xffff  }
0x3d4: {  	v45 =	vcvt.s32.f32 v51;
	[tilespmem:s4+$0x10000] =	vst v4;
	v49 =	vadd.f32 v62, v58;
	v63 =	vld.idx.msk [tilespmem:v38+s18+$0x0], $0xffff;
	v4 =	vcvt.f32.s32 v36  }
0x3d5: {  	v39 =	vcvt.s32.f32 v38;
	[tilespmem:s10+$0x10] =	vst v0;
	v2 =	vadd.f32 v61, v54;
	v1 =	vmul.f32 v34, v43;
	v15 =	vld.idx.msk [tilespmem:v51+s17+$0x0], $0xffff  }
0x3d6: {  	v55 =	vmul.f32 v30, v22;
	v5 =	vsub.f32 v32, v45;
	v0 =	vmul.f32 v33, v48;
	[tilespmem:s13+$0x10000] =	vst v49  }
0x3d7: {  	v50 =	vmul.f32 v11, v13;
	v46 =	vld.idx.msk [tilespmem:v38+s17+$0x0], $0xffff;
	[tilespmem:s20+$0x10000] =	vst v2;
	v1 =	vadd.f32 v1, v9  }
0x3d8: {  	v47 =	vsub.f32 v35, v39;
	v0 =	vmul.f32 v19, v0;
	[tilespmem:s3+$0xFFFFFFE0] =	vst v55;
	v51 =	vmul.f32 v5, v40  }
0x3d9: {  	s19 =	sadd.s32 $0x40, s3;
	v58 =	vmul.f32 v41, v7;
	[tilespmem:s5+$0x10000] =	vst v1;
	v1 =	vmul.f32 v6, v52  }
0x3da: {  	[tilespmem:s19+$0x0] =	vst v0;
	v8 =	vmul.f32 v47, v63;
	v54 =	vld.idx.msk [tilespmem:v4+s18+$0x0], $0xffff;
	v3 =	vadd.f32 v51, v15  }
0x3db: {  	v56 =	vcvt.s32.f32 v4;
	v5 =	vmul.f32 v43, v53;
	[tilespmem:s3+$0xFFFFFFF0] =	vst v1  }
0x3dc: {  	v8 =	vadd.f32 v8, v46;
	v4 =	vld.idx.msk [tilespmem:v4+s17+$0x0], $0xffff;
	[tilespmem:s16+$0x10000] =	vst v3;
	v3 =	vmul.f32 v42, v57  }
0x3dd: {  	v61 =	vmul.f32 v63, v58;
	v59 =	vsub.f32 v60, v56;
	[tilespmem:s3+$0x10] =	vst v5  }
0x3de: {  	v2 =	vmul.f32 v28, v50;
	[tilespmem:s7+$0x10000] =	vst v8;
	v63 =	vmul.f32 v40, v3  }
0x3df: {  	s26 =	rddreg [dreg:$0x3];
	[tilespmem:s19+$0xFFFFFFE0] =	vst v61;
	v60 =	vmul.f32 v59, v54  }
0x3e0: {  	s22 =	rddreg [dreg:$0x2];
	v62 =	vmul.f32 v37, v2;
	[tilespmem:s19+$0xFFFFFFF0] =	vst v63  }
0x3e1: {  	v1 =	vadd.f32 v60, v4;
	s1 =	sld [smem:$0x7FC]  }
0x3e2: {  	s28 =	simm.s32 $0x1400;
	s29 =	simm.s32 $0x3400;
	v0 =	vmul.f32 v54, v62;
	s2 =	sld [smem:$0x7F4]  }
0x3e3: {  	s23 =	simm.s32 $0x10000;
	s24 =	simm.s32 $0x0;
	s0 =	rddreg [dreg:$0x0];
	[tilespmem:s11+$0x10000] =	vst v1  }
0x3e4: {  	s9 =	simm.s32 $0x3000;
	s15 =	simm.s32 $0x3C00;
	s30 =	simm.s32 $0x14800;
	[tilespmem:s19+$0x10] =	vst v0  }
0x3e5: {  	s14 =	simm.s32 $0x1800;
	s1 =	sadd.s32 @!p1 s2, s1;
	s20 =	sld [smem:$0x7F1]  }
0x3e6: {  	s17 =	simm.s32 $0x3800;
	s1 =	sshll.u32 @!p1 s1, $0x7;
	s31 =	sld [smem:$0x7F3]  }
0x3e7: {  	s2 =	simm.s32 @!p1 $0x8000;
	s0 =	sadd.s32 @!p1 s0, s1;
	s1 =	simm.s32 @!p1 $0x0  }
0x3e8: {  	[tilespmem:s2], [sflag:$0x2] =	stream.linear.gather @!p1 [hbm4b:s0+s1], $0x4000, $0x38;
	[tilespmem:$0x15000] =	vst v63  }
0x3e9: {  	s7 =	simm.s32 $0x0;
	s21 =	sshll.u32 s20, $0x7;
	s1 =	sadd.s32 $0x1, s31  }
0x3ea: {  	s25 =	sshll.u32 s20, $0x4;
	s20 =	simm.s32 $0x2000;
	p0 =	sne.s32 s1, $0x8  }
.Ltmp2:
0x3eb: {  	s0 =	sadd.s32 s22, s21;
	s21 =	simm.s32 $0x400;
	(pc) =	sbr.rel @p0 .LBB2_2-.Ltmp2, $4  }
0x3ec: {  	[hbm4b:s0+s24] =	stream.linear.scatter [tilespmem:s23], [sflag:$0x4], $0x4000, $0x38;
	[tilespmem:$0x15000] =	vst v63  }
0x3ed: {  	s22 =	simm.s32 $0x2400;
	s0 =	sadd.s32 s26, s25;
	s23 =	simm.s32 $0x800  }
0x3ee: {  	[hbm4b:s0+s24] =	stream.linear.scatter [tilespmem:s30], [sflag:$0x4], $0x800, $0x38;
	[tilespmem:$0x15000] =	vst v63  }
0x3ef: {  	s25 =	simm.s32 $0xC00;
	s26 =	simm.s32 $0x2C00;
	s24 =	simm.s32 $0x2800  }
0x3f0: {  	s0 =	simm.s32 $0x3  }
0x3f1: {  	_ =	swait.ge [sflag:s0], $0x4000  }
0x3f2: {  	[sflag:s0] =	ssyncset.done $0x0  }
0x3f3: {  	[sflag:s0] =	ssyncadd.s32 $0xFFFFC000  }
0x3f4: {  	_ =	swait.ge [sflag:s0], $0x800  }
0x3f5: {  	[sflag:s0] =	ssyncset.done $0x0  }
0x3f6: {  	s1 =	simm.s32 $0x4;
	[sflag:s0] =	ssyncadd.s32 $0xFFFFF800  }
0x3f7: {  	_ =	swait.ge [sflag:s1], $0x4000  }
0x3f8: {  	[sflag:s1] =	ssyncset.done $0x0  }
0x3f9: {  	[sflag:s1] =	ssyncadd.s32 $0xFFFFC000  }
0x3fa: {  	_ =	swait.ge [sflag:s1], $0x800  }
0x3fb: {  	s2 =	sld [smem:$0x7F6]  }
0x3fc: {  	s31 =	sld [smem:$0x7FD];
	_ =	sdelay $0x1  }
0x3fd: {  	s2 =	sadd.s32 $0x1, s2  }
0x3fe: {  	p0 =	sne.s32 s2, s31  }
.Ltmp3:
0x3ff: {  	_ = 	snop;
	(pc) =	sbr.rel @p0 .LBB2_1-.Ltmp3, $3  }
0x400: {  	_ =	sdelay $0x1  }
0x401: {  	[sflag:s1] =	ssyncset.done $0x0  }
0x402: {  	[sflag:s1] =	ssyncadd.s32 $0xFFFFF800  }
0x403: {  	_ =	sfence.sel $0x180000  }
0x404: {  	[bflag:$0x0] =	sbarrier.arrive $0xFFFF  }
0x405: {  	_ =	strace $0x90000047  }
0x406: {  	s0 =	stileid.u32;
	[bflag:$0x2] =	sbarrier.arrive $0xFFFF  }
0x407: {  	p0 =	sne.s32 s0, $0x0;
	s0 =	rddreg [dreg:$0x4]  }
0x408: {  	s0 =	sadd.s32 @!p0 $0x100000, s0  }
0x409: {  	[sflag:s0] =	ssyncadd.tile.s32 @!p0 $0x1;
	_ =	shalt  }
.Lfunc_end2:
_tile_overlayer_lowered:
.L_overlay_start_2:
0x40a: {  	(tag) =	ssettag $0x2  }
0x40b: {  	s0 =	rddreg [dreg:$0x0];
	s2 =	stileid.u32  }
0x40c: {  	s1 =	rddreg [dreg:$0x1];
	p0 =	sne.s32 s2, $0x0  }
0x40d: {  	s3 =	rddreg [dreg:$0x2];
	[bflag:$0x3] =	sbarrier.arrive $0xFFFF;
	s2 =	simm.s32 @!p0 $0x1C05  }
0x40e: {  	[timem:s3], [sflag:s2] =	dma.local @!p0 [hbm:s0], s1  }
0x40f: {  	s0 =	simm.s32 @!p0 $0x5  }
0x410: {  	_ =	swait.ge @!p0 [sflag:s0], s1  }
0x411: {  	s1 =	ssub.s32 @!p0 $0x0, s1;
	[sflag:s0] =	ssyncset.done @!p0 $0x0  }
0x412: {  	[sflag:s0] =	ssyncadd.s32 @!p0 s1  }
0x413: {  	[bflag:$0x3] =	sbarrier.arrive $0xFFFF  }
0x414: {  	_ =	shalt  }

</sc_bundles>
